<compile_context>
chip_gen: v7x
topology: tpu7x:2x2x1
jax: 0.10.2.dev20260603
libtpu: 0.0.44.dev20260713+nightly
codegen_flags: <defaults>
</compile_context>

<pallas_src>
import functools

import jax
import jax.numpy as jnp
from jax import lax
from jax.experimental import pallas as pl
from jax.experimental.pallas import tpu as pltpu
from jax.experimental.pallas import tpu_sc as plsc

N = 100000
NPAD = 100352
E = 3200000
EPAD = 3276800
NW = 32
EW = EPAD // NW
BLK = 640
NBLK = EW // BLK
ROWS_PER_W = EW // 128
NGRAPH = 128
NODE_BLK = 1024
NBLK_FAST = 289
NBLK_SLOW = 31
NGRID = NPAD // NODE_BLK
TILE_ROWS = NPAD // 16


def _sc_counts(dst_flat):
    mesh = plsc.VectorSubcoreMesh(core_axis_name="c", subcore_axis_name="s")

    @functools.partial(
        pl.kernel,
        out_type=jax.ShapeDtypeStruct((NW, NPAD), jnp.float32),
        scratch_types=[
            pltpu.VMEM((BLK,), jnp.int32),
            pltpu.VMEM((NPAD,), jnp.float32),
        ],
        mesh=mesh,
        compiler_params=pltpu.CompilerParams(use_tc_tiling_on_sc=False,
                                             needs_layout_passes=False),
    )
    def k(dst_h, out_h, dstbuf, cnt):
        c = lax.axis_index("c")
        s = lax.axis_index("s")
        w = s * 2 + c

        def zero_body(j, carry):
            cnt[pl.ds(j * 16, 16)] = jnp.zeros((16,), jnp.float32)
            return carry

        lax.fori_loop(0, NPAD // 16, zero_body, 0)

        ones = jnp.ones((16,), jnp.float32)

        def block_body(b, carry):
            base = w * EW + b * BLK
            pltpu.sync_copy(dst_h.at[pl.ds(base, BLK)], dstbuf)

            def inner(k2, carry2):
                idx = dstbuf[pl.ds(k2 * 16, 16)]
                plsc.addupdate_scatter(cnt, [idx], ones)
                return carry2

            lax.fori_loop(0, BLK // 16, inner, 0)
            return carry

        lax.fori_loop(0, NBLK, block_body, 0)
        pltpu.sync_copy(cnt, out_h.at[w])

    return k(dst_flat)


def _sc_segsum32bf(src_flat, dst_flat, table, zeros32):
    mesh = plsc.VectorSubcoreMesh(core_axis_name="c", subcore_axis_name="s")

    @functools.partial(
        pl.kernel,
        out_type=jax.ShapeDtypeStruct((2, NPAD, 32), jnp.bfloat16),
        scratch_types=[
            pltpu.VMEM((2, BLK), jnp.int32),
            pltpu.VMEM((2, BLK), jnp.int32),
            pltpu.VMEM((2, BLK, 32), jnp.bfloat16),
            pltpu.VMEM_SHARED((NPAD, 32), jnp.bfloat16),
            pltpu.SemaphoreType.DMA,
            pltpu.SemaphoreType.DMA,
            pltpu.SemaphoreType.DMA,
        ],
        mesh=mesh,
        compiler_params=pltpu.CompilerParams(use_tc_tiling_on_sc=False),
    )
    def k(src_h, dst_h, tab_h, z_h, out_h, srcv, dstv, rows, shared,
          sem_i, sem_g, sem_s):
        c = lax.axis_index("c")
        s = lax.axis_index("s")

        pltpu.sync_copy(z_h.at[pl.ds(s * TILE_ROWS, TILE_ROWS)],
                        shared.at[pl.ds(s * TILE_ROWS, TILE_ROWS)])
        plsc.subcore_barrier()

        nblk = jnp.where(c == 0, NBLK_FAST, NBLK_SLOW)
        sc_base = jnp.where(c == 0, 0, NBLK_FAST * 16 * BLK)
        tile_base = sc_base + s * nblk * BLK

        def fire_idx(buf, b):
            base = tile_base + b * BLK
            pltpu.async_copy(src_h.at[pl.ds(base, BLK)], srcv.at[buf],
                             sem_i)
            pltpu.async_copy(dst_h.at[pl.ds(base, BLK)], dstv.at[buf],
                             sem_i)

        def drain_idx(buf, b):
            base = tile_base + b * BLK
            pltpu.make_async_copy(src_h.at[pl.ds(base, BLK)],
                                  srcv.at[buf], sem_i).wait()
            pltpu.make_async_copy(dst_h.at[pl.ds(base, BLK)],
                                  dstv.at[buf], sem_i).wait()

        def fire_gathers(buf):
            pltpu.async_copy(tab_h.at[srcv.at[buf]], rows.at[buf], sem_g)

        def drain_gathers(buf):
            pltpu.make_async_copy(tab_h.at[srcv.at[buf]], rows.at[buf],
                                  sem_g).wait()

        def fire_scatters(buf):
            pltpu.async_copy(rows.at[buf], shared.at[dstv.at[buf]], sem_s,
                             add=True)

        def drain_scatters(buf):
            pltpu.make_async_copy(rows.at[buf], shared.at[dstv.at[buf]],
                                  sem_s).wait()

        fire_idx(0, 0)
        drain_idx(0, 0)
        fire_gathers(0)

        def block_body(b, carry):
            cur = b % 2
            nxt = 1 - cur

            @pl.when(b > 0)
            def _():
                drain_scatters(nxt)

            @pl.when(b + 1 < nblk)
            def _():
                fire_idx(nxt, b + 1)

            drain_gathers(cur)
            fire_scatters(cur)

            @pl.when(b + 1 < nblk)
            def _():
                drain_idx(nxt, b + 1)
                fire_gathers(nxt)

            return carry

        lax.fori_loop(0, nblk, block_body, 0)
        drain_scatters(0)
        plsc.subcore_barrier()
        pltpu.sync_copy(shared.at[pl.ds(s * TILE_ROWS, TILE_ROWS)],
                        out_h.at[c, pl.ds(s * TILE_ROWS, TILE_ROWS)])

    return k(src_flat, dst_flat, table, zeros32)


def _tc_pre(x_pad, W_pre, b_pre):
    def body(x_ref, w_ref, b_ref, obf_ref, oa_ref, ob_ref):
        h = jnp.dot(x_ref[...], w_ref[...],
                    preferred_element_type=jnp.float32) + b_ref[...]
        h = jnp.maximum(h, 0.0)
        obf_ref[...] = h.astype(jnp.bfloat16)
        oa_ref[...] = h[:, :16]
        ob_ref[...] = h[:, 16:]

    return pl.pallas_call(
        body,
        grid=(NGRID,),
        in_specs=[
            pl.BlockSpec((NODE_BLK, 5), lambda i: (i, 0)),
            pl.BlockSpec((5, 32), lambda i: (0, 0)),
            pl.BlockSpec((1, 32), lambda i: (0, 0)),
        ],
        out_specs=[
            pl.BlockSpec((NODE_BLK, 32), lambda i: (i, 0)),
            pl.BlockSpec((NODE_BLK, 16), lambda i: (i, 0)),
            pl.BlockSpec((NODE_BLK, 16), lambda i: (i, 0)),
        ],
        out_shape=[
            jax.ShapeDtypeStruct((NPAD, 32), jnp.bfloat16),
            jax.ShapeDtypeStruct((NPAD, 16), jnp.float32),
            jax.ShapeDtypeStruct((NPAD, 16), jnp.float32),
        ],
    )(x_pad, W_pre, b_pre.reshape(1, 32))


def _tc_sage(parts, hchunks, cnts, Wl, bl, Wr, din, dout):
    npart = din // 32
    nc = din // 16
    nco = dout // 16
    nbo = dout // 32

    def body(*refs):
        part_refs = refs[:npart]
        h_refs = refs[npart:npart + nc]
        cnt_ref = refs[npart + nc]
        wl_ref, bl_ref, wr_ref = refs[npart + nc + 1: npart + nc + 4]
        out_refs = refs[npart + nc + 4:]

        cnt = jnp.sum(cnt_ref[...], axis=0)
        invc = 1.0 / jnp.clip(cnt, 1.0, None)
        wl = wl_ref[...]
        wr = wr_ref[...]
        acc = jnp.zeros((NODE_BLK, dout), jnp.float32)
        hacc = jnp.zeros((NODE_BLK, dout), jnp.float32)
        for q in range(npart):
            psum = (part_refs[q][0].astype(jnp.float32)
                    + part_refs[q][1].astype(jnp.float32))
            acc = acc + jnp.dot(psum, wl[q * 32:(q + 1) * 32, :],
                                preferred_element_type=jnp.float32)
        for q in range(nc):
            hacc = hacc + jnp.dot(h_refs[q][...], wr[q * 16:(q + 1) * 16, :],
                                  preferred_element_type=jnp.float32)
        lin = acc * invc[:, None] + bl_ref[...] + hacc
        norm = jnp.sqrt(jnp.sum(lin * lin, axis=-1, keepdims=True))
        out = lin / jnp.maximum(norm, 1e-12)
        out = jnp.maximum(out, 0.0)
        for q in range(nbo):
            out_refs[q][...] = out[:, q * 32:(q + 1) * 32].astype(jnp.bfloat16)
        for q in range(nco):
            out_refs[nbo + q][...] = out[:, q * 16:(q + 1) * 16]

    in_specs = (
        [pl.BlockSpec((2, NODE_BLK, 32), lambda i: (0, i, 0))] * npart
        + [pl.BlockSpec((NODE_BLK, 16), lambda i: (i, 0))] * nc
        + [pl.BlockSpec((NW, NODE_BLK), lambda i: (0, i)),
           pl.BlockSpec((din, dout), lambda i: (0, 0)),
           pl.BlockSpec((1, dout), lambda i: (0, 0)),
           pl.BlockSpec((din, dout), lambda i: (0, 0))]
    )
    return pl.pallas_call(
        body,
        grid=(NGRID,),
        in_specs=in_specs,
        out_specs=([pl.BlockSpec((NODE_BLK, 32), lambda i: (i, 0))] * nbo
                   + [pl.BlockSpec((NODE_BLK, 16), lambda i: (i, 0))] * nco),
        out_shape=([jax.ShapeDtypeStruct((NPAD, 32), jnp.bfloat16)] * nbo
                   + [jax.ShapeDtypeStruct((NPAD, 16), jnp.float32)] * nco),
    )(*parts, *hchunks, cnts, Wl, bl.reshape(1, dout), Wr)


def _tc_sage_pool(parts, hchunks, cnts, Wl, bl, Wr, batch3d, din, dout):
    npart = din // 32
    nc = din // 16

    def body(*refs):
        part_refs = refs[:npart]
        h_refs = refs[npart:npart + nc]
        cnt_ref = refs[npart + nc]
        wl_ref, bl_ref, wr_ref, batch_ref = refs[npart + nc + 1:
                                                 npart + nc + 5]
        gsum_ref, gcnt_ref = refs[npart + nc + 5:]

        i = pl.program_id(0)
        cnt = jnp.sum(cnt_ref[...], axis=0)
        invc = 1.0 / jnp.clip(cnt, 1.0, None)
        wl = wl_ref[...]
        wr = wr_ref[...]
        acc = jnp.zeros((NODE_BLK, dout), jnp.float32)
        hacc = jnp.zeros((NODE_BLK, dout), jnp.float32)
        for q in range(npart):
            psum = (part_refs[q][0].astype(jnp.float32)
                    + part_refs[q][1].astype(jnp.float32))
            acc = acc + jnp.dot(psum, wl[q * 32:(q + 1) * 32, :],
                                preferred_element_type=jnp.float32)
        for q in range(nc):
            hacc = hacc + jnp.dot(h_refs[q][...], wr[q * 16:(q + 1) * 16, :],
                                  preferred_element_type=jnp.float32)
        lin = acc * invc[:, None] + bl_ref[...] + hacc
        norm = jnp.sqrt(jnp.sum(lin * lin, axis=-1, keepdims=True))
        h2 = jnp.maximum(lin / jnp.maximum(norm, 1e-12), 0.0)

        bids = batch_ref[0, 0, :]
        onehot = (lax.broadcasted_iota(jnp.int32, (NGRAPH, NODE_BLK), 0)
                  == bids[None, :]).astype(jnp.float32)
        part_gsum = jnp.dot(onehot, h2, preferred_element_type=jnp.float32)
        part_gcnt = jnp.sum(onehot, axis=1, keepdims=True)

        @pl.when(i == 0)
        def _():
            gsum_ref[...] = jnp.zeros_like(gsum_ref)
            gcnt_ref[...] = jnp.zeros_like(gcnt_ref)

        gsum_ref[...] += part_gsum
        gcnt_ref[...] += part_gcnt

    in_specs = (
        [pl.BlockSpec((2, NODE_BLK, 32), lambda i: (0, i, 0))] * npart
        + [pl.BlockSpec((NODE_BLK, 16), lambda i: (i, 0))] * nc
        + [pl.BlockSpec((NW, NODE_BLK), lambda i: (0, i)),
           pl.BlockSpec((din, dout), lambda i: (0, 0)),
           pl.BlockSpec((1, dout), lambda i: (0, 0)),
           pl.BlockSpec((din, dout), lambda i: (0, 0)),
           pl.BlockSpec((1, 1, NODE_BLK), lambda i: (i, 0, 0))]
    )
    return pl.pallas_call(
        body,
        grid=(NGRID,),
        in_specs=in_specs,
        out_specs=[pl.BlockSpec((NGRAPH, dout), lambda i: (0, 0)),
                   pl.BlockSpec((NGRAPH, 1), lambda i: (0, 0))],
        out_shape=[jax.ShapeDtypeStruct((NGRAPH, dout), jnp.float32),
                   jax.ShapeDtypeStruct((NGRAPH, 1), jnp.float32)],
    )(*parts, *hchunks, cnts, Wl, bl.reshape(1, dout), Wr, batch3d)


def _tc_head(gsum, gcnt, Wp1, bp1, Wp2, bp2, Wo, bo):
    def body(gs_ref, gc_ref, w1_ref, b1_ref, w2_ref, b2_ref, wo_ref, bo_ref,
             out_ref):
        g = gs_ref[...] / jnp.clip(gc_ref[...], 1.0, None)
        g = jnp.maximum(jnp.dot(g, w1_ref[...],
                                preferred_element_type=jnp.float32)
                        + b1_ref[...], 0.0)
        g = jnp.maximum(jnp.dot(g, w2_ref[...],
                                preferred_element_type=jnp.float32)
                        + b2_ref[...], 0.0)
        out_ref[...] = jnp.dot(g, wo_ref[...],
                               preferred_element_type=jnp.float32) + bo_ref[...]

    return pl.pallas_call(
        body,
        out_shape=jax.ShapeDtypeStruct((NGRAPH, 1), jnp.float32),
    )(gsum, gcnt, Wp1, bp1.reshape(1, 64), Wp2, bp2.reshape(1, 16),
      Wo, bo.reshape(1, 1))


def kernel(x, edge_index, batch, W_pre, b_pre, Wl1, bl1, Wr1, Wl2, bl2, Wr2,
           Wp1, bp1, Wp2, bp2, Wo, bo):
    src = edge_index[0]
    dst = edge_index[1]
    pad_e = EPAD - E
    src_pad = jnp.concatenate([src, jnp.zeros((pad_e,), jnp.int32)])
    dst_pad = jnp.concatenate([dst, jnp.full((pad_e,), N, jnp.int32)])
    x_pad = jnp.pad(x, ((0, NPAD - N), (0, 0)))
    batch3d = jnp.concatenate(
        [batch, jnp.full((NPAD - N,), NGRAPH, jnp.int32)]).reshape(
            NGRID, 1, NODE_BLK)
    zeros32 = jnp.zeros((NPAD, 32), jnp.bfloat16)

    cnts = _sc_counts(dst_pad)

    h0bf, h0a, h0b = _tc_pre(x_pad, W_pre, b_pre)

    p1 = _sc_segsum32bf(src_pad, dst_pad, h0bf, zeros32)
    h1bf_a, h1bf_b, h1a, h1b, h1c, h1d = _tc_sage(
        [p1], [h0a, h0b], cnts, Wl1, bl1, Wr1, 32, 64)

    p2a = _sc_segsum32bf(src_pad, dst_pad, h1bf_a, zeros32)
    p2b = _sc_segsum32bf(src_pad, dst_pad, h1bf_b, zeros32)
    gsum, gcnt = _tc_sage_pool([p2a, p2b], [h1a, h1b, h1c, h1d], cnts,
                               Wl2, bl2, Wr2, batch3d, 64, 64)

    out = _tc_head(gsum, gcnt, Wp1, bp1, Wp2, bp2, Wo, bo)
    return out[:, 0]

# --- scband reference (transcript-rebuilt; emitter-appended) ---
"""Pipeline reference for scband-gnn-11957188952096 (READ-ONLY COPY).

The authoritative reference and input builder live on the scoring server;
editing this copy changes nothing except your own understanding.
"""

import jax, jax.numpy as jnp
import numpy as np

N_NODES = 100000
N_EDGES = 3200000
N_GRAPHS = 128
N_FL1, N_MPL, N_FL2, N_FL3 = 32, 64, 64, 16


def setup_inputs(seed: int = 0) -> dict:
    key = jax.random.key(seed)
    ks = jax.random.split(key, 20)
    x = jax.random.normal(ks[0], (N_NODES, 5), dtype=jnp.float32)
    edge_index = jax.random.randint(ks[1], (2, N_EDGES), 0, N_NODES, dtype=jnp.int32)
    batch = jnp.sort(jax.random.randint(ks[2], (N_NODES,), 0, N_GRAPHS, dtype=jnp.int32))
    s = 0.1
    W_pre = jax.random.normal(ks[3], (5, N_FL1), jnp.float32) * s
    b_pre = jnp.zeros((N_FL1,), jnp.float32)
    Wl1 = jax.random.normal(ks[4], (N_FL1, N_MPL), jnp.float32) * s
    bl1 = jnp.zeros((N_MPL,), jnp.float32)
    Wr1 = jax.random.normal(ks[5], (N_FL1, N_MPL), jnp.float32) * s
    Wl2 = jax.random.normal(ks[6], (N_MPL, N_MPL), jnp.float32) * s
    bl2 = jnp.zeros((N_MPL,), jnp.float32)
    Wr2 = jax.random.normal(ks[7], (N_MPL, N_MPL), jnp.float32) * s
    Wp1 = jax.random.normal(ks[8], (N_MPL, N_FL2), jnp.float32) * s
    bp1 = jnp.zeros((N_FL2,), jnp.float32)
    Wp2 = jax.random.normal(ks[9], (N_FL2, N_FL3), jnp.float32) * s
    bp2 = jnp.zeros((N_FL3,), jnp.float32)
    Wo = jax.random.normal(ks[10], (N_FL3, 1), jnp.float32) * s
    bo = jnp.zeros((1,), jnp.float32)
    return {"x": x, "edge_index": edge_index, "batch": batch,
            "W_pre": W_pre, "b_pre": b_pre,
            "Wl1": Wl1, "bl1": bl1, "Wr1": Wr1,
            "Wl2": Wl2, "bl2": bl2, "Wr2": Wr2,
            "Wp1": Wp1, "bp1": bp1, "Wp2": Wp2, "bp2": bp2,
            "Wo": Wo, "bo": bo}


def _sage_conv(h, src, dst, Wl, bl, Wr):
    # PyG SAGEConv (aggr='mean', normalize=True): lin_l(mean_j x_j) + lin_r(x_i), then L2 norm
    msgs = jnp.take(h, src, axis=0)
    agg = jax.ops.segment_sum(msgs, dst, num_segments=N_NODES)
    cnt = jax.ops.segment_sum(jnp.ones((src.shape[0],), h.dtype), dst, num_segments=N_NODES)
    agg = agg / jnp.clip(cnt, 1.0, None)[:, None]
    out = agg @ Wl + bl + h @ Wr
    norm = jnp.sqrt(jnp.sum(out * out, axis=-1, keepdims=True))
    return out / jnp.maximum(norm, 1e-12)


def reference(x, edge_index, batch, W_pre, b_pre, Wl1, bl1, Wr1, Wl2, bl2, Wr2, Wp1, bp1, Wp2, bp2, Wo, bo):
    src = edge_index[0]
    dst = edge_index[1]
    h = jax.nn.relu(x @ W_pre + b_pre)
    h = jax.nn.relu(_sage_conv(h, src, dst, Wl1, bl1, Wr1))
    h = jax.nn.relu(_sage_conv(h, src, dst, Wl2, bl2, Wr2))
    # global_mean_pool over batch segment ids
    s = jax.ops.segment_sum(h, batch, num_segments=N_GRAPHS)
    c = jax.ops.segment_sum(jnp.ones((h.shape[0],), h.dtype), batch, num_segments=N_GRAPHS)
    g = s / jnp.clip(c, 1.0, None)[:, None]
    g = jax.nn.relu(g @ Wp1 + bp1)
    g = jax.nn.relu(g @ Wp2 + bp2)
    out = g @ Wo + bo
    return out.squeeze(-1)

if __name__ == "__main__":
    import jax
    _d = setup_inputs()
    print(jax.jit(kernel)(*tuple(_d.values())))

</pallas_src>

<mosaic_0001>
#map = affine_map<(d0, d1) -> (0)>
#map1 = affine_map<(d0, d1) -> (0, 0)>
#map2 = affine_map<(d0, d1) -> (0, 0, 0)>
module attributes {stable_mosaic.version = 14 : i64} {
  func.func @k(%arg0: i32, %arg1: i32, %arg2: memref<3276800xi32, #tpu.memory_space<hbm>>, %arg3: memref<3276800xi32, #tpu.memory_space<hbm>>, %arg4: memref<100352x32xbf16, #tpu.memory_space<hbm>>, %arg5: memref<100352x32xbf16, #tpu.memory_space<hbm>>, %arg6: memref<2x100352x32xbf16, #tpu.memory_space<hbm>>, %arg7: memref<2x640xi32, #tpu.memory_space<vmem>>, %arg8: memref<2x640xi32, #tpu.memory_space<vmem>>, %arg9: memref<2x640x32xbf16, #tpu.memory_space<vmem>>, %arg10: memref<100352x32xbf16, #tpu.memory_space<vmem_shared>>, %arg11: memref<!tpu.dma_semaphore, #tpu.memory_space<semaphore_mem>>, %arg12: memref<!tpu.dma_semaphore, #tpu.memory_space<semaphore_mem>>, %arg13: memref<!tpu.dma_semaphore, #tpu.memory_space<semaphore_mem>>) attributes {dimension_semantics = [#tpu.dimension_semantics<core_parallel>, #tpu.dimension_semantics<subcore_parallel>], iteration_bounds = array<i64: 2, 16>, scalar_prefetch = 0 : i64, scratch_operands = 7 : i64, tpu.core_type = #tpu.core_type<sc_vector_subcore>, window_params = [{transform_indices = #map}, {transform_indices = #map}, {transform_indices = #map1}, {transform_indices = #map1}, {transform_indices = #map2}]} {
    %mul3A = arith.constant 6272 : i32
    %mul3A_0 = arith.muli %arg1, %mul3A : i32
    %mul3A_1 = arith.constant 6272 : i32
    %mul3A_2 = arith.muli %arg1, %mul3A_1 : i32
    "tpu.region"() ({
      %run_scoped3A = tpu.sem_alloc : memref<!tpu.dma_semaphore, #tpu.memory_space<semaphore_mem>>
      %dma_start3A_89 = arith.constant 0 : i32
      %dma_start3A_90 = tpu.memref_slice %arg10[%mul3A_2, %dma_start3A_89] : memref<100352x32xbf16, #tpu.memory_space<vmem_shared>> -> memref<6272x32xbf16, #tpu.memory_space<vmem_shared>>
      %dma_start3A_91 = arith.constant 0 : i32
      %dma_start3A_92 = tpu.memref_slice %arg5[%mul3A_0, %dma_start3A_91] : memref<100352x32xbf16, #tpu.memory_space<hbm>> -> memref<6272x32xbf16, #tpu.memory_space<hbm>>
      tpu.enqueue_dma source(%dma_start3A_92 : memref<6272x32xbf16, #tpu.memory_space<hbm>>) target(%dma_start3A_90 : memref<6272x32xbf16, #tpu.memory_space<vmem_shared>>) target_semaphore(%run_scoped3A : memref<!tpu.dma_semaphore, #tpu.memory_space<semaphore_mem>>)
      %dma_wait3A_93 = arith.constant 0 : i32
      %dma_wait3A_94 = tpu.memref_slice %arg10[%mul3A_2, %dma_wait3A_93] : memref<100352x32xbf16, #tpu.memory_space<vmem_shared>> -> memref<6272x32xbf16, #tpu.memory_space<vmem_shared>>
      %dma_wait3A_95 = arith.constant 0 : i32
      %dma_wait3A_96 = tpu.memref_slice %arg5[%mul3A_0, %dma_wait3A_95] : memref<100352x32xbf16, #tpu.memory_space<hbm>> -> memref<6272x32xbf16, #tpu.memory_space<hbm>>
      tpu.wait_dma2 semaphore(%run_scoped3A : memref<!tpu.dma_semaphore, #tpu.memory_space<semaphore_mem>>) src(%dma_wait3A_96 : memref<6272x32xbf16, #tpu.memory_space<hbm>>) dst(%dma_wait3A_94 : memref<6272x32xbf16, #tpu.memory_space<vmem_shared>>)
      tpu.yield
    }) : () -> ()
    %barrier3A = arith.constant 0 : index
    tpu.barrier barrier_id(%barrier3A)
    %eq3A = arith.constant 0 : i32
    %eq3A_3 = arith.cmpi eq, %arg0, %eq3A : i32
    %jit3A = arith.constant 289 : i32
    %jit3A_4 = arith.constant 31 : i32
    %select_n3A = arith.select %eq3A_3, %jit3A, %jit3A_4 : i32
    %eq3A_5 = arith.constant 0 : i32
    %eq3A_6 = arith.cmpi eq, %arg0, %eq3A_5 : i32
    %jit3A_7 = arith.constant 0 : i32
    %jit3A_8 = arith.constant 2959360 : i32
    %select_n3A_9 = arith.select %eq3A_6, %jit3A_7, %jit3A_8 : i32
    %mul3A_10 = arith.muli %arg1, %select_n3A : i32
    %mul3A_11 = arith.constant 640 : i32
    %mul3A_12 = arith.muli %mul3A_10, %mul3A_11 : i32
    %add3A = arith.addi %select_n3A_9, %mul3A_12 : i32
    %add3A_13 = arith.constant 0 : i32
    %add3A_14 = arith.addi %add3A, %add3A_13 : i32
    %dma_start3A = arith.constant 0 : i32
    %dma_start3A_15 = arith.constant 0 : i32
    %dma_start3A_16 = tpu.memref_slice %arg7[%dma_start3A, %dma_start3A_15] : memref<2x640xi32, #tpu.memory_space<vmem>> -> memref<1x640xi32, #tpu.memory_space<vmem>>
    %dma_start3A_17 = tpu.memref_squeeze %dma_start3A_16 : memref<1x640xi32, #tpu.memory_space<vmem>> -> memref<640xi32, #tpu.memory_space<vmem>>
    %dma_start3A_18 = tpu.memref_slice %arg2[%add3A_14] : memref<3276800xi32, #tpu.memory_space<hbm>> -> memref<640xi32, #tpu.memory_space<hbm>>
    %dma_start3A_19 = arith.constant 0 : i32
    %dma_start3A_20 = tpu.memref_slice %arg7[%dma_start3A, %dma_start3A_19] : memref<2x640xi32, #tpu.memory_space<vmem>> -> memref<1x640xi32, #tpu.memory_space<vmem>>
    %dma_start3A_21 = tpu.memref_squeeze %dma_start3A_20 : memref<1x640xi32, #tpu.memory_space<vmem>> -> memref<640xi32, #tpu.memory_space<vmem>>
    %dma_start3A_22 = tpu.memref_slice %arg2[%add3A_14] : memref<3276800xi32, #tpu.memory_space<hbm>> -> memref<640xi32, #tpu.memory_space<hbm>>
    tpu.enqueue_dma source(%dma_start3A_22 : memref<640xi32, #tpu.memory_space<hbm>>) target(%dma_start3A_21 : memref<640xi32, #tpu.memory_space<vmem>>) target_semaphore(%arg11 : memref<!tpu.dma_semaphore, #tpu.memory_space<semaphore_mem>>)
    %dma_start3A_23 = arith.constant 0 : i32
    %dma_start3A_24 = arith.constant 0 : i32
    %dma_start3A_25 = tpu.memref_slice %arg8[%dma_start3A_23, %dma_start3A_24] : memref<2x640xi32, #tpu.memory_space<vmem>> -> memref<1x640xi32, #tpu.memory_space<vmem>>
    %dma_start3A_26 = tpu.memref_squeeze %dma_start3A_25 : memref<1x640xi32, #tpu.memory_space<vmem>> -> memref<640xi32, #tpu.memory_space<vmem>>
    %dma_start3A_27 = tpu.memref_slice %arg3[%add3A_14] : memref<3276800xi32, #tpu.memory_space<hbm>> -> memref<640xi32, #tpu.memory_space<hbm>>
    %dma_start3A_28 = arith.constant 0 : i32
    %dma_start3A_29 = tpu.memref_slice %arg8[%dma_start3A_23, %dma_start3A_28] : memref<2x640xi32, #tpu.memory_space<vmem>> -> memref<1x640xi32, #tpu.memory_space<vmem>>
    %dma_start3A_30 = tpu.memref_squeeze %dma_start3A_29 : memref<1x640xi32, #tpu.memory_space<vmem>> -> memref<640xi32, #tpu.memory_space<vmem>>
    %dma_start3A_31 = tpu.memref_slice %arg3[%add3A_14] : memref<3276800xi32, #tpu.memory_space<hbm>> -> memref<640xi32, #tpu.memory_space<hbm>>
    tpu.enqueue_dma source(%dma_start3A_31 : memref<640xi32, #tpu.memory_space<hbm>>) target(%dma_start3A_30 : memref<640xi32, #tpu.memory_space<vmem>>) target_semaphore(%arg11 : memref<!tpu.dma_semaphore, #tpu.memory_space<semaphore_mem>>)
    %add3A_32 = arith.constant 0 : i32
    %add3A_33 = arith.addi %add3A, %add3A_32 : i32
    %dma_wait3A = arith.constant 0 : i32
    %dma_wait3A_34 = arith.constant 0 : i32
    %dma_wait3A_35 = tpu.memref_slice %arg7[%dma_wait3A, %dma_wait3A_34] : memref<2x640xi32, #tpu.memory_space<vmem>> -> memref<1x640xi32, #tpu.memory_space<vmem>>
    %dma_wait3A_36 = tpu.memref_squeeze %dma_wait3A_35 : memref<1x640xi32, #tpu.memory_space<vmem>> -> memref<640xi32, #tpu.memory_space<vmem>>
    %dma_wait3A_37 = tpu.memref_slice %arg2[%add3A_33] : memref<3276800xi32, #tpu.memory_space<hbm>> -> memref<640xi32, #tpu.memory_space<hbm>>
    %dma_wait3A_38 = arith.constant 0 : i32
    %dma_wait3A_39 = tpu.memref_slice %arg7[%dma_wait3A, %dma_wait3A_38] : memref<2x640xi32, #tpu.memory_space<vmem>> -> memref<1x640xi32, #tpu.memory_space<vmem>>
    %dma_wait3A_40 = tpu.memref_squeeze %dma_wait3A_39 : memref<1x640xi32, #tpu.memory_space<vmem>> -> memref<640xi32, #tpu.memory_space<vmem>>
    %dma_wait3A_41 = tpu.memref_slice %arg2[%add3A_33] : memref<3276800xi32, #tpu.memory_space<hbm>> -> memref<640xi32, #tpu.memory_space<hbm>>
    tpu.wait_dma2 semaphore(%arg11 : memref<!tpu.dma_semaphore, #tpu.memory_space<semaphore_mem>>) src(%dma_wait3A_41 : memref<640xi32, #tpu.memory_space<hbm>>) dst(%dma_wait3A_40 : memref<640xi32, #tpu.memory_space<vmem>>)
    %dma_wait3A_42 = arith.constant 0 : i32
    %dma_wait3A_43 = arith.constant 0 : i32
    %dma_wait3A_44 = tpu.memref_slice %arg8[%dma_wait3A_42, %dma_wait3A_43] : memref<2x640xi32, #tpu.memory_space<vmem>> -> memref<1x640xi32, #tpu.memory_space<vmem>>
    %dma_wait3A_45 = tpu.memref_squeeze %dma_wait3A_44 : memref<1x640xi32, #tpu.memory_space<vmem>> -> memref<640xi32, #tpu.memory_space<vmem>>
    %dma_wait3A_46 = tpu.memref_slice %arg3[%add3A_33] : memref<3276800xi32, #tpu.memory_space<hbm>> -> memref<640xi32, #tpu.memory_space<hbm>>
    %dma_wait3A_47 = arith.constant 0 : i32
    %dma_wait3A_48 = tpu.memref_slice %arg8[%dma_wait3A_42, %dma_wait3A_47] : memref<2x640xi32, #tpu.memory_space<vmem>> -> memref<1x640xi32, #tpu.memory_space<vmem>>
    %dma_wait3A_49 = tpu.memref_squeeze %dma_wait3A_48 : memref<1x640xi32, #tpu.memory_space<vmem>> -> memref<640xi32, #tpu.memory_space<vmem>>
    %dma_wait3A_50 = tpu.memref_slice %arg3[%add3A_33] : memref<3276800xi32, #tpu.memory_space<hbm>> -> memref<640xi32, #tpu.memory_space<hbm>>
    tpu.wait_dma2 semaphore(%arg11 : memref<!tpu.dma_semaphore, #tpu.memory_space<semaphore_mem>>) src(%dma_wait3A_50 : memref<640xi32, #tpu.memory_space<hbm>>) dst(%dma_wait3A_49 : memref<640xi32, #tpu.memory_space<vmem>>)
    %dma_start3A_51 = arith.constant 0 : i32
    %dma_start3A_52 = arith.constant 0 : i32
    %dma_start3A_53 = arith.constant 0 : i32
    %dma_start3A_54 = arith.constant 0 : i32
    %dma_start3A_55 = tpu.memref_slice %arg9[%dma_start3A_52, %dma_start3A_53, %dma_start3A_54] : memref<2x640x32xbf16, #tpu.memory_space<vmem>> -> memref<1x640x32xbf16, #tpu.memory_space<vmem>>
    %dma_start3A_56 = tpu.memref_squeeze %dma_start3A_55 : memref<1x640x32xbf16, #tpu.memory_space<vmem>> -> memref<640x32xbf16, #tpu.memory_space<vmem>>
    %dma_start3A_57 = arith.constant 0 : i32
    %dma_start3A_58 = tpu.memref_slice %arg7[%dma_start3A_51, %dma_start3A_57] : memref<2x640xi32, #tpu.memory_space<vmem>> -> memref<1x640xi32, #tpu.memory_space<vmem>>
    %dma_start3A_59 = tpu.memref_squeeze %dma_start3A_58 : memref<1x640xi32, #tpu.memory_space<vmem>> -> memref<640xi32, #tpu.memory_space<vmem>>
    %dma_start3A_60 = arith.constant 0 : i32
    %dma_start3A_61 = arith.constant 0 : i32
    %dma_start3A_62 = tpu.memref_slice %arg4[%dma_start3A_60, %dma_start3A_61] : memref<100352x32xbf16, #tpu.memory_space<hbm>> -> memref<100352x32xbf16, #tpu.memory_space<hbm>>
    tpu.enqueue_indirect_dma source(%dma_start3A_62 : memref<100352x32xbf16, #tpu.memory_space<hbm>>) target(%dma_start3A_56 : memref<640x32xbf16, #tpu.memory_space<vmem>>) offsets(%dma_start3A_59 : memref<640xi32, #tpu.memory_space<vmem>>) semaphore(%arg12 : memref<!tpu.dma_semaphore, #tpu.memory_space<semaphore_mem>>)
    %while3A = arith.constant 0 : i32
    %while3A_63 = arith.constant 0 : i32
    %while3A_64 = arith.subi %select_n3A, %while3A_63 : i32
    %while3A_65 = arith.addi %while3A_63, %while3A_64 : i32
    %while3A_66 = arith.constant 1 : i32
    %while3A_67 = arith.divsi %while3A_64, %while3A_66 : i32
    %while3A_68 = arith.muli %while3A_67, %while3A_66 : i32
    %while3A_69 = arith.addi %while3A_63, %while3A_68 : i32
    %while3A_70 = arith.constant 1 : i32
    scf.for %while3A_89 = %while3A_63 to %while3A_69 step %while3A_70  : i32 {
      %jit3A_90 = arith.constant 2 : i32
      %eq3A_91 = arith.constant 0 : i32
      %eq3A_92 = arith.cmpi eq, %jit3A_90, %eq3A_91 : i32
      %jit3A_93 = arith.constant 1 : i32
      %select_n3A_94 = arith.select %eq3A_92, %jit3A_93, %jit3A_90 : i32
      %rem3A = arith.remsi %while3A_89, %select_n3A_94 : i32
      %ne3A = arith.constant 0 : i32
      %ne3A_95 = arith.cmpi ne, %rem3A, %ne3A : i32
      %lt3A = arith.constant 0 : i32
      %lt3A_96 = arith.cmpi slt, %rem3A, %lt3A : i32
      %lt3A_97 = arith.constant 0 : i32
      %lt3A_98 = arith.cmpi slt, %select_n3A_94, %lt3A_97 : i32
      %ne3A_99 = arith.xori %lt3A_96, %lt3A_98 : i1
      %and3A = arith.andi %ne3A_99, %ne3A_95 : i1
      %add3A_100 = arith.addi %rem3A, %select_n3A_94 : i32
      %select_n3A_101 = arith.select %and3A, %add3A_100, %rem3A : i32
      %sub3A = arith.constant 1 : i32
      %sub3A_102 = arith.subi %sub3A, %select_n3A_101 : i32
      %gt3A = arith.constant 0 : i32
      %gt3A_103 = arith.cmpi sgt, %while3A_89, %gt3A : i32
      %convert_element_type3A = arith.extui %gt3A_103 : i1 to i32
      %cond3A = arith.constant 0 : i32
      %cond3A_104 = arith.cmpi ne, %convert_element_type3A, %cond3A : i32
      scf.if %cond3A_104 {
        %dma_wait3A_137 = arith.constant 0 : i32
        %dma_wait3A_138 = arith.constant 0 : i32
        %dma_wait3A_139 = tpu.memref_slice %arg9[%sub3A_102, %dma_wait3A_137, %dma_wait3A_138] : memref<2x640x32xbf16, #tpu.memory_space<vmem>> -> memref<1x640x32xbf16, #tpu.memory_space<vmem>>
        %dma_wait3A_140 = tpu.memref_squeeze %dma_wait3A_139 : memref<1x640x32xbf16, #tpu.memory_space<vmem>> -> memref<640x32xbf16, #tpu.memory_space<vmem>>
        %dma_wait3A_141 = arith.constant 0 : i32
        %dma_wait3A_142 = tpu.memref_slice %arg8[%sub3A_102, %dma_wait3A_141] : memref<2x640xi32, #tpu.memory_space<vmem>> -> memref<1x640xi32, #tpu.memory_space<vmem>>
        %dma_wait3A_143 = tpu.memref_squeeze %dma_wait3A_142 : memref<1x640xi32, #tpu.memory_space<vmem>> -> memref<640xi32, #tpu.memory_space<vmem>>
        %dma_wait3A_144 = arith.constant 0 : i32
        %dma_wait3A_145 = arith.constant 0 : i32
        %dma_wait3A_146 = tpu.memref_slice %arg10[%dma_wait3A_144, %dma_wait3A_145] : memref<100352x32xbf16, #tpu.memory_space<vmem_shared>> -> memref<100352x32xbf16, #tpu.memory_space<vmem_shared>>
        tpu.wait_indirect_dma semaphore(%arg13 : memref<!tpu.dma_semaphore, #tpu.memory_space<semaphore_mem>>) src(%dma_wait3A_140 : memref<640x32xbf16, #tpu.memory_space<vmem>>) dst(%dma_wait3A_146 : memref<100352x32xbf16, #tpu.memory_space<vmem_shared>>)
      } else {
      }
      %add3A_105 = arith.constant 1 : i32
      %add3A_106 = arith.addi %while3A_89, %add3A_105 : i32
      %lt3A_107 = arith.cmpi slt, %add3A_106, %select_n3A : i32
      %convert_element_type3A_108 = arith.extui %lt3A_107 : i1 to i32
      %cond3A_109 = arith.constant 0 : i32
      %cond3A_110 = arith.cmpi ne, %convert_element_type3A_108, %cond3A_109 : i32
      scf.if %cond3A_110 {
        %add3A_137 = arith.constant 1 : i32
        %add3A_138 = arith.addi %while3A_89, %add3A_137 : i32
        %mul3A_139 = arith.constant 640 : i32
        %mul3A_140 = arith.muli %add3A_138, %mul3A_139 : i32
        %add3A_141 = arith.addi %add3A, %mul3A_140 : i32
        %dma_start3A_142 = arith.constant 0 : i32
        %dma_start3A_143 = tpu.memref_slice %arg7[%sub3A_102, %dma_start3A_142] : memref<2x640xi32, #tpu.memory_space<vmem>> -> memref<1x640xi32, #tpu.memory_space<vmem>>
        %dma_start3A_144 = tpu.memref_squeeze %dma_start3A_143 : memref<1x640xi32, #tpu.memory_space<vmem>> -> memref<640xi32, #tpu.memory_space<vmem>>
        %dma_start3A_145 = tpu.memref_slice %arg2[%add3A_141] : memref<3276800xi32, #tpu.memory_space<hbm>> -> memref<640xi32, #tpu.memory_space<hbm>>
        %dma_start3A_146 = arith.constant 0 : i32
        %dma_start3A_147 = tpu.memref_slice %arg7[%sub3A_102, %dma_start3A_146] : memref<2x640xi32, #tpu.memory_space<vmem>> -> memref<1x640xi32, #tpu.memory_space<vmem>>
        %dma_start3A_148 = tpu.memref_squeeze %dma_start3A_147 : memref<1x640xi32, #tpu.memory_space<vmem>> -> memref<640xi32, #tpu.memory_space<vmem>>
        %dma_start3A_149 = tpu.memref_slice %arg2[%add3A_141] : memref<3276800xi32, #tpu.memory_space<hbm>> -> memref<640xi32, #tpu.memory_space<hbm>>
        tpu.enqueue_dma source(%dma_start3A_149 : memref<640xi32, #tpu.memory_space<hbm>>) target(%dma_start3A_148 : memref<640xi32, #tpu.memory_space<vmem>>) target_semaphore(%arg11 : memref<!tpu.dma_semaphore, #tpu.memory_space<semaphore_mem>>)
        %dma_start3A_150 = arith.constant 0 : i32
        %dma_start3A_151 = tpu.memref_slice %arg8[%sub3A_102, %dma_start3A_150] : memref<2x640xi32, #tpu.memory_space<vmem>> -> memref<1x640xi32, #tpu.memory_space<vmem>>
        %dma_start3A_152 = tpu.memref_squeeze %dma_start3A_151 : memref<1x640xi32, #tpu.memory_space<vmem>> -> memref<640xi32, #tpu.memory_space<vmem>>
        %dma_start3A_153 = tpu.memref_slice %arg3[%add3A_141] : memref<3276800xi32, #tpu.memory_space<hbm>> -> memref<640xi32, #tpu.memory_space<hbm>>
        %dma_start3A_154 = arith.constant 0 : i32
        %dma_start3A_155 = tpu.memref_slice %arg8[%sub3A_102, %dma_start3A_154] : memref<2x640xi32, #tpu.memory_space<vmem>> -> memref<1x640xi32, #tpu.memory_space<vmem>>
        %dma_start3A_156 = tpu.memref_squeeze %dma_start3A_155 : memref<1x640xi32, #tpu.memory_space<vmem>> -> memref<640xi32, #tpu.memory_space<vmem>>
        %dma_start3A_157 = tpu.memref_slice %arg3[%add3A_141] : memref<3276800xi32, #tpu.memory_space<hbm>> -> memref<640xi32, #tpu.memory_space<hbm>>
        tpu.enqueue_dma source(%dma_start3A_157 : memref<640xi32, #tpu.memory_space<hbm>>) target(%dma_start3A_156 : memref<640xi32, #tpu.memory_space<vmem>>) target_semaphore(%arg11 : memref<!tpu.dma_semaphore, #tpu.memory_space<semaphore_mem>>)
      } else {
      }
      %dma_wait3A_111 = arith.constant 0 : i32
      %dma_wait3A_112 = arith.constant 0 : i32
      %dma_wait3A_113 = tpu.memref_slice %arg9[%select_n3A_101, %dma_wait3A_111, %dma_wait3A_112] : memref<2x640x32xbf16, #tpu.memory_space<vmem>> -> memref<1x640x32xbf16, #tpu.memory_space<vmem>>
      %dma_wait3A_114 = tpu.memref_squeeze %dma_wait3A_113 : memref<1x640x32xbf16, #tpu.memory_space<vmem>> -> memref<640x32xbf16, #tpu.memory_space<vmem>>
      %dma_wait3A_115 = arith.constant 0 : i32
      %dma_wait3A_116 = tpu.memref_slice %arg7[%select_n3A_101, %dma_wait3A_115] : memref<2x640xi32, #tpu.memory_space<vmem>> -> memref<1x640xi32, #tpu.memory_space<vmem>>
      %dma_wait3A_117 = tpu.memref_squeeze %dma_wait3A_116 : memref<1x640xi32, #tpu.memory_space<vmem>> -> memref<640xi32, #tpu.memory_space<vmem>>
      %dma_wait3A_118 = arith.constant 0 : i32
      %dma_wait3A_119 = arith.constant 0 : i32
      %dma_wait3A_120 = tpu.memref_slice %arg4[%dma_wait3A_118, %dma_wait3A_119] : memref<100352x32xbf16, #tpu.memory_space<hbm>> -> memref<100352x32xbf16, #tpu.memory_space<hbm>>
      tpu.wait_indirect_dma semaphore(%arg12 : memref<!tpu.dma_semaphore, #tpu.memory_space<semaphore_mem>>) src(%dma_wait3A_120 : memref<100352x32xbf16, #tpu.memory_space<hbm>>) dst(%dma_wait3A_114 : memref<640x32xbf16, #tpu.memory_space<vmem>>)
      %dma_start3A_121 = arith.constant 0 : i32
      %dma_start3A_122 = arith.constant 0 : i32
      %dma_start3A_123 = tpu.memref_slice %arg9[%select_n3A_101, %dma_start3A_121, %dma_start3A_122] : memref<2x640x32xbf16, #tpu.memory_space<vmem>> -> memref<1x640x32xbf16, #tpu.memory_space<vmem>>
      %dma_start3A_124 = tpu.memref_squeeze %dma_start3A_123 : memref<1x640x32xbf16, #tpu.memory_space<vmem>> -> memref<640x32xbf16, #tpu.memory_space<vmem>>
      %dma_start3A_125 = arith.constant 0 : i32
      %dma_start3A_126 = tpu.memref_slice %arg8[%select_n3A_101, %dma_start3A_125] : memref<2x640xi32, #tpu.memory_space<vmem>> -> memref<1x640xi32, #tpu.memory_space<vmem>>
      %dma_start3A_127 = tpu.memref_squeeze %dma_start3A_126 : memref<1x640xi32, #tpu.memory_space<vmem>> -> memref<640xi32, #tpu.memory_space<vmem>>
      %dma_start3A_128 = arith.constant 0 : i32
      %dma_start3A_129 = arith.constant 0 : i32
      %dma_start3A_130 = tpu.memref_slice %arg10[%dma_start3A_128, %dma_start3A_129] : memref<100352x32xbf16, #tpu.memory_space<vmem_shared>> -> memref<100352x32xbf16, #tpu.memory_space<vmem_shared>>
      tpu.enqueue_indirect_dma source(%dma_start3A_124 : memref<640x32xbf16, #tpu.memory_space<vmem>>) target(%dma_start3A_130 : memref<100352x32xbf16, #tpu.memory_space<vmem_shared>>) offsets(%dma_start3A_127 : memref<640xi32, #tpu.memory_space<vmem>>) semaphore(%arg13 : memref<!tpu.dma_semaphore, #tpu.memory_space<semaphore_mem>>) {add = true}
      %add3A_131 = arith.constant 1 : i32
      %add3A_132 = arith.addi %while3A_89, %add3A_131 : i32
      %lt3A_133 = arith.cmpi slt, %add3A_132, %select_n3A : i32
      %convert_element_type3A_134 = arith.extui %lt3A_133 : i1 to i32
      %cond3A_135 = arith.constant 0 : i32
      %cond3A_136 = arith.cmpi ne, %convert_element_type3A_134, %cond3A_135 : i32
      scf.if %cond3A_136 {
        %add3A_137 = arith.constant 1 : i32
        %add3A_138 = arith.addi %while3A_89, %add3A_137 : i32
        %mul3A_139 = arith.constant 640 : i32
        %mul3A_140 = arith.muli %add3A_138, %mul3A_139 : i32
        %add3A_141 = arith.addi %add3A, %mul3A_140 : i32
        %dma_wait3A_142 = arith.constant 0 : i32
        %dma_wait3A_143 = tpu.memref_slice %arg7[%sub3A_102, %dma_wait3A_142] : memref<2x640xi32, #tpu.memory_space<vmem>> -> memref<1x640xi32, #tpu.memory_space<vmem>>
        %dma_wait3A_144 = tpu.memref_squeeze %dma_wait3A_143 : memref<1x640xi32, #tpu.memory_space<vmem>> -> memref<640xi32, #tpu.memory_space<vmem>>
        %dma_wait3A_145 = tpu.memref_slice %arg2[%add3A_141] : memref<3276800xi32, #tpu.memory_space<hbm>> -> memref<640xi32, #tpu.memory_space<hbm>>
        %dma_wait3A_146 = arith.constant 0 : i32
        %dma_wait3A_147 = tpu.memref_slice %arg7[%sub3A_102, %dma_wait3A_146] : memref<2x640xi32, #tpu.memory_space<vmem>> -> memref<1x640xi32, #tpu.memory_space<vmem>>
        %dma_wait3A_148 = tpu.memref_squeeze %dma_wait3A_147 : memref<1x640xi32, #tpu.memory_space<vmem>> -> memref<640xi32, #tpu.memory_space<vmem>>
        %dma_wait3A_149 = tpu.memref_slice %arg2[%add3A_141] : memref<3276800xi32, #tpu.memory_space<hbm>> -> memref<640xi32, #tpu.memory_space<hbm>>
        tpu.wait_dma2 semaphore(%arg11 : memref<!tpu.dma_semaphore, #tpu.memory_space<semaphore_mem>>) src(%dma_wait3A_149 : memref<640xi32, #tpu.memory_space<hbm>>) dst(%dma_wait3A_148 : memref<640xi32, #tpu.memory_space<vmem>>)
        %dma_wait3A_150 = arith.constant 0 : i32
        %dma_wait3A_151 = tpu.memref_slice %arg8[%sub3A_102, %dma_wait3A_150] : memref<2x640xi32, #tpu.memory_space<vmem>> -> memref<1x640xi32, #tpu.memory_space<vmem>>
        %dma_wait3A_152 = tpu.memref_squeeze %dma_wait3A_151 : memref<1x640xi32, #tpu.memory_space<vmem>> -> memref<640xi32, #tpu.memory_space<vmem>>
        %dma_wait3A_153 = tpu.memref_slice %arg3[%add3A_141] : memref<3276800xi32, #tpu.memory_space<hbm>> -> memref<640xi32, #tpu.memory_space<hbm>>
        %dma_wait3A_154 = arith.constant 0 : i32
        %dma_wait3A_155 = tpu.memref_slice %arg8[%sub3A_102, %dma_wait3A_154] : memref<2x640xi32, #tpu.memory_space<vmem>> -> memref<1x640xi32, #tpu.memory_space<vmem>>
        %dma_wait3A_156 = tpu.memref_squeeze %dma_wait3A_155 : memref<1x640xi32, #tpu.memory_space<vmem>> -> memref<640xi32, #tpu.memory_space<vmem>>
        %dma_wait3A_157 = tpu.memref_slice %arg3[%add3A_141] : memref<3276800xi32, #tpu.memory_space<hbm>> -> memref<640xi32, #tpu.memory_space<hbm>>
        tpu.wait_dma2 semaphore(%arg11 : memref<!tpu.dma_semaphore, #tpu.memory_space<semaphore_mem>>) src(%dma_wait3A_157 : memref<640xi32, #tpu.memory_space<hbm>>) dst(%dma_wait3A_156 : memref<640xi32, #tpu.memory_space<vmem>>)
        %dma_start3A_158 = arith.constant 0 : i32
        %dma_start3A_159 = arith.constant 0 : i32
        %dma_start3A_160 = tpu.memref_slice %arg9[%sub3A_102, %dma_start3A_158, %dma_start3A_159] : memref<2x640x32xbf16, #tpu.memory_space<vmem>> -> memref<1x640x32xbf16, #tpu.memory_space<vmem>>
        %dma_start3A_161 = tpu.memref_squeeze %dma_start3A_160 : memref<1x640x32xbf16, #tpu.memory_space<vmem>> -> memref<640x32xbf16, #tpu.memory_space<vmem>>
        %dma_start3A_162 = arith.constant 0 : i32
        %dma_start3A_163 = tpu.memref_slice %arg7[%sub3A_102, %dma_start3A_162] : memref<2x640xi32, #tpu.memory_space<vmem>> -> memref<1x640xi32, #tpu.memory_space<vmem>>
        %dma_start3A_164 = tpu.memref_squeeze %dma_start3A_163 : memref<1x640xi32, #tpu.memory_space<vmem>> -> memref<640xi32, #tpu.memory_space<vmem>>
        %dma_start3A_165 = arith.constant 0 : i32
        %dma_start3A_166 = arith.constant 0 : i32
        %dma_start3A_167 = tpu.memref_slice %arg4[%dma_start3A_165, %dma_start3A_166] : memref<100352x32xbf16, #tpu.memory_space<hbm>> -> memref<100352x32xbf16, #tpu.memory_space<hbm>>
        tpu.enqueue_indirect_dma source(%dma_start3A_167 : memref<100352x32xbf16, #tpu.memory_space<hbm>>) target(%dma_start3A_161 : memref<640x32xbf16, #tpu.memory_space<vmem>>) offsets(%dma_start3A_164 : memref<640xi32, #tpu.memory_space<vmem>>) semaphore(%arg12 : memref<!tpu.dma_semaphore, #tpu.memory_space<semaphore_mem>>)
      } else {
      }
    }
    %while3A_71 = arith.constant 1 : i32
    scf.for %while3A_89 = %while3A_69 to %while3A_65 step %while3A_71  : i32 {
      %jit3A_90 = arith.constant 2 : i32
      %eq3A_91 = arith.constant 0 : i32
      %eq3A_92 = arith.cmpi eq, %jit3A_90, %eq3A_91 : i32
      %jit3A_93 = arith.constant 1 : i32
      %select_n3A_94 = arith.select %eq3A_92, %jit3A_93, %jit3A_90 : i32
      %rem3A = arith.remsi %while3A_89, %select_n3A_94 : i32
      %ne3A = arith.constant 0 : i32
      %ne3A_95 = arith.cmpi ne, %rem3A, %ne3A : i32
      %lt3A = arith.constant 0 : i32
      %lt3A_96 = arith.cmpi slt, %rem3A, %lt3A : i32
      %lt3A_97 = arith.constant 0 : i32
      %lt3A_98 = arith.cmpi slt, %select_n3A_94, %lt3A_97 : i32
      %ne3A_99 = arith.xori %lt3A_96, %lt3A_98 : i1
      %and3A = arith.andi %ne3A_99, %ne3A_95 : i1
      %add3A_100 = arith.addi %rem3A, %select_n3A_94 : i32
      %select_n3A_101 = arith.select %and3A, %add3A_100, %rem3A : i32
      %sub3A = arith.constant 1 : i32
      %sub3A_102 = arith.subi %sub3A, %select_n3A_101 : i32
      %gt3A = arith.constant 0 : i32
      %gt3A_103 = arith.cmpi sgt, %while3A_89, %gt3A : i32
      %convert_element_type3A = arith.extui %gt3A_103 : i1 to i32
      %cond3A = arith.constant 0 : i32
      %cond3A_104 = arith.cmpi ne, %convert_element_type3A, %cond3A : i32
      scf.if %cond3A_104 {
        %dma_wait3A_137 = arith.constant 0 : i32
        %dma_wait3A_138 = arith.constant 0 : i32
        %dma_wait3A_139 = tpu.memref_slice %arg9[%sub3A_102, %dma_wait3A_137, %dma_wait3A_138] : memref<2x640x32xbf16, #tpu.memory_space<vmem>> -> memref<1x640x32xbf16, #tpu.memory_space<vmem>>
        %dma_wait3A_140 = tpu.memref_squeeze %dma_wait3A_139 : memref<1x640x32xbf16, #tpu.memory_space<vmem>> -> memref<640x32xbf16, #tpu.memory_space<vmem>>
        %dma_wait3A_141 = arith.constant 0 : i32
        %dma_wait3A_142 = tpu.memref_slice %arg8[%sub3A_102, %dma_wait3A_141] : memref<2x640xi32, #tpu.memory_space<vmem>> -> memref<1x640xi32, #tpu.memory_space<vmem>>
        %dma_wait3A_143 = tpu.memref_squeeze %dma_wait3A_142 : memref<1x640xi32, #tpu.memory_space<vmem>> -> memref<640xi32, #tpu.memory_space<vmem>>
        %dma_wait3A_144 = arith.constant 0 : i32
        %dma_wait3A_145 = arith.constant 0 : i32
        %dma_wait3A_146 = tpu.memref_slice %arg10[%dma_wait3A_144, %dma_wait3A_145] : memref<100352x32xbf16, #tpu.memory_space<vmem_shared>> -> memref<100352x32xbf16, #tpu.memory_space<vmem_shared>>
        tpu.wait_indirect_dma semaphore(%arg13 : memref<!tpu.dma_semaphore, #tpu.memory_space<semaphore_mem>>) src(%dma_wait3A_140 : memref<640x32xbf16, #tpu.memory_space<vmem>>) dst(%dma_wait3A_146 : memref<100352x32xbf16, #tpu.memory_space<vmem_shared>>)
      } else {
      }
      %add3A_105 = arith.constant 1 : i32
      %add3A_106 = arith.addi %while3A_89, %add3A_105 : i32
      %lt3A_107 = arith.cmpi slt, %add3A_106, %select_n3A : i32
      %convert_element_type3A_108 = arith.extui %lt3A_107 : i1 to i32
      %cond3A_109 = arith.constant 0 : i32
      %cond3A_110 = arith.cmpi ne, %convert_element_type3A_108, %cond3A_109 : i32
      scf.if %cond3A_110 {
        %add3A_137 = arith.constant 1 : i32
        %add3A_138 = arith.addi %while3A_89, %add3A_137 : i32
        %mul3A_139 = arith.constant 640 : i32
        %mul3A_140 = arith.muli %add3A_138, %mul3A_139 : i32
        %add3A_141 = arith.addi %add3A, %mul3A_140 : i32
        %dma_start3A_142 = arith.constant 0 : i32
        %dma_start3A_143 = tpu.memref_slice %arg7[%sub3A_102, %dma_start3A_142] : memref<2x640xi32, #tpu.memory_space<vmem>> -> memref<1x640xi32, #tpu.memory_space<vmem>>
        %dma_start3A_144 = tpu.memref_squeeze %dma_start3A_143 : memref<1x640xi32, #tpu.memory_space<vmem>> -> memref<640xi32, #tpu.memory_space<vmem>>
        %dma_start3A_145 = tpu.memref_slice %arg2[%add3A_141] : memref<3276800xi32, #tpu.memory_space<hbm>> -> memref<640xi32, #tpu.memory_space<hbm>>
        %dma_start3A_146 = arith.constant 0 : i32
        %dma_start3A_147 = tpu.memref_slice %arg7[%sub3A_102, %dma_start3A_146] : memref<2x640xi32, #tpu.memory_space<vmem>> -> memref<1x640xi32, #tpu.memory_space<vmem>>
        %dma_start3A_148 = tpu.memref_squeeze %dma_start3A_147 : memref<1x640xi32, #tpu.memory_space<vmem>> -> memref<640xi32, #tpu.memory_space<vmem>>
        %dma_start3A_149 = tpu.memref_slice %arg2[%add3A_141] : memref<3276800xi32, #tpu.memory_space<hbm>> -> memref<640xi32, #tpu.memory_space<hbm>>
        tpu.enqueue_dma source(%dma_start3A_149 : memref<640xi32, #tpu.memory_space<hbm>>) target(%dma_start3A_148 : memref<640xi32, #tpu.memory_space<vmem>>) target_semaphore(%arg11 : memref<!tpu.dma_semaphore, #tpu.memory_space<semaphore_mem>>)
        %dma_start3A_150 = arith.constant 0 : i32
        %dma_start3A_151 = tpu.memref_slice %arg8[%sub3A_102, %dma_start3A_150] : memref<2x640xi32, #tpu.memory_space<vmem>> -> memref<1x640xi32, #tpu.memory_space<vmem>>
        %dma_start3A_152 = tpu.memref_squeeze %dma_start3A_151 : memref<1x640xi32, #tpu.memory_space<vmem>> -> memref<640xi32, #tpu.memory_space<vmem>>
        %dma_start3A_153 = tpu.memref_slice %arg3[%add3A_141] : memref<3276800xi32, #tpu.memory_space<hbm>> -> memref<640xi32, #tpu.memory_space<hbm>>
        %dma_start3A_154 = arith.constant 0 : i32
        %dma_start3A_155 = tpu.memref_slice %arg8[%sub3A_102, %dma_start3A_154] : memref<2x640xi32, #tpu.memory_space<vmem>> -> memref<1x640xi32, #tpu.memory_space<vmem>>
        %dma_start3A_156 = tpu.memref_squeeze %dma_start3A_155 : memref<1x640xi32, #tpu.memory_space<vmem>> -> memref<640xi32, #tpu.memory_space<vmem>>
        %dma_start3A_157 = tpu.memref_slice %arg3[%add3A_141] : memref<3276800xi32, #tpu.memory_space<hbm>> -> memref<640xi32, #tpu.memory_space<hbm>>
        tpu.enqueue_dma source(%dma_start3A_157 : memref<640xi32, #tpu.memory_space<hbm>>) target(%dma_start3A_156 : memref<640xi32, #tpu.memory_space<vmem>>) target_semaphore(%arg11 : memref<!tpu.dma_semaphore, #tpu.memory_space<semaphore_mem>>)
      } else {
      }
      %dma_wait3A_111 = arith.constant 0 : i32
      %dma_wait3A_112 = arith.constant 0 : i32
      %dma_wait3A_113 = tpu.memref_slice %arg9[%select_n3A_101, %dma_wait3A_111, %dma_wait3A_112] : memref<2x640x32xbf16, #tpu.memory_space<vmem>> -> memref<1x640x32xbf16, #tpu.memory_space<vmem>>
      %dma_wait3A_114 = tpu.memref_squeeze %dma_wait3A_113 : memref<1x640x32xbf16, #tpu.memory_space<vmem>> -> memref<640x32xbf16, #tpu.memory_space<vmem>>
      %dma_wait3A_115 = arith.constant 0 : i32
      %dma_wait3A_116 = tpu.memref_slice %arg7[%select_n3A_101, %dma_wait3A_115] : memref<2x640xi32, #tpu.memory_space<vmem>> -> memref<1x640xi32, #tpu.memory_space<vmem>>
      %dma_wait3A_117 = tpu.memref_squeeze %dma_wait3A_116 : memref<1x640xi32, #tpu.memory_space<vmem>> -> memref<640xi32, #tpu.memory_space<vmem>>
      %dma_wait3A_118 = arith.constant 0 : i32
      %dma_wait3A_119 = arith.constant 0 : i32
      %dma_wait3A_120 = tpu.memref_slice %arg4[%dma_wait3A_118, %dma_wait3A_119] : memref<100352x32xbf16, #tpu.memory_space<hbm>> -> memref<100352x32xbf16, #tpu.memory_space<hbm>>
      tpu.wait_indirect_dma semaphore(%arg12 : memref<!tpu.dma_semaphore, #tpu.memory_space<semaphore_mem>>) src(%dma_wait3A_120 : memref<100352x32xbf16, #tpu.memory_space<hbm>>) dst(%dma_wait3A_114 : memref<640x32xbf16, #tpu.memory_space<vmem>>)
      %dma_start3A_121 = arith.constant 0 : i32
      %dma_start3A_122 = arith.constant 0 : i32
      %dma_start3A_123 = tpu.memref_slice %arg9[%select_n3A_101, %dma_start3A_121, %dma_start3A_122] : memref<2x640x32xbf16, #tpu.memory_space<vmem>> -> memref<1x640x32xbf16, #tpu.memory_space<vmem>>
      %dma_start3A_124 = tpu.memref_squeeze %dma_start3A_123 : memref<1x640x32xbf16, #tpu.memory_space<vmem>> -> memref<640x32xbf16, #tpu.memory_space<vmem>>
      %dma_start3A_125 = arith.constant 0 : i32
      %dma_start3A_126 = tpu.memref_slice %arg8[%select_n3A_101, %dma_start3A_125] : memref<2x640xi32, #tpu.memory_space<vmem>> -> memref<1x640xi32, #tpu.memory_space<vmem>>
      %dma_start3A_127 = tpu.memref_squeeze %dma_start3A_126 : memref<1x640xi32, #tpu.memory_space<vmem>> -> memref<640xi32, #tpu.memory_space<vmem>>
      %dma_start3A_128 = arith.constant 0 : i32
      %dma_start3A_129 = arith.constant 0 : i32
      %dma_start3A_130 = tpu.memref_slice %arg10[%dma_start3A_128, %dma_start3A_129] : memref<100352x32xbf16, #tpu.memory_space<vmem_shared>> -> memref<100352x32xbf16, #tpu.memory_space<vmem_shared>>
      tpu.enqueue_indirect_dma source(%dma_start3A_124 : memref<640x32xbf16, #tpu.memory_space<vmem>>) target(%dma_start3A_130 : memref<100352x32xbf16, #tpu.memory_space<vmem_shared>>) offsets(%dma_start3A_127 : memref<640xi32, #tpu.memory_space<vmem>>) semaphore(%arg13 : memref<!tpu.dma_semaphore, #tpu.memory_space<semaphore_mem>>) {add = true}
      %add3A_131 = arith.constant 1 : i32
      %add3A_132 = arith.addi %while3A_89, %add3A_131 : i32
      %lt3A_133 = arith.cmpi slt, %add3A_132, %select_n3A : i32
      %convert_element_type3A_134 = arith.extui %lt3A_133 : i1 to i32
      %cond3A_135 = arith.constant 0 : i32
      %cond3A_136 = arith.cmpi ne, %convert_element_type3A_134, %cond3A_135 : i32
      scf.if %cond3A_136 {
        %add3A_137 = arith.constant 1 : i32
        %add3A_138 = arith.addi %while3A_89, %add3A_137 : i32
        %mul3A_139 = arith.constant 640 : i32
        %mul3A_140 = arith.muli %add3A_138, %mul3A_139 : i32
        %add3A_141 = arith.addi %add3A, %mul3A_140 : i32
        %dma_wait3A_142 = arith.constant 0 : i32
        %dma_wait3A_143 = tpu.memref_slice %arg7[%sub3A_102, %dma_wait3A_142] : memref<2x640xi32, #tpu.memory_space<vmem>> -> memref<1x640xi32, #tpu.memory_space<vmem>>
        %dma_wait3A_144 = tpu.memref_squeeze %dma_wait3A_143 : memref<1x640xi32, #tpu.memory_space<vmem>> -> memref<640xi32, #tpu.memory_space<vmem>>
        %dma_wait3A_145 = tpu.memref_slice %arg2[%add3A_141] : memref<3276800xi32, #tpu.memory_space<hbm>> -> memref<640xi32, #tpu.memory_space<hbm>>
        %dma_wait3A_146 = arith.constant 0 : i32
        %dma_wait3A_147 = tpu.memref_slice %arg7[%sub3A_102, %dma_wait3A_146] : memref<2x640xi32, #tpu.memory_space<vmem>> -> memref<1x640xi32, #tpu.memory_space<vmem>>
        %dma_wait3A_148 = tpu.memref_squeeze %dma_wait3A_147 : memref<1x640xi32, #tpu.memory_space<vmem>> -> memref<640xi32, #tpu.memory_space<vmem>>
        %dma_wait3A_149 = tpu.memref_slice %arg2[%add3A_141] : memref<3276800xi32, #tpu.memory_space<hbm>> -> memref<640xi32, #tpu.memory_space<hbm>>
        tpu.wait_dma2 semaphore(%arg11 : memref<!tpu.dma_semaphore, #tpu.memory_space<semaphore_mem>>) src(%dma_wait3A_149 : memref<640xi32, #tpu.memory_space<hbm>>) dst(%dma_wait3A_148 : memref<640xi32, #tpu.memory_space<vmem>>)
        %dma_wait3A_150 = arith.constant 0 : i32
        %dma_wait3A_151 = tpu.memref_slice %arg8[%sub3A_102, %dma_wait3A_150] : memref<2x640xi32, #tpu.memory_space<vmem>> -> memref<1x640xi32, #tpu.memory_space<vmem>>
        %dma_wait3A_152 = tpu.memref_squeeze %dma_wait3A_151 : memref<1x640xi32, #tpu.memory_space<vmem>> -> memref<640xi32, #tpu.memory_space<vmem>>
        %dma_wait3A_153 = tpu.memref_slice %arg3[%add3A_141] : memref<3276800xi32, #tpu.memory_space<hbm>> -> memref<640xi32, #tpu.memory_space<hbm>>
        %dma_wait3A_154 = arith.constant 0 : i32
        %dma_wait3A_155 = tpu.memref_slice %arg8[%sub3A_102, %dma_wait3A_154] : memref<2x640xi32, #tpu.memory_space<vmem>> -> memref<1x640xi32, #tpu.memory_space<vmem>>
        %dma_wait3A_156 = tpu.memref_squeeze %dma_wait3A_155 : memref<1x640xi32, #tpu.memory_space<vmem>> -> memref<640xi32, #tpu.memory_space<vmem>>
        %dma_wait3A_157 = tpu.memref_slice %arg3[%add3A_141] : memref<3276800xi32, #tpu.memory_space<hbm>> -> memref<640xi32, #tpu.memory_space<hbm>>
        tpu.wait_dma2 semaphore(%arg11 : memref<!tpu.dma_semaphore, #tpu.memory_space<semaphore_mem>>) src(%dma_wait3A_157 : memref<640xi32, #tpu.memory_space<hbm>>) dst(%dma_wait3A_156 : memref<640xi32, #tpu.memory_space<vmem>>)
        %dma_start3A_158 = arith.constant 0 : i32
        %dma_start3A_159 = arith.constant 0 : i32
        %dma_start3A_160 = tpu.memref_slice %arg9[%sub3A_102, %dma_start3A_158, %dma_start3A_159] : memref<2x640x32xbf16, #tpu.memory_space<vmem>> -> memref<1x640x32xbf16, #tpu.memory_space<vmem>>
        %dma_start3A_161 = tpu.memref_squeeze %dma_start3A_160 : memref<1x640x32xbf16, #tpu.memory_space<vmem>> -> memref<640x32xbf16, #tpu.memory_space<vmem>>
        %dma_start3A_162 = arith.constant 0 : i32
        %dma_start3A_163 = tpu.memref_slice %arg7[%sub3A_102, %dma_start3A_162] : memref<2x640xi32, #tpu.memory_space<vmem>> -> memref<1x640xi32, #tpu.memory_space<vmem>>
        %dma_start3A_164 = tpu.memref_squeeze %dma_start3A_163 : memref<1x640xi32, #tpu.memory_space<vmem>> -> memref<640xi32, #tpu.memory_space<vmem>>
        %dma_start3A_165 = arith.constant 0 : i32
        %dma_start3A_166 = arith.constant 0 : i32
        %dma_start3A_167 = tpu.memref_slice %arg4[%dma_start3A_165, %dma_start3A_166] : memref<100352x32xbf16, #tpu.memory_space<hbm>> -> memref<100352x32xbf16, #tpu.memory_space<hbm>>
        tpu.enqueue_indirect_dma source(%dma_start3A_167 : memref<100352x32xbf16, #tpu.memory_space<hbm>>) target(%dma_start3A_161 : memref<640x32xbf16, #tpu.memory_space<vmem>>) offsets(%dma_start3A_164 : memref<640xi32, #tpu.memory_space<vmem>>) semaphore(%arg12 : memref<!tpu.dma_semaphore, #tpu.memory_space<semaphore_mem>>)
      } else {
      }
    }
    %dma_wait3A_72 = arith.constant 0 : i32
    %dma_wait3A_73 = arith.constant 0 : i32
    %dma_wait3A_74 = arith.constant 0 : i32
    %dma_wait3A_75 = arith.constant 0 : i32
    %dma_wait3A_76 = tpu.memref_slice %arg9[%dma_wait3A_72, %dma_wait3A_74, %dma_wait3A_75] : memref<2x640x32xbf16, #tpu.memory_space<vmem>> -> memref<1x640x32xbf16, #tpu.memory_space<vmem>>
    %dma_wait3A_77 = tpu.memref_squeeze %dma_wait3A_76 : memref<1x640x32xbf16, #tpu.memory_space<vmem>> -> memref<640x32xbf16, #tpu.memory_space<vmem>>
    %dma_wait3A_78 = arith.constant 0 : i32
    %dma_wait3A_79 = tpu.memref_slice %arg8[%dma_wait3A_73, %dma_wait3A_78] : memref<2x640xi32, #tpu.memory_space<vmem>> -> memref<1x640xi32, #tpu.memory_space<vmem>>
    %dma_wait3A_80 = tpu.memref_squeeze %dma_wait3A_79 : memref<1x640xi32, #tpu.memory_space<vmem>> -> memref<640xi32, #tpu.memory_space<vmem>>
    %dma_wait3A_81 = arith.constant 0 : i32
    %dma_wait3A_82 = arith.constant 0 : i32
    %dma_wait3A_83 = tpu.memref_slice %arg10[%dma_wait3A_81, %dma_wait3A_82] : memref<100352x32xbf16, #tpu.memory_space<vmem_shared>> -> memref<100352x32xbf16, #tpu.memory_space<vmem_shared>>
    tpu.wait_indirect_dma semaphore(%arg13 : memref<!tpu.dma_semaphore, #tpu.memory_space<semaphore_mem>>) src(%dma_wait3A_77 : memref<640x32xbf16, #tpu.memory_space<vmem>>) dst(%dma_wait3A_83 : memref<100352x32xbf16, #tpu.memory_space<vmem_shared>>)
    %barrier3A_84 = arith.constant 0 : index
    tpu.barrier barrier_id(%barrier3A_84)
    %mul3A_85 = arith.constant 6272 : i32
    %mul3A_86 = arith.muli %arg1, %mul3A_85 : i32
    %mul3A_87 = arith.constant 6272 : i32
    %mul3A_88 = arith.muli %arg1, %mul3A_87 : i32
    "tpu.region"() ({
      %run_scoped3A = tpu.sem_alloc : memref<!tpu.dma_semaphore, #tpu.memory_space<semaphore_mem>>
      %dma_start3A_89 = arith.constant 0 : i32
      %dma_start3A_90 = tpu.memref_slice %arg6[%arg0, %mul3A_88, %dma_start3A_89] : memref<2x100352x32xbf16, #tpu.memory_space<hbm>> -> memref<1x6272x32xbf16, #tpu.memory_space<hbm>>
      %dma_start3A_91 = tpu.memref_squeeze %dma_start3A_90 : memref<1x6272x32xbf16, #tpu.memory_space<hbm>> -> memref<6272x32xbf16, #tpu.memory_space<hbm>>
      %dma_start3A_92 = arith.constant 0 : i32
      %dma_start3A_93 = tpu.memref_slice %arg10[%mul3A_86, %dma_start3A_92] : memref<100352x32xbf16, #tpu.memory_space<vmem_shared>> -> memref<6272x32xbf16, #tpu.memory_space<vmem_shared>>
      tpu.enqueue_dma source(%dma_start3A_93 : memref<6272x32xbf16, #tpu.memory_space<vmem_shared>>) target(%dma_start3A_91 : memref<6272x32xbf16, #tpu.memory_space<hbm>>) target_semaphore(%run_scoped3A : memref<!tpu.dma_semaphore, #tpu.memory_space<semaphore_mem>>)
      %dma_wait3A_94 = arith.constant 0 : i32
      %dma_wait3A_95 = tpu.memref_slice %arg6[%arg0, %mul3A_88, %dma_wait3A_94] : memref<2x100352x32xbf16, #tpu.memory_space<hbm>> -> memref<1x6272x32xbf16, #tpu.memory_space<hbm>>
      %dma_wait3A_96 = tpu.memref_squeeze %dma_wait3A_95 : memref<1x6272x32xbf16, #tpu.memory_space<hbm>> -> memref<6272x32xbf16, #tpu.memory_space<hbm>>
      %dma_wait3A_97 = arith.constant 0 : i32
      %dma_wait3A_98 = tpu.memref_slice %arg10[%mul3A_86, %dma_wait3A_97] : memref<100352x32xbf16, #tpu.memory_space<vmem_shared>> -> memref<6272x32xbf16, #tpu.memory_space<vmem_shared>>
      tpu.wait_dma2 semaphore(%run_scoped3A : memref<!tpu.dma_semaphore, #tpu.memory_space<semaphore_mem>>) src(%dma_wait3A_98 : memref<6272x32xbf16, #tpu.memory_space<vmem_shared>>) dst(%dma_wait3A_96 : memref<6272x32xbf16, #tpu.memory_space<hbm>>)
      tpu.yield
    }) : () -> ()
    return
  }
}

#map = affine_map<(d0, d1) -> (0)>
#map1 = affine_map<(d0, d1) -> (0, 0)>
#map2 = affine_map<(d0, d1) -> (0, 0, 0)>
module attributes {stable_mosaic.version = 14 : i64} {
  func.func @k(%arg0: i32, %arg1: i32, %arg2: memref<3276800xi32, #tpu.memory_space<hbm>>, %arg3: memref<3276800xi32, #tpu.memory_space<hbm>>, %arg4: memref<100352x32xbf16, #tpu.memory_space<hbm>>, %arg5: memref<100352x32xbf16, #tpu.memory_space<hbm>>, %arg6: memref<2x100352x32xbf16, #tpu.memory_space<hbm>>, %arg7: memref<2x640xi32, #tpu.memory_space<vmem>>, %arg8: memref<2x640xi32, #tpu.memory_space<vmem>>, %arg9: memref<2x640x32xbf16, #tpu.memory_space<vmem>>, %arg10: memref<100352x32xbf16, #tpu.memory_space<vmem_shared>>, %arg11: memref<!tpu.dma_semaphore, #tpu.memory_space<semaphore_mem>>, %arg12: memref<!tpu.dma_semaphore, #tpu.memory_space<semaphore_mem>>, %arg13: memref<!tpu.dma_semaphore, #tpu.memory_space<semaphore_mem>>) attributes {dimension_semantics = [#tpu.dimension_semantics<core_parallel>, #tpu.dimension_semantics<subcore_parallel>], iteration_bounds = array<i64: 2, 16>, scalar_prefetch = 0 : i64, scratch_operands = 7 : i64, tpu.core_type = #tpu.core_type<sc_vector_subcore>, window_params = [{transform_indices = #map}, {transform_indices = #map}, {transform_indices = #map1}, {transform_indices = #map1}, {transform_indices = #map2}]} {
    %mul3A = arith.constant 6272 : i32
    %mul3A_0 = arith.muli %arg1, %mul3A : i32
    %mul3A_1 = arith.constant 6272 : i32
    %mul3A_2 = arith.muli %arg1, %mul3A_1 : i32
    "tpu.region"() ({
      %run_scoped3A = tpu.sem_alloc : memref<!tpu.dma_semaphore, #tpu.memory_space<semaphore_mem>>
      %dma_start3A_89 = arith.constant 0 : i32
      %dma_start3A_90 = tpu.memref_slice %arg10[%mul3A_2, %dma_start3A_89] : memref<100352x32xbf16, #tpu.memory_space<vmem_shared>> -> memref<6272x32xbf16, #tpu.memory_space<vmem_shared>>
      %dma_start3A_91 = arith.constant 0 : i32
      %dma_start3A_92 = tpu.memref_slice %arg5[%mul3A_0, %dma_start3A_91] : memref<100352x32xbf16, #tpu.memory_space<hbm>> -> memref<6272x32xbf16, #tpu.memory_space<hbm>>
      tpu.enqueue_dma source(%dma_start3A_92 : memref<6272x32xbf16, #tpu.memory_space<hbm>>) target(%dma_start3A_90 : memref<6272x32xbf16, #tpu.memory_space<vmem_shared>>) target_semaphore(%run_scoped3A : memref<!tpu.dma_semaphore, #tpu.memory_space<semaphore_mem>>)
      %dma_wait3A_93 = arith.constant 0 : i32
      %dma_wait3A_94 = tpu.memref_slice %arg10[%mul3A_2, %dma_wait3A_93] : memref<100352x32xbf16, #tpu.memory_space<vmem_shared>> -> memref<6272x32xbf16, #tpu.memory_space<vmem_shared>>
      %dma_wait3A_95 = arith.constant 0 : i32
      %dma_wait3A_96 = tpu.memref_slice %arg5[%mul3A_0, %dma_wait3A_95] : memref<100352x32xbf16, #tpu.memory_space<hbm>> -> memref<6272x32xbf16, #tpu.memory_space<hbm>>
      tpu.wait_dma2 semaphore(%run_scoped3A : memref<!tpu.dma_semaphore, #tpu.memory_space<semaphore_mem>>) src(%dma_wait3A_96 : memref<6272x32xbf16, #tpu.memory_space<hbm>>) dst(%dma_wait3A_94 : memref<6272x32xbf16, #tpu.memory_space<vmem_shared>>)
      tpu.yield
    }) : () -> ()
    %barrier3A = arith.constant 0 : index
    tpu.barrier barrier_id(%barrier3A)
    %eq3A = arith.constant 0 : i32
    %eq3A_3 = arith.cmpi eq, %arg0, %eq3A : i32
    %jit3A = arith.constant 289 : i32
    %jit3A_4 = arith.constant 31 : i32
    %select_n3A = arith.select %eq3A_3, %jit3A, %jit3A_4 : i32
    %eq3A_5 = arith.constant 0 : i32
    %eq3A_6 = arith.cmpi eq, %arg0, %eq3A_5 : i32
    %jit3A_7 = arith.constant 0 : i32
    %jit3A_8 = arith.constant 2959360 : i32
    %select_n3A_9 = arith.select %eq3A_6, %jit3A_7, %jit3A_8 : i32
    %mul3A_10 = arith.muli %arg1, %select_n3A : i32
    %mul3A_11 = arith.constant 640 : i32
    %mul3A_12 = arith.muli %mul3A_10, %mul3A_11 : i32
    %add3A = arith.addi %select_n3A_9, %mul3A_12 : i32
    %add3A_13 = arith.constant 0 : i32
    %add3A_14 = arith.addi %add3A, %add3A_13 : i32
    %dma_start3A = arith.constant 0 : i32
    %dma_start3A_15 = arith.constant 0 : i32
    %dma_start3A_16 = tpu.memref_slice %arg7[%dma_start3A, %dma_start3A_15] : memref<2x640xi32, #tpu.memory_space<vmem>> -> memref<1x640xi32, #tpu.memory_space<vmem>>
    %dma_start3A_17 = tpu.memref_squeeze %dma_start3A_16 : memref<1x640xi32, #tpu.memory_space<vmem>> -> memref<640xi32, #tpu.memory_space<vmem>>
    %dma_start3A_18 = tpu.memref_slice %arg2[%add3A_14] : memref<3276800xi32, #tpu.memory_space<hbm>> -> memref<640xi32, #tpu.memory_space<hbm>>
    %dma_start3A_19 = arith.constant 0 : i32
    %dma_start3A_20 = tpu.memref_slice %arg7[%dma_start3A, %dma_start3A_19] : memref<2x640xi32, #tpu.memory_space<vmem>> -> memref<1x640xi32, #tpu.memory_space<vmem>>
    %dma_start3A_21 = tpu.memref_squeeze %dma_start3A_20 : memref<1x640xi32, #tpu.memory_space<vmem>> -> memref<640xi32, #tpu.memory_space<vmem>>
    %dma_start3A_22 = tpu.memref_slice %arg2[%add3A_14] : memref<3276800xi32, #tpu.memory_space<hbm>> -> memref<640xi32, #tpu.memory_space<hbm>>
    tpu.enqueue_dma source(%dma_start3A_22 : memref<640xi32, #tpu.memory_space<hbm>>) target(%dma_start3A_21 : memref<640xi32, #tpu.memory_space<vmem>>) target_semaphore(%arg11 : memref<!tpu.dma_semaphore, #tpu.memory_space<semaphore_mem>>)
    %dma_start3A_23 = arith.constant 0 : i32
    %dma_start3A_24 = arith.constant 0 : i32
    %dma_start3A_25 = tpu.memref_slice %arg8[%dma_start3A_23, %dma_start3A_24] : memref<2x640xi32, #tpu.memory_space<vmem>> -> memref<1x640xi32, #tpu.memory_space<vmem>>
    %dma_start3A_26 = tpu.memref_squeeze %dma_start3A_25 : memref<1x640xi32, #tpu.memory_space<vmem>> -> memref<640xi32, #tpu.memory_space<vmem>>
    %dma_start3A_27 = tpu.memref_slice %arg3[%add3A_14] : memref<3276800xi32, #tpu.memory_space<hbm>> -> memref<640xi32, #tpu.memory_space<hbm>>
    %dma_start3A_28 = arith.constant 0 : i32
    %dma_start3A_29 = tpu.memref_slice %arg8[%dma_start3A_23, %dma_start3A_28] : memref<2x640xi32, #tpu.memory_space<vmem>> -> memref<1x640xi32, #tpu.memory_space<vmem>>
    %dma_start3A_30 = tpu.memref_squeeze %dma_start3A_29 : memref<1x640xi32, #tpu.memory_space<vmem>> -> memref<640xi32, #tpu.memory_space<vmem>>
    %dma_start3A_31 = tpu.memref_slice %arg3[%add3A_14] : memref<3276800xi32, #tpu.memory_space<hbm>> -> memref<640xi32, #tpu.memory_space<hbm>>
    tpu.enqueue_dma source(%dma_start3A_31 : memref<640xi32, #tpu.memory_space<hbm>>) target(%dma_start3A_30 : memref<640xi32, #tpu.memory_space<vmem>>) target_semaphore(%arg11 : memref<!tpu.dma_semaphore, #tpu.memory_space<semaphore_mem>>)
    %add3A_32 = arith.constant 0 : i32
    %add3A_33 = arith.addi %add3A, %add3A_32 : i32
    %dma_wait3A = arith.constant 0 : i32
    %dma_wait3A_34 = arith.constant 0 : i32
    %dma_wait3A_35 = tpu.memref_slice %arg7[%dma_wait3A, %dma_wait3A_34] : memref<2x640xi32, #tpu.memory_space<vmem>> -> memref<1x640xi32, #tpu.memory_space<vmem>>
    %dma_wait3A_36 = tpu.memref_squeeze %dma_wait3A_35 : memref<1x640xi32, #tpu.memory_space<vmem>> -> memref<640xi32, #tpu.memory_space<vmem>>
    %dma_wait3A_37 = tpu.memref_slice %arg2[%add3A_33] : memref<3276800xi32, #tpu.memory_space<hbm>> -> memref<640xi32, #tpu.memory_space<hbm>>
    %dma_wait3A_38 = arith.constant 0 : i32
    %dma_wait3A_39 = tpu.memref_slice %arg7[%dma_wait3A, %dma_wait3A_38] : memref<2x640xi32, #tpu.memory_space<vmem>> -> memref<1x640xi32, #tpu.memory_space<vmem>>
    %dma_wait3A_40 = tpu.memref_squeeze %dma_wait3A_39 : memref<1x640xi32, #tpu.memory_space<vmem>> -> memref<640xi32, #tpu.memory_space<vmem>>
    %dma_wait3A_41 = tpu.memref_slice %arg2[%add3A_33] : memref<3276800xi32, #tpu.memory_space<hbm>> -> memref<640xi32, #tpu.memory_space<hbm>>
    tpu.wait_dma2 semaphore(%arg11 : memref<!tpu.dma_semaphore, #tpu.memory_space<semaphore_mem>>) src(%dma_wait3A_41 : memref<640xi32, #tpu.memory_space<hbm>>) dst(%dma_wait3A_40 : memref<640xi32, #tpu.memory_space<vmem>>)
    %dma_wait3A_42 = arith.constant 0 : i32
    %dma_wait3A_43 = arith.constant 0 : i32
    %dma_wait3A_44 = tpu.memref_slice %arg8[%dma_wait3A_42, %dma_wait3A_43] : memref<2x640xi32, #tpu.memory_space<vmem>> -> memref<1x640xi32, #tpu.memory_space<vmem>>
    %dma_wait3A_45 = tpu.memref_squeeze %dma_wait3A_44 : memref<1x640xi32, #tpu.memory_space<vmem>> -> memref<640xi32, #tpu.memory_space<vmem>>
    %dma_wait3A_46 = tpu.memref_slice %arg3[%add3A_33] : memref<3276800xi32, #tpu.memory_space<hbm>> -> memref<640xi32, #tpu.memory_space<hbm>>
    %dma_wait3A_47 = arith.constant 0 : i32
    %dma_wait3A_48 = tpu.memref_slice %arg8[%dma_wait3A_42, %dma_wait3A_47] : memref<2x640xi32, #tpu.memory_space<vmem>> -> memref<1x640xi32, #tpu.memory_space<vmem>>
    %dma_wait3A_49 = tpu.memref_squeeze %dma_wait3A_48 : memref<1x640xi32, #tpu.memory_space<vmem>> -> memref<640xi32, #tpu.memory_space<vmem>>
    %dma_wait3A_50 = tpu.memref_slice %arg3[%add3A_33] : memref<3276800xi32, #tpu.memory_space<hbm>> -> memref<640xi32, #tpu.memory_space<hbm>>
    tpu.wait_dma2 semaphore(%arg11 : memref<!tpu.dma_semaphore, #tpu.memory_space<semaphore_mem>>) src(%dma_wait3A_50 : memref<640xi32, #tpu.memory_space<hbm>>) dst(%dma_wait3A_49 : memref<640xi32, #tpu.memory_space<vmem>>)
    %dma_start3A_51 = arith.constant 0 : i32
    %dma_start3A_52 = arith.constant 0 : i32
    %dma_start3A_53 = arith.constant 0 : i32
    %dma_start3A_54 = arith.constant 0 : i32
    %dma_start3A_55 = tpu.memref_slice %arg9[%dma_start3A_52, %dma_start3A_53, %dma_start3A_54] : memref<2x640x32xbf16, #tpu.memory_space<vmem>> -> memref<1x640x32xbf16, #tpu.memory_space<vmem>>
    %dma_start3A_56 = tpu.memref_squeeze %dma_start3A_55 : memref<1x640x32xbf16, #tpu.memory_space<vmem>> -> memref<640x32xbf16, #tpu.memory_space<vmem>>
    %dma_start3A_57 = arith.constant 0 : i32
    %dma_start3A_58 = tpu.memref_slice %arg7[%dma_start3A_51, %dma_start3A_57] : memref<2x640xi32, #tpu.memory_space<vmem>> -> memref<1x640xi32, #tpu.memory_space<vmem>>
    %dma_start3A_59 = tpu.memref_squeeze %dma_start3A_58 : memref<1x640xi32, #tpu.memory_space<vmem>> -> memref<640xi32, #tpu.memory_space<vmem>>
    %dma_start3A_60 = arith.constant 0 : i32
    %dma_start3A_61 = arith.constant 0 : i32
    %dma_start3A_62 = tpu.memref_slice %arg4[%dma_start3A_60, %dma_start3A_61] : memref<100352x32xbf16, #tpu.memory_space<hbm>> -> memref<100352x32xbf16, #tpu.memory_space<hbm>>
    tpu.enqueue_indirect_dma source(%dma_start3A_62 : memref<100352x32xbf16, #tpu.memory_space<hbm>>) target(%dma_start3A_56 : memref<640x32xbf16, #tpu.memory_space<vmem>>) offsets(%dma_start3A_59 : memref<640xi32, #tpu.memory_space<vmem>>) semaphore(%arg12 : memref<!tpu.dma_semaphore, #tpu.memory_space<semaphore_mem>>)
    %while3A = arith.constant 0 : i32
    %while3A_63 = arith.constant 0 : i32
    %while3A_64 = arith.subi %select_n3A, %while3A_63 : i32
    %while3A_65 = arith.addi %while3A_63, %while3A_64 : i32
    %while3A_66 = arith.constant 1 : i32
    %while3A_67 = arith.divsi %while3A_64, %while3A_66 : i32
    %while3A_68 = arith.muli %while3A_67, %while3A_66 : i32
    %while3A_69 = arith.addi %while3A_63, %while3A_68 : i32
    %while3A_70 = arith.constant 1 : i32
    scf.for %while3A_89 = %while3A_63 to %while3A_69 step %while3A_70  : i32 {
      %jit3A_90 = arith.constant 2 : i32
      %eq3A_91 = arith.constant 0 : i32
      %eq3A_92 = arith.cmpi eq, %jit3A_90, %eq3A_91 : i32
      %jit3A_93 = arith.constant 1 : i32
      %select_n3A_94 = arith.select %eq3A_92, %jit3A_93, %jit3A_90 : i32
      %rem3A = arith.remsi %while3A_89, %select_n3A_94 : i32
      %ne3A = arith.constant 0 : i32
      %ne3A_95 = arith.cmpi ne, %rem3A, %ne3A : i32
      %lt3A = arith.constant 0 : i32
      %lt3A_96 = arith.cmpi slt, %rem3A, %lt3A : i32
      %lt3A_97 = arith.constant 0 : i32
      %lt3A_98 = arith.cmpi slt, %select_n3A_94, %lt3A_97 : i32
      %ne3A_99 = arith.xori %lt3A_96, %lt3A_98 : i1
      %and3A = arith.andi %ne3A_99, %ne3A_95 : i1
      %add3A_100 = arith.addi %rem3A, %select_n3A_94 : i32
      %select_n3A_101 = arith.select %and3A, %add3A_100, %rem3A : i32
      %sub3A = arith.constant 1 : i32
      %sub3A_102 = arith.subi %sub3A, %select_n3A_101 : i32
      %gt3A = arith.constant 0 : i32
      %gt3A_103 = arith.cmpi sgt, %while3A_89, %gt3A : i32
      %convert_element_type3A = arith.extui %gt3A_103 : i1 to i32
      %cond3A = arith.constant 0 : i32
      %cond3A_104 = arith.cmpi ne, %convert_element_type3A, %cond3A : i32
      scf.if %cond3A_104 {
        %dma_wait3A_137 = arith.constant 0 : i32
        %dma_wait3A_138 = arith.constant 0 : i32
        %dma_wait3A_139 = tpu.memref_slice %arg9[%sub3A_102, %dma_wait3A_137, %dma_wait3A_138] : memref<2x640x32xbf16, #tpu.memory_space<vmem>> -> memref<1x640x32xbf16, #tpu.memory_space<vmem>>
        %dma_wait3A_140 = tpu.memref_squeeze %dma_wait3A_139 : memref<1x640x32xbf16, #tpu.memory_space<vmem>> -> memref<640x32xbf16, #tpu.memory_space<vmem>>
        %dma_wait3A_141 = arith.constant 0 : i32
        %dma_wait3A_142 = tpu.memref_slice %arg8[%sub3A_102, %dma_wait3A_141] : memref<2x640xi32, #tpu.memory_space<vmem>> -> memref<1x640xi32, #tpu.memory_space<vmem>>
        %dma_wait3A_143 = tpu.memref_squeeze %dma_wait3A_142 : memref<1x640xi32, #tpu.memory_space<vmem>> -> memref<640xi32, #tpu.memory_space<vmem>>
        %dma_wait3A_144 = arith.constant 0 : i32
        %dma_wait3A_145 = arith.constant 0 : i32
        %dma_wait3A_146 = tpu.memref_slice %arg10[%dma_wait3A_144, %dma_wait3A_145] : memref<100352x32xbf16, #tpu.memory_space<vmem_shared>> -> memref<100352x32xbf16, #tpu.memory_space<vmem_shared>>
        tpu.wait_indirect_dma semaphore(%arg13 : memref<!tpu.dma_semaphore, #tpu.memory_space<semaphore_mem>>) src(%dma_wait3A_140 : memref<640x32xbf16, #tpu.memory_space<vmem>>) dst(%dma_wait3A_146 : memref<100352x32xbf16, #tpu.memory_space<vmem_shared>>)
      } else {
      }
      %add3A_105 = arith.constant 1 : i32
      %add3A_106 = arith.addi %while3A_89, %add3A_105 : i32
      %lt3A_107 = arith.cmpi slt, %add3A_106, %select_n3A : i32
      %convert_element_type3A_108 = arith.extui %lt3A_107 : i1 to i32
      %cond3A_109 = arith.constant 0 : i32
      %cond3A_110 = arith.cmpi ne, %convert_element_type3A_108, %cond3A_109 : i32
      scf.if %cond3A_110 {
        %add3A_137 = arith.constant 1 : i32
        %add3A_138 = arith.addi %while3A_89, %add3A_137 : i32
        %mul3A_139 = arith.constant 640 : i32
        %mul3A_140 = arith.muli %add3A_138, %mul3A_139 : i32
        %add3A_141 = arith.addi %add3A, %mul3A_140 : i32
        %dma_start3A_142 = arith.constant 0 : i32
        %dma_start3A_143 = tpu.memref_slice %arg7[%sub3A_102, %dma_start3A_142] : memref<2x640xi32, #tpu.memory_space<vmem>> -> memref<1x640xi32, #tpu.memory_space<vmem>>
        %dma_start3A_144 = tpu.memref_squeeze %dma_start3A_143 : memref<1x640xi32, #tpu.memory_space<vmem>> -> memref<640xi32, #tpu.memory_space<vmem>>
        %dma_start3A_145 = tpu.memref_slice %arg2[%add3A_141] : memref<3276800xi32, #tpu.memory_space<hbm>> -> memref<640xi32, #tpu.memory_space<hbm>>
        %dma_start3A_146 = arith.constant 0 : i32
        %dma_start3A_147 = tpu.memref_slice %arg7[%sub3A_102, %dma_start3A_146] : memref<2x640xi32, #tpu.memory_space<vmem>> -> memref<1x640xi32, #tpu.memory_space<vmem>>
        %dma_start3A_148 = tpu.memref_squeeze %dma_start3A_147 : memref<1x640xi32, #tpu.memory_space<vmem>> -> memref<640xi32, #tpu.memory_space<vmem>>
        %dma_start3A_149 = tpu.memref_slice %arg2[%add3A_141] : memref<3276800xi32, #tpu.memory_space<hbm>> -> memref<640xi32, #tpu.memory_space<hbm>>
        tpu.enqueue_dma source(%dma_start3A_149 : memref<640xi32, #tpu.memory_space<hbm>>) target(%dma_start3A_148 : memref<640xi32, #tpu.memory_space<vmem>>) target_semaphore(%arg11 : memref<!tpu.dma_semaphore, #tpu.memory_space<semaphore_mem>>)
        %dma_start3A_150 = arith.constant 0 : i32
        %dma_start3A_151 = tpu.memref_slice %arg8[%sub3A_102, %dma_start3A_150] : memref<2x640xi32, #tpu.memory_space<vmem>> -> memref<1x640xi32, #tpu.memory_space<vmem>>
        %dma_start3A_152 = tpu.memref_squeeze %dma_start3A_151 : memref<1x640xi32, #tpu.memory_space<vmem>> -> memref<640xi32, #tpu.memory_space<vmem>>
        %dma_start3A_153 = tpu.memref_slice %arg3[%add3A_141] : memref<3276800xi32, #tpu.memory_space<hbm>> -> memref<640xi32, #tpu.memory_space<hbm>>
        %dma_start3A_154 = arith.constant 0 : i32
        %dma_start3A_155 = tpu.memref_slice %arg8[%sub3A_102, %dma_start3A_154] : memref<2x640xi32, #tpu.memory_space<vmem>> -> memref<1x640xi32, #tpu.memory_space<vmem>>
        %dma_start3A_156 = tpu.memref_squeeze %dma_start3A_155 : memref<1x640xi32, #tpu.memory_space<vmem>> -> memref<640xi32, #tpu.memory_space<vmem>>
        %dma_start3A_157 = tpu.memref_slice %arg3[%add3A_141] : memref<3276800xi32, #tpu.memory_space<hbm>> -> memref<640xi32, #tpu.memory_space<hbm>>
        tpu.enqueue_dma source(%dma_start3A_157 : memref<640xi32, #tpu.memory_space<hbm>>) target(%dma_start3A_156 : memref<640xi32, #tpu.memory_space<vmem>>) target_semaphore(%arg11 : memref<!tpu.dma_semaphore, #tpu.memory_space<semaphore_mem>>)
      } else {
      }
      %dma_wait3A_111 = arith.constant 0 : i32
      %dma_wait3A_112 = arith.constant 0 : i32
      %dma_wait3A_113 = tpu.memref_slice %arg9[%select_n3A_101, %dma_wait3A_111, %dma_wait3A_112] : memref<2x640x32xbf16, #tpu.memory_space<vmem>> -> memref<1x640x32xbf16, #tpu.memory_space<vmem>>
      %dma_wait3A_114 = tpu.memref_squeeze %dma_wait3A_113 : memref<1x640x32xbf16, #tpu.memory_space<vmem>> -> memref<640x32xbf16, #tpu.memory_space<vmem>>
      %dma_wait3A_115 = arith.constant 0 : i32
      %dma_wait3A_116 = tpu.memref_slice %arg7[%select_n3A_101, %dma_wait3A_115] : memref<2x640xi32, #tpu.memory_space<vmem>> -> memref<1x640xi32, #tpu.memory_space<vmem>>
      %dma_wait3A_117 = tpu.memref_squeeze %dma_wait3A_116 : memref<1x640xi32, #tpu.memory_space<vmem>> -> memref<640xi32, #tpu.memory_space<vmem>>
      %dma_wait3A_118 = arith.constant 0 : i32
      %dma_wait3A_119 = arith.constant 0 : i32
      %dma_wait3A_120 = tpu.memref_slice %arg4[%dma_wait3A_118, %dma_wait3A_119] : memref<100352x32xbf16, #tpu.memory_space<hbm>> -> memref<100352x32xbf16, #tpu.memory_space<hbm>>
      tpu.wait_indirect_dma semaphore(%arg12 : memref<!tpu.dma_semaphore, #tpu.memory_space<semaphore_mem>>) src(%dma_wait3A_120 : memref<100352x32xbf16, #tpu.memory_space<hbm>>) dst(%dma_wait3A_114 : memref<640x32xbf16, #tpu.memory_space<vmem>>)
      %dma_start3A_121 = arith.constant 0 : i32
      %dma_start3A_122 = arith.constant 0 : i32
      %dma_start3A_123 = tpu.memref_slice %arg9[%select_n3A_101, %dma_start3A_121, %dma_start3A_122] : memref<2x640x32xbf16, #tpu.memory_space<vmem>> -> memref<1x640x32xbf16, #tpu.memory_space<vmem>>
      %dma_start3A_124 = tpu.memref_squeeze %dma_start3A_123 : memref<1x640x32xbf16, #tpu.memory_space<vmem>> -> memref<640x32xbf16, #tpu.memory_space<vmem>>
      %dma_start3A_125 = arith.constant 0 : i32
      %dma_start3A_126 = tpu.memref_slice %arg8[%select_n3A_101, %dma_start3A_125] : memref<2x640xi32, #tpu.memory_space<vmem>> -> memref<1x640xi32, #tpu.memory_space<vmem>>
      %dma_start3A_127 = tpu.memref_squeeze %dma_start3A_126 : memref<1x640xi32, #tpu.memory_space<vmem>> -> memref<640xi32, #tpu.memory_space<vmem>>
      %dma_start3A_128 = arith.constant 0 : i32
      %dma_start3A_129 = arith.constant 0 : i32
      %dma_start3A_130 = tpu.memref_slice %arg10[%dma_start3A_128, %dma_start3A_129] : memref<100352x32xbf16, #tpu.memory_space<vmem_shared>> -> memref<100352x32xbf16, #tpu.memory_space<vmem_shared>>
      tpu.enqueue_indirect_dma source(%dma_start3A_124 : memref<640x32xbf16, #tpu.memory_space<vmem>>) target(%dma_start3A_130 : memref<100352x32xbf16, #tpu.memory_space<vmem_shared>>) offsets(%dma_start3A_127 : memref<640xi32, #tpu.memory_space<vmem>>) semaphore(%arg13 : memref<!tpu.dma_semaphore, #tpu.memory_space<semaphore_mem>>) {add = true}
      %add3A_131 = arith.constant 1 : i32
      %add3A_132 = arith.addi %while3A_89, %add3A_131 : i32
      %lt3A_133 = arith.cmpi slt, %add3A_132, %select_n3A : i32
      %convert_element_type3A_134 = arith.extui %lt3A_133 : i1 to i32
      %cond3A_135 = arith.constant 0 : i32
      %cond3A_136 = arith.cmpi ne, %convert_element_type3A_134, %cond3A_135 : i32
      scf.if %cond3A_136 {
        %add3A_137 = arith.constant 1 : i32
        %add3A_138 = arith.addi %while3A_89, %add3A_137 : i32
        %mul3A_139 = arith.constant 640 : i32
        %mul3A_140 = arith.muli %add3A_138, %mul3A_139 : i32
        %add3A_141 = arith.addi %add3A, %mul3A_140 : i32
        %dma_wait3A_142 = arith.constant 0 : i32
        %dma_wait3A_143 = tpu.memref_slice %arg7[%sub3A_102, %dma_wait3A_142] : memref<2x640xi32, #tpu.memory_space<vmem>> -> memref<1x640xi32, #tpu.memory_space<vmem>>
        %dma_wait3A_144 = tpu.memref_squeeze %dma_wait3A_143 : memref<1x640xi32, #tpu.memory_space<vmem>> -> memref<640xi32, #tpu.memory_space<vmem>>
        %dma_wait3A_145 = tpu.memref_slice %arg2[%add3A_141] : memref<3276800xi32, #tpu.memory_space<hbm>> -> memref<640xi32, #tpu.memory_space<hbm>>
        %dma_wait3A_146 = arith.constant 0 : i32
        %dma_wait3A_147 = tpu.memref_slice %arg7[%sub3A_102, %dma_wait3A_146] : memref<2x640xi32, #tpu.memory_space<vmem>> -> memref<1x640xi32, #tpu.memory_space<vmem>>
        %dma_wait3A_148 = tpu.memref_squeeze %dma_wait3A_147 : memref<1x640xi32, #tpu.memory_space<vmem>> -> memref<640xi32, #tpu.memory_space<vmem>>
        %dma_wait3A_149 = tpu.memref_slice %arg2[%add3A_141] : memref<3276800xi32, #tpu.memory_space<hbm>> -> memref<640xi32, #tpu.memory_space<hbm>>
        tpu.wait_dma2 semaphore(%arg11 : memref<!tpu.dma_semaphore, #tpu.memory_space<semaphore_mem>>) src(%dma_wait3A_149 : memref<640xi32, #tpu.memory_space<hbm>>) dst(%dma_wait3A_148 : memref<640xi32, #tpu.memory_space<vmem>>)
        %dma_wait3A_150 = arith.constant 0 : i32
        %dma_wait3A_151 = tpu.memref_slice %arg8[%sub3A_102, %dma_wait3A_150] : memref<2x640xi32, #tpu.memory_space<vmem>> -> memref<1x640xi32, #tpu.memory_space<vmem>>
        %dma_wait3A_152 = tpu.memref_squeeze %dma_wait3A_151 : memref<1x640xi32, #tpu.memory_space<vmem>> -> memref<640xi32, #tpu.memory_space<vmem>>
        %dma_wait3A_153 = tpu.memref_slice %arg3[%add3A_141] : memref<3276800xi32, #tpu.memory_space<hbm>> -> memref<640xi32, #tpu.memory_space<hbm>>
        %dma_wait3A_154 = arith.constant 0 : i32
        %dma_wait3A_155 = tpu.memref_slice %arg8[%sub3A_102, %dma_wait3A_154] : memref<2x640xi32, #tpu.memory_space<vmem>> -> memref<1x640xi32, #tpu.memory_space<vmem>>
        %dma_wait3A_156 = tpu.memref_squeeze %dma_wait3A_155 : memref<1x640xi32, #tpu.memory_space<vmem>> -> memref<640xi32, #tpu.memory_space<vmem>>
        %dma_wait3A_157 = tpu.memref_slice %arg3[%add3A_141] : memref<3276800xi32, #tpu.memory_space<hbm>> -> memref<640xi32, #tpu.memory_space<hbm>>
        tpu.wait_dma2 semaphore(%arg11 : memref<!tpu.dma_semaphore, #tpu.memory_space<semaphore_mem>>) src(%dma_wait3A_157 : memref<640xi32, #tpu.memory_space<hbm>>) dst(%dma_wait3A_156 : memref<640xi32, #tpu.memory_space<vmem>>)
        %dma_start3A_158 = arith.constant 0 : i32
        %dma_start3A_159 = arith.constant 0 : i32
        %dma_start3A_160 = tpu.memref_slice %arg9[%sub3A_102, %dma_start3A_158, %dma_start3A_159] : memref<2x640x32xbf16, #tpu.memory_space<vmem>> -> memref<1x640x32xbf16, #tpu.memory_space<vmem>>
        %dma_start3A_161 = tpu.memref_squeeze %dma_start3A_160 : memref<1x640x32xbf16, #tpu.memory_space<vmem>> -> memref<640x32xbf16, #tpu.memory_space<vmem>>
        %dma_start3A_162 = arith.constant 0 : i32
        %dma_start3A_163 = tpu.memref_slice %arg7[%sub3A_102, %dma_start3A_162] : memref<2x640xi32, #tpu.memory_space<vmem>> -> memref<1x640xi32, #tpu.memory_space<vmem>>
        %dma_start3A_164 = tpu.memref_squeeze %dma_start3A_163 : memref<1x640xi32, #tpu.memory_space<vmem>> -> memref<640xi32, #tpu.memory_space<vmem>>
        %dma_start3A_165 = arith.constant 0 : i32
        %dma_start3A_166 = arith.constant 0 : i32
        %dma_start3A_167 = tpu.memref_slice %arg4[%dma_start3A_165, %dma_start3A_166] : memref<100352x32xbf16, #tpu.memory_space<hbm>> -> memref<100352x32xbf16, #tpu.memory_space<hbm>>
        tpu.enqueue_indirect_dma source(%dma_start3A_167 : memref<100352x32xbf16, #tpu.memory_space<hbm>>) target(%dma_start3A_161 : memref<640x32xbf16, #tpu.memory_space<vmem>>) offsets(%dma_start3A_164 : memref<640xi32, #tpu.memory_space<vmem>>) semaphore(%arg12 : memref<!tpu.dma_semaphore, #tpu.memory_space<semaphore_mem>>)
      } else {
      }
    }
    %while3A_71 = arith.constant 1 : i32
    scf.for %while3A_89 = %while3A_69 to %while3A_65 step %while3A_71  : i32 {
      %jit3A_90 = arith.constant 2 : i32
      %eq3A_91 = arith.constant 0 : i32
      %eq3A_92 = arith.cmpi eq, %jit3A_90, %eq3A_91 : i32
      %jit3A_93 = arith.constant 1 : i32
      %select_n3A_94 = arith.select %eq3A_92, %jit3A_93, %jit3A_90 : i32
      %rem3A = arith.remsi %while3A_89, %select_n3A_94 : i32
      %ne3A = arith.constant 0 : i32
      %ne3A_95 = arith.cmpi ne, %rem3A, %ne3A : i32
      %lt3A = arith.constant 0 : i32
      %lt3A_96 = arith.cmpi slt, %rem3A, %lt3A : i32
      %lt3A_97 = arith.constant 0 : i32
      %lt3A_98 = arith.cmpi slt, %select_n3A_94, %lt3A_97 : i32
      %ne3A_99 = arith.xori %lt3A_96, %lt3A_98 : i1
      %and3A = arith.andi %ne3A_99, %ne3A_95 : i1
      %add3A_100 = arith.addi %rem3A, %select_n3A_94 : i32
      %select_n3A_101 = arith.select %and3A, %add3A_100, %rem3A : i32
      %sub3A = arith.constant 1 : i32
      %sub3A_102 = arith.subi %sub3A, %select_n3A_101 : i32
      %gt3A = arith.constant 0 : i32
      %gt3A_103 = arith.cmpi sgt, %while3A_89, %gt3A : i32
      %convert_element_type3A = arith.extui %gt3A_103 : i1 to i32
      %cond3A = arith.constant 0 : i32
      %cond3A_104 = arith.cmpi ne, %convert_element_type3A, %cond3A : i32
      scf.if %cond3A_104 {
        %dma_wait3A_137 = arith.constant 0 : i32
        %dma_wait3A_138 = arith.constant 0 : i32
        %dma_wait3A_139 = tpu.memref_slice %arg9[%sub3A_102, %dma_wait3A_137, %dma_wait3A_138] : memref<2x640x32xbf16, #tpu.memory_space<vmem>> -> memref<1x640x32xbf16, #tpu.memory_space<vmem>>
        %dma_wait3A_140 = tpu.memref_squeeze %dma_wait3A_139 : memref<1x640x32xbf16, #tpu.memory_space<vmem>> -> memref<640x32xbf16, #tpu.memory_space<vmem>>
        %dma_wait3A_141 = arith.constant 0 : i32
        %dma_wait3A_142 = tpu.memref_slice %arg8[%sub3A_102, %dma_wait3A_141] : memref<2x640xi32, #tpu.memory_space<vmem>> -> memref<1x640xi32, #tpu.memory_space<vmem>>
        %dma_wait3A_143 = tpu.memref_squeeze %dma_wait3A_142 : memref<1x640xi32, #tpu.memory_space<vmem>> -> memref<640xi32, #tpu.memory_space<vmem>>
        %dma_wait3A_144 = arith.constant 0 : i32
        %dma_wait3A_145 = arith.constant 0 : i32
        %dma_wait3A_146 = tpu.memref_slice %arg10[%dma_wait3A_144, %dma_wait3A_145] : memref<100352x32xbf16, #tpu.memory_space<vmem_shared>> -> memref<100352x32xbf16, #tpu.memory_space<vmem_shared>>
        tpu.wait_indirect_dma semaphore(%arg13 : memref<!tpu.dma_semaphore, #tpu.memory_space<semaphore_mem>>) src(%dma_wait3A_140 : memref<640x32xbf16, #tpu.memory_space<vmem>>) dst(%dma_wait3A_146 : memref<100352x32xbf16, #tpu.memory_space<vmem_shared>>)
      } else {
      }
      %add3A_105 = arith.constant 1 : i32
      %add3A_106 = arith.addi %while3A_89, %add3A_105 : i32
      %lt3A_107 = arith.cmpi slt, %add3A_106, %select_n3A : i32
      %convert_element_type3A_108 = arith.extui %lt3A_107 : i1 to i32
      %cond3A_109 = arith.constant 0 : i32
      %cond3A_110 = arith.cmpi ne, %convert_element_type3A_108, %cond3A_109 : i32
      scf.if %cond3A_110 {
        %add3A_137 = arith.constant 1 : i32
        %add3A_138 = arith.addi %while3A_89, %add3A_137 : i32
        %mul3A_139 = arith.constant 640 : i32
        %mul3A_140 = arith.muli %add3A_138, %mul3A_139 : i32
        %add3A_141 = arith.addi %add3A, %mul3A_140 : i32
        %dma_start3A_142 = arith.constant 0 : i32
        %dma_start3A_143 = tpu.memref_slice %arg7[%sub3A_102, %dma_start3A_142] : memref<2x640xi32, #tpu.memory_space<vmem>> -> memref<1x640xi32, #tpu.memory_space<vmem>>
        %dma_start3A_144 = tpu.memref_squeeze %dma_start3A_143 : memref<1x640xi32, #tpu.memory_space<vmem>> -> memref<640xi32, #tpu.memory_space<vmem>>
        %dma_start3A_145 = tpu.memref_slice %arg2[%add3A_141] : memref<3276800xi32, #tpu.memory_space<hbm>> -> memref<640xi32, #tpu.memory_space<hbm>>
        %dma_start3A_146 = arith.constant 0 : i32
        %dma_start3A_147 = tpu.memref_slice %arg7[%sub3A_102, %dma_start3A_146] : memref<2x640xi32, #tpu.memory_space<vmem>> -> memref<1x640xi32, #tpu.memory_space<vmem>>
        %dma_start3A_148 = tpu.memref_squeeze %dma_start3A_147 : memref<1x640xi32, #tpu.memory_space<vmem>> -> memref<640xi32, #tpu.memory_space<vmem>>
        %dma_start3A_149 = tpu.memref_slice %arg2[%add3A_141] : memref<3276800xi32, #tpu.memory_space<hbm>> -> memref<640xi32, #tpu.memory_space<hbm>>
        tpu.enqueue_dma source(%dma_start3A_149 : memref<640xi32, #tpu.memory_space<hbm>>) target(%dma_start3A_148 : memref<640xi32, #tpu.memory_space<vmem>>) target_semaphore(%arg11 : memref<!tpu.dma_semaphore, #tpu.memory_space<semaphore_mem>>)
        %dma_start3A_150 = arith.constant 0 : i32
        %dma_start3A_151 = tpu.memref_slice %arg8[%sub3A_102, %dma_start3A_150] : memref<2x640xi32, #tpu.memory_space<vmem>> -> memref<1x640xi32, #tpu.memory_space<vmem>>
        %dma_start3A_152 = tpu.memref_squeeze %dma_start3A_151 : memref<1x640xi32, #tpu.memory_space<vmem>> -> memref<640xi32, #tpu.memory_space<vmem>>
        %dma_start3A_153 = tpu.memref_slice %arg3[%add3A_141] : memref<3276800xi32, #tpu.memory_space<hbm>> -> memref<640xi32, #tpu.memory_space<hbm>>
        %dma_start3A_154 = arith.constant 0 : i32
        %dma_start3A_155 = tpu.memref_slice %arg8[%sub3A_102, %dma_start3A_154] : memref<2x640xi32, #tpu.memory_space<vmem>> -> memref<1x640xi32, #tpu.memory_space<vmem>>
        %dma_start3A_156 = tpu.memref_squeeze %dma_start3A_155 : memref<1x640xi32, #tpu.memory_space<vmem>> -> memref<640xi32, #tpu.memory_space<vmem>>
        %dma_start3A_157 = tpu.memref_slice %arg3[%add3A_141] : memref<3276800xi32, #tpu.memory_space<hbm>> -> memref<640xi32, #tpu.memory_space<hbm>>
        tpu.enqueue_dma source(%dma_start3A_157 : memref<640xi32, #tpu.memory_space<hbm>>) target(%dma_start3A_156 : memref<640xi32, #tpu.memory_space<vmem>>) target_semaphore(%arg11 : memref<!tpu.dma_semaphore, #tpu.memory_space<semaphore_mem>>)
      } else {
      }
      %dma_wait3A_111 = arith.constant 0 : i32
      %dma_wait3A_112 = arith.constant 0 : i32
      %dma_wait3A_113 = tpu.memref_slice %arg9[%select_n3A_101, %dma_wait3A_111, %dma_wait3A_112] : memref<2x640x32xbf16, #tpu.memory_space<vmem>> -> memref<1x640x32xbf16, #tpu.memory_space<vmem>>
      %dma_wait3A_114 = tpu.memref_squeeze %dma_wait3A_113 : memref<1x640x32xbf16, #tpu.memory_space<vmem>> -> memref<640x32xbf16, #tpu.memory_space<vmem>>
      %dma_wait3A_115 = arith.constant 0 : i32
      %dma_wait3A_116 = tpu.memref_slice %arg7[%select_n3A_101, %dma_wait3A_115] : memref<2x640xi32, #tpu.memory_space<vmem>> -> memref<1x640xi32, #tpu.memory_space<vmem>>
      %dma_wait3A_117 = tpu.memref_squeeze %dma_wait3A_116 : memref<1x640xi32, #tpu.memory_space<vmem>> -> memref<640xi32, #tpu.memory_space<vmem>>
      %dma_wait3A_118 = arith.constant 0 : i32
      %dma_wait3A_119 = arith.constant 0 : i32
      %dma_wait3A_120 = tpu.memref_slice %arg4[%dma_wait3A_118, %dma_wait3A_119] : memref<100352x32xbf16, #tpu.memory_space<hbm>> -> memref<100352x32xbf16, #tpu.memory_space<hbm>>
      tpu.wait_indirect_dma semaphore(%arg12 : memref<!tpu.dma_semaphore, #tpu.memory_space<semaphore_mem>>) src(%dma_wait3A_120 : memref<100352x32xbf16, #tpu.memory_space<hbm>>) dst(%dma_wait3A_114 : memref<640x32xbf16, #tpu.memory_space<vmem>>)
      %dma_start3A_121 = arith.constant 0 : i32
      %dma_start3A_122 = arith.constant 0 : i32
      %dma_start3A_123 = tpu.memref_slice %arg9[%select_n3A_101, %dma_start3A_121, %dma_start3A_122] : memref<2x640x32xbf16, #tpu.memory_space<vmem>> -> memref<1x640x32xbf16, #tpu.memory_space<vmem>>
      %dma_start3A_124 = tpu.memref_squeeze %dma_start3A_123 : memref<1x640x32xbf16, #tpu.memory_space<vmem>> -> memref<640x32xbf16, #tpu.memory_space<vmem>>
      %dma_start3A_125 = arith.constant 0 : i32
      %dma_start3A_126 = tpu.memref_slice %arg8[%select_n3A_101, %dma_start3A_125] : memref<2x640xi32, #tpu.memory_space<vmem>> -> memref<1x640xi32, #tpu.memory_space<vmem>>
      %dma_start3A_127 = tpu.memref_squeeze %dma_start3A_126 : memref<1x640xi32, #tpu.memory_space<vmem>> -> memref<640xi32, #tpu.memory_space<vmem>>
      %dma_start3A_128 = arith.constant 0 : i32
      %dma_start3A_129 = arith.constant 0 : i32
      %dma_start3A_130 = tpu.memref_slice %arg10[%dma_start3A_128, %dma_start3A_129] : memref<100352x32xbf16, #tpu.memory_space<vmem_shared>> -> memref<100352x32xbf16, #tpu.memory_space<vmem_shared>>
      tpu.enqueue_indirect_dma source(%dma_start3A_124 : memref<640x32xbf16, #tpu.memory_space<vmem>>) target(%dma_start3A_130 : memref<100352x32xbf16, #tpu.memory_space<vmem_shared>>) offsets(%dma_start3A_127 : memref<640xi32, #tpu.memory_space<vmem>>) semaphore(%arg13 : memref<!tpu.dma_semaphore, #tpu.memory_space<semaphore_mem>>) {add = true}
      %add3A_131 = arith.constant 1 : i32
      %add3A_132 = arith.addi %while3A_89, %add3A_131 : i32
      %lt3A_133 = arith.cmpi slt, %add3A_132, %select_n3A : i32
      %convert_element_type3A_134 = arith.extui %lt3A_133 : i1 to i32
      %cond3A_135 = arith.constant 0 : i32
      %cond3A_136 = arith.cmpi ne, %convert_element_type3A_134, %cond3A_135 : i32
      scf.if %cond3A_136 {
        %add3A_137 = arith.constant 1 : i32
        %add3A_138 = arith.addi %while3A_89, %add3A_137 : i32
        %mul3A_139 = arith.constant 640 : i32
        %mul3A_140 = arith.muli %add3A_138, %mul3A_139 : i32
        %add3A_141 = arith.addi %add3A, %mul3A_140 : i32
        %dma_wait3A_142 = arith.constant 0 : i32
        %dma_wait3A_143 = tpu.memref_slice %arg7[%sub3A_102, %dma_wait3A_142] : memref<2x640xi32, #tpu.memory_space<vmem>> -> memref<1x640xi32, #tpu.memory_space<vmem>>
        %dma_wait3A_144 = tpu.memref_squeeze %dma_wait3A_143 : memref<1x640xi32, #tpu.memory_space<vmem>> -> memref<640xi32, #tpu.memory_space<vmem>>
        %dma_wait3A_145 = tpu.memref_slice %arg2[%add3A_141] : memref<3276800xi32, #tpu.memory_space<hbm>> -> memref<640xi32, #tpu.memory_space<hbm>>
        %dma_wait3A_146 = arith.constant 0 : i32
        %dma_wait3A_147 = tpu.memref_slice %arg7[%sub3A_102, %dma_wait3A_146] : memref<2x640xi32, #tpu.memory_space<vmem>> -> memref<1x640xi32, #tpu.memory_space<vmem>>
        %dma_wait3A_148 = tpu.memref_squeeze %dma_wait3A_147 : memref<1x640xi32, #tpu.memory_space<vmem>> -> memref<640xi32, #tpu.memory_space<vmem>>
        %dma_wait3A_149 = tpu.memref_slice %arg2[%add3A_141] : memref<3276800xi32, #tpu.memory_space<hbm>> -> memref<640xi32, #tpu.memory_space<hbm>>
        tpu.wait_dma2 semaphore(%arg11 : memref<!tpu.dma_semaphore, #tpu.memory_space<semaphore_mem>>) src(%dma_wait3A_149 : memref<640xi32, #tpu.memory_space<hbm>>) dst(%dma_wait3A_148 : memref<640xi32, #tpu.memory_space<vmem>>)
        %dma_wait3A_150 = arith.constant 0 : i32
        %dma_wait3A_151 = tpu.memref_slice %arg8[%sub3A_102, %dma_wait3A_150] : memref<2x640xi32, #tpu.memory_space<vmem>> -> memref<1x640xi32, #tpu.memory_space<vmem>>
        %dma_wait3A_152 = tpu.memref_squeeze %dma_wait3A_151 : memref<1x640xi32, #tpu.memory_space<vmem>> -> memref<640xi32, #tpu.memory_space<vmem>>
        %dma_wait3A_153 = tpu.memref_slice %arg3[%add3A_141] : memref<3276800xi32, #tpu.memory_space<hbm>> -> memref<640xi32, #tpu.memory_space<hbm>>
        %dma_wait3A_154 = arith.constant 0 : i32
        %dma_wait3A_155 = tpu.memref_slice %arg8[%sub3A_102, %dma_wait3A_154] : memref<2x640xi32, #tpu.memory_space<vmem>> -> memref<1x640xi32, #tpu.memory_space<vmem>>
        %dma_wait3A_156 = tpu.memref_squeeze %dma_wait3A_155 : memref<1x640xi32, #tpu.memory_space<vmem>> -> memref<640xi32, #tpu.memory_space<vmem>>
        %dma_wait3A_157 = tpu.memref_slice %arg3[%add3A_141] : memref<3276800xi32, #tpu.memory_space<hbm>> -> memref<640xi32, #tpu.memory_space<hbm>>
        tpu.wait_dma2 semaphore(%arg11 : memref<!tpu.dma_semaphore, #tpu.memory_space<semaphore_mem>>) src(%dma_wait3A_157 : memref<640xi32, #tpu.memory_space<hbm>>) dst(%dma_wait3A_156 : memref<640xi32, #tpu.memory_space<vmem>>)
        %dma_start3A_158 = arith.constant 0 : i32
        %dma_start3A_159 = arith.constant 0 : i32
        %dma_start3A_160 = tpu.memref_slice %arg9[%sub3A_102, %dma_start3A_158, %dma_start3A_159] : memref<2x640x32xbf16, #tpu.memory_space<vmem>> -> memref<1x640x32xbf16, #tpu.memory_space<vmem>>
        %dma_start3A_161 = tpu.memref_squeeze %dma_start3A_160 : memref<1x640x32xbf16, #tpu.memory_space<vmem>> -> memref<640x32xbf16, #tpu.memory_space<vmem>>
        %dma_start3A_162 = arith.constant 0 : i32
        %dma_start3A_163 = tpu.memref_slice %arg7[%sub3A_102, %dma_start3A_162] : memref<2x640xi32, #tpu.memory_space<vmem>> -> memref<1x640xi32, #tpu.memory_space<vmem>>
        %dma_start3A_164 = tpu.memref_squeeze %dma_start3A_163 : memref<1x640xi32, #tpu.memory_space<vmem>> -> memref<640xi32, #tpu.memory_space<vmem>>
        %dma_start3A_165 = arith.constant 0 : i32
        %dma_start3A_166 = arith.constant 0 : i32
        %dma_start3A_167 = tpu.memref_slice %arg4[%dma_start3A_165, %dma_start3A_166] : memref<100352x32xbf16, #tpu.memory_space<hbm>> -> memref<100352x32xbf16, #tpu.memory_space<hbm>>
        tpu.enqueue_indirect_dma source(%dma_start3A_167 : memref<100352x32xbf16, #tpu.memory_space<hbm>>) target(%dma_start3A_161 : memref<640x32xbf16, #tpu.memory_space<vmem>>) offsets(%dma_start3A_164 : memref<640xi32, #tpu.memory_space<vmem>>) semaphore(%arg12 : memref<!tpu.dma_semaphore, #tpu.memory_space<semaphore_mem>>)
      } else {
      }
    }
    %dma_wait3A_72 = arith.constant 0 : i32
    %dma_wait3A_73 = arith.constant 0 : i32
    %dma_wait3A_74 = arith.constant 0 : i32
    %dma_wait3A_75 = arith.constant 0 : i32
    %dma_wait3A_76 = tpu.memref_slice %arg9[%dma_wait3A_72, %dma_wait3A_74, %dma_wait3A_75] : memref<2x640x32xbf16, #tpu.memory_space<vmem>> -> memref<1x640x32xbf16, #tpu.memory_space<vmem>>
    %dma_wait3A_77 = tpu.memref_squeeze %dma_wait3A_76 : memref<1x640x32xbf16, #tpu.memory_space<vmem>> -> memref<640x32xbf16, #tpu.memory_space<vmem>>
    %dma_wait3A_78 = arith.constant 0 : i32
    %dma_wait3A_79 = tpu.memref_slice %arg8[%dma_wait3A_73, %dma_wait3A_78] : memref<2x640xi32, #tpu.memory_space<vmem>> -> memref<1x640xi32, #tpu.memory_space<vmem>>
    %dma_wait3A_80 = tpu.memref_squeeze %dma_wait3A_79 : memref<1x640xi32, #tpu.memory_space<vmem>> -> memref<640xi32, #tpu.memory_space<vmem>>
    %dma_wait3A_81 = arith.constant 0 : i32
    %dma_wait3A_82 = arith.constant 0 : i32
    %dma_wait3A_83 = tpu.memref_slice %arg10[%dma_wait3A_81, %dma_wait3A_82] : memref<100352x32xbf16, #tpu.memory_space<vmem_shared>> -> memref<100352x32xbf16, #tpu.memory_space<vmem_shared>>
    tpu.wait_indirect_dma semaphore(%arg13 : memref<!tpu.dma_semaphore, #tpu.memory_space<semaphore_mem>>) src(%dma_wait3A_77 : memref<640x32xbf16, #tpu.memory_space<vmem>>) dst(%dma_wait3A_83 : memref<100352x32xbf16, #tpu.memory_space<vmem_shared>>)
    %barrier3A_84 = arith.constant 0 : index
    tpu.barrier barrier_id(%barrier3A_84)
    %mul3A_85 = arith.constant 6272 : i32
    %mul3A_86 = arith.muli %arg1, %mul3A_85 : i32
    %mul3A_87 = arith.constant 6272 : i32
    %mul3A_88 = arith.muli %arg1, %mul3A_87 : i32
    "tpu.region"() ({
      %run_scoped3A = tpu.sem_alloc : memref<!tpu.dma_semaphore, #tpu.memory_space<semaphore_mem>>
      %dma_start3A_89 = arith.constant 0 : i32
      %dma_start3A_90 = tpu.memref_slice %arg6[%arg0, %mul3A_88, %dma_start3A_89] : memref<2x100352x32xbf16, #tpu.memory_space<hbm>> -> memref<1x6272x32xbf16, #tpu.memory_space<hbm>>
      %dma_start3A_91 = tpu.memref_squeeze %dma_start3A_90 : memref<1x6272x32xbf16, #tpu.memory_space<hbm>> -> memref<6272x32xbf16, #tpu.memory_space<hbm>>
      %dma_start3A_92 = arith.constant 0 : i32
      %dma_start3A_93 = tpu.memref_slice %arg10[%mul3A_86, %dma_start3A_92] : memref<100352x32xbf16, #tpu.memory_space<vmem_shared>> -> memref<6272x32xbf16, #tpu.memory_space<vmem_shared>>
      tpu.enqueue_dma source(%dma_start3A_93 : memref<6272x32xbf16, #tpu.memory_space<vmem_shared>>) target(%dma_start3A_91 : memref<6272x32xbf16, #tpu.memory_space<hbm>>) target_semaphore(%run_scoped3A : memref<!tpu.dma_semaphore, #tpu.memory_space<semaphore_mem>>)
      %dma_wait3A_94 = arith.constant 0 : i32
      %dma_wait3A_95 = tpu.memref_slice %arg6[%arg0, %mul3A_88, %dma_wait3A_94] : memref<2x100352x32xbf16, #tpu.memory_space<hbm>> -> memref<1x6272x32xbf16, #tpu.memory_space<hbm>>
      %dma_wait3A_96 = tpu.memref_squeeze %dma_wait3A_95 : memref<1x6272x32xbf16, #tpu.memory_space<hbm>> -> memref<6272x32xbf16, #tpu.memory_space<hbm>>
      %dma_wait3A_97 = arith.constant 0 : i32
      %dma_wait3A_98 = tpu.memref_slice %arg10[%mul3A_86, %dma_wait3A_97] : memref<100352x32xbf16, #tpu.memory_space<vmem_shared>> -> memref<6272x32xbf16, #tpu.memory_space<vmem_shared>>
      tpu.wait_dma2 semaphore(%run_scoped3A : memref<!tpu.dma_semaphore, #tpu.memory_space<semaphore_mem>>) src(%dma_wait3A_98 : memref<6272x32xbf16, #tpu.memory_space<vmem_shared>>) dst(%dma_wait3A_96 : memref<6272x32xbf16, #tpu.memory_space<hbm>>)
      tpu.yield
    }) : () -> ()
    return
  }
}

#map = affine_map<(d0, d1) -> (0)>
#map1 = affine_map<(d0, d1) -> (0, 0)>
#map2 = affine_map<(d0, d1) -> (0, 0, 0)>
module attributes {stable_mosaic.version = 14 : i64} {
  func.func @k(%arg0: i32, %arg1: i32, %arg2: memref<3276800xi32, #tpu.memory_space<hbm>>, %arg3: memref<3276800xi32, #tpu.memory_space<hbm>>, %arg4: memref<100352x32xbf16, #tpu.memory_space<hbm>>, %arg5: memref<100352x32xbf16, #tpu.memory_space<hbm>>, %arg6: memref<2x100352x32xbf16, #tpu.memory_space<hbm>>, %arg7: memref<2x640xi32, #tpu.memory_space<vmem>>, %arg8: memref<2x640xi32, #tpu.memory_space<vmem>>, %arg9: memref<2x640x32xbf16, #tpu.memory_space<vmem>>, %arg10: memref<100352x32xbf16, #tpu.memory_space<vmem_shared>>, %arg11: memref<!tpu.dma_semaphore, #tpu.memory_space<semaphore_mem>>, %arg12: memref<!tpu.dma_semaphore, #tpu.memory_space<semaphore_mem>>, %arg13: memref<!tpu.dma_semaphore, #tpu.memory_space<semaphore_mem>>) attributes {dimension_semantics = [#tpu.dimension_semantics<core_parallel>, #tpu.dimension_semantics<subcore_parallel>], iteration_bounds = array<i64: 2, 16>, scalar_prefetch = 0 : i64, scratch_operands = 7 : i64, tpu.core_type = #tpu.core_type<sc_vector_subcore>, window_params = [{transform_indices = #map}, {transform_indices = #map}, {transform_indices = #map1}, {transform_indices = #map1}, {transform_indices = #map2}]} {
    %mul3A = arith.constant 6272 : i32
    %mul3A_0 = arith.muli %arg1, %mul3A : i32
    %mul3A_1 = arith.constant 6272 : i32
    %mul3A_2 = arith.muli %arg1, %mul3A_1 : i32
    "tpu.region"() ({
      %run_scoped3A = tpu.sem_alloc : memref<!tpu.dma_semaphore, #tpu.memory_space<semaphore_mem>>
      %dma_start3A_89 = arith.constant 0 : i32
      %dma_start3A_90 = tpu.memref_slice %arg10[%mul3A_2, %dma_start3A_89] : memref<100352x32xbf16, #tpu.memory_space<vmem_shared>> -> memref<6272x32xbf16, #tpu.memory_space<vmem_shared>>
      %dma_start3A_91 = arith.constant 0 : i32
      %dma_start3A_92 = tpu.memref_slice %arg5[%mul3A_0, %dma_start3A_91] : memref<100352x32xbf16, #tpu.memory_space<hbm>> -> memref<6272x32xbf16, #tpu.memory_space<hbm>>
      tpu.enqueue_dma source(%dma_start3A_92 : memref<6272x32xbf16, #tpu.memory_space<hbm>>) target(%dma_start3A_90 : memref<6272x32xbf16, #tpu.memory_space<vmem_shared>>) target_semaphore(%run_scoped3A : memref<!tpu.dma_semaphore, #tpu.memory_space<semaphore_mem>>)
      %dma_wait3A_93 = arith.constant 0 : i32
      %dma_wait3A_94 = tpu.memref_slice %arg10[%mul3A_2, %dma_wait3A_93] : memref<100352x32xbf16, #tpu.memory_space<vmem_shared>> -> memref<6272x32xbf16, #tpu.memory_space<vmem_shared>>
      %dma_wait3A_95 = arith.constant 0 : i32
      %dma_wait3A_96 = tpu.memref_slice %arg5[%mul3A_0, %dma_wait3A_95] : memref<100352x32xbf16, #tpu.memory_space<hbm>> -> memref<6272x32xbf16, #tpu.memory_space<hbm>>
      tpu.wait_dma2 semaphore(%run_scoped3A : memref<!tpu.dma_semaphore, #tpu.memory_space<semaphore_mem>>) src(%dma_wait3A_96 : memref<6272x32xbf16, #tpu.memory_space<hbm>>) dst(%dma_wait3A_94 : memref<6272x32xbf16, #tpu.memory_space<vmem_shared>>)
      tpu.yield
    }) : () -> ()
    %barrier3A = arith.constant 0 : index
    tpu.barrier barrier_id(%barrier3A)
    %eq3A = arith.constant 0 : i32
    %eq3A_3 = arith.cmpi eq, %arg0, %eq3A : i32
    %jit3A = arith.constant 289 : i32
    %jit3A_4 = arith.constant 31 : i32
    %select_n3A = arith.select %eq3A_3, %jit3A, %jit3A_4 : i32
    %eq3A_5 = arith.constant 0 : i32
    %eq3A_6 = arith.cmpi eq, %arg0, %eq3A_5 : i32
    %jit3A_7 = arith.constant 0 : i32
    %jit3A_8 = arith.constant 2959360 : i32
    %select_n3A_9 = arith.select %eq3A_6, %jit3A_7, %jit3A_8 : i32
    %mul3A_10 = arith.muli %arg1, %select_n3A : i32
    %mul3A_11 = arith.constant 640 : i32
    %mul3A_12 = arith.muli %mul3A_10, %mul3A_11 : i32
    %add3A = arith.addi %select_n3A_9, %mul3A_12 : i32
    %add3A_13 = arith.constant 0 : i32
    %add3A_14 = arith.addi %add3A, %add3A_13 : i32
    %dma_start3A = arith.constant 0 : i32
    %dma_start3A_15 = arith.constant 0 : i32
    %dma_start3A_16 = tpu.memref_slice %arg7[%dma_start3A, %dma_start3A_15] : memref<2x640xi32, #tpu.memory_space<vmem>> -> memref<1x640xi32, #tpu.memory_space<vmem>>
    %dma_start3A_17 = tpu.memref_squeeze %dma_start3A_16 : memref<1x640xi32, #tpu.memory_space<vmem>> -> memref<640xi32, #tpu.memory_space<vmem>>
    %dma_start3A_18 = tpu.memref_slice %arg2[%add3A_14] : memref<3276800xi32, #tpu.memory_space<hbm>> -> memref<640xi32, #tpu.memory_space<hbm>>
    %dma_start3A_19 = arith.constant 0 : i32
    %dma_start3A_20 = tpu.memref_slice %arg7[%dma_start3A, %dma_start3A_19] : memref<2x640xi32, #tpu.memory_space<vmem>> -> memref<1x640xi32, #tpu.memory_space<vmem>>
    %dma_start3A_21 = tpu.memref_squeeze %dma_start3A_20 : memref<1x640xi32, #tpu.memory_space<vmem>> -> memref<640xi32, #tpu.memory_space<vmem>>
    %dma_start3A_22 = tpu.memref_slice %arg2[%add3A_14] : memref<3276800xi32, #tpu.memory_space<hbm>> -> memref<640xi32, #tpu.memory_space<hbm>>
    tpu.enqueue_dma source(%dma_start3A_22 : memref<640xi32, #tpu.memory_space<hbm>>) target(%dma_start3A_21 : memref<640xi32, #tpu.memory_space<vmem>>) target_semaphore(%arg11 : memref<!tpu.dma_semaphore, #tpu.memory_space<semaphore_mem>>)
    %dma_start3A_23 = arith.constant 0 : i32
    %dma_start3A_24 = arith.constant 0 : i32
    %dma_start3A_25 = tpu.memref_slice %arg8[%dma_start3A_23, %dma_start3A_24] : memref<2x640xi32, #tpu.memory_space<vmem>> -> memref<1x640xi32, #tpu.memory_space<vmem>>
    %dma_start3A_26 = tpu.memref_squeeze %dma_start3A_25 : memref<1x640xi32, #tpu.memory_space<vmem>> -> memref<640xi32, #tpu.memory_space<vmem>>
    %dma_start3A_27 = tpu.memref_slice %arg3[%add3A_14] : memref<3276800xi32, #tpu.memory_space<hbm>> -> memref<640xi32, #tpu.memory_space<hbm>>
    %dma_start3A_28 = arith.constant 0 : i32
    %dma_start3A_29 = tpu.memref_slice %arg8[%dma_start3A_23, %dma_start3A_28] : memref<2x640xi32, #tpu.memory_space<vmem>> -> memref<1x640xi32, #tpu.memory_space<vmem>>
    %dma_start3A_30 = tpu.memref_squeeze %dma_start3A_29 : memref<1x640xi32, #tpu.memory_space<vmem>> -> memref<640xi32, #tpu.memory_space<vmem>>
    %dma_start3A_31 = tpu.memref_slice %arg3[%add3A_14] : memref<3276800xi32, #tpu.memory_space<hbm>> -> memref<640xi32, #tpu.memory_space<hbm>>
    tpu.enqueue_dma source(%dma_start3A_31 : memref<640xi32, #tpu.memory_space<hbm>>) target(%dma_start3A_30 : memref<640xi32, #tpu.memory_space<vmem>>) target_semaphore(%arg11 : memref<!tpu.dma_semaphore, #tpu.memory_space<semaphore_mem>>)
    %add3A_32 = arith.constant 0 : i32
    %add3A_33 = arith.addi %add3A, %add3A_32 : i32
    %dma_wait3A = arith.constant 0 : i32
    %dma_wait3A_34 = arith.constant 0 : i32
    %dma_wait3A_35 = tpu.memref_slice %arg7[%dma_wait3A, %dma_wait3A_34] : memref<2x640xi32, #tpu.memory_space<vmem>> -> memref<1x640xi32, #tpu.memory_space<vmem>>
    %dma_wait3A_36 = tpu.memref_squeeze %dma_wait3A_35 : memref<1x640xi32, #tpu.memory_space<vmem>> -> memref<640xi32, #tpu.memory_space<vmem>>
    %dma_wait3A_37 = tpu.memref_slice %arg2[%add3A_33] : memref<3276800xi32, #tpu.memory_space<hbm>> -> memref<640xi32, #tpu.memory_space<hbm>>
    %dma_wait3A_38 = arith.constant 0 : i32
    %dma_wait3A_39 = tpu.memref_slice %arg7[%dma_wait3A, %dma_wait3A_38] : memref<2x640xi32, #tpu.memory_space<vmem>> -> memref<1x640xi32, #tpu.memory_space<vmem>>
    %dma_wait3A_40 = tpu.memref_squeeze %dma_wait3A_39 : memref<1x640xi32, #tpu.memory_space<vmem>> -> memref<640xi32, #tpu.memory_space<vmem>>
    %dma_wait3A_41 = tpu.memref_slice %arg2[%add3A_33] : memref<3276800xi32, #tpu.memory_space<hbm>> -> memref<640xi32, #tpu.memory_space<hbm>>
    tpu.wait_dma2 semaphore(%arg11 : memref<!tpu.dma_semaphore, #tpu.memory_space<semaphore_mem>>) src(%dma_wait3A_41 : memref<640xi32, #tpu.memory_space<hbm>>) dst(%dma_wait3A_40 : memref<640xi32, #tpu.memory_space<vmem>>)
    %dma_wait3A_42 = arith.constant 0 : i32
    %dma_wait3A_43 = arith.constant 0 : i32
    %dma_wait3A_44 = tpu.memref_slice %arg8[%dma_wait3A_42, %dma_wait3A_43] : memref<2x640xi32, #tpu.memory_space<vmem>> -> memref<1x640xi32, #tpu.memory_space<vmem>>
    %dma_wait3A_45 = tpu.memref_squeeze %dma_wait3A_44 : memref<1x640xi32, #tpu.memory_space<vmem>> -> memref<640xi32, #tpu.memory_space<vmem>>
    %dma_wait3A_46 = tpu.memref_slice %arg3[%add3A_33] : memref<3276800xi32, #tpu.memory_space<hbm>> -> memref<640xi32, #tpu.memory_space<hbm>>
    %dma_wait3A_47 = arith.constant 0 : i32
    %dma_wait3A_48 = tpu.memref_slice %arg8[%dma_wait3A_42, %dma_wait3A_47] : memref<2x640xi32, #tpu.memory_space<vmem>> -> memref<1x640xi32, #tpu.memory_space<vmem>>
    %dma_wait3A_49 = tpu.memref_squeeze %dma_wait3A_48 : memref<1x640xi32, #tpu.memory_space<vmem>> -> memref<640xi32, #tpu.memory_space<vmem>>
    %dma_wait3A_50 = tpu.memref_slice %arg3[%add3A_33] : memref<3276800xi32, #tpu.memory_space<hbm>> -> memref<640xi32, #tpu.memory_space<hbm>>
    tpu.wait_dma2 semaphore(%arg11 : memref<!tpu.dma_semaphore, #tpu.memory_space<semaphore_mem>>) src(%dma_wait3A_50 : memref<640xi32, #tpu.memory_space<hbm>>) dst(%dma_wait3A_49 : memref<640xi32, #tpu.memory_space<vmem>>)
    %dma_start3A_51 = arith.constant 0 : i32
    %dma_start3A_52 = arith.constant 0 : i32
    %dma_start3A_53 = arith.constant 0 : i32
    %dma_start3A_54 = arith.constant 0 : i32
    %dma_start3A_55 = tpu.memref_slice %arg9[%dma_start3A_52, %dma_start3A_53, %dma_start3A_54] : memref<2x640x32xbf16, #tpu.memory_space<vmem>> -> memref<1x640x32xbf16, #tpu.memory_space<vmem>>
    %dma_start3A_56 = tpu.memref_squeeze %dma_start3A_55 : memref<1x640x32xbf16, #tpu.memory_space<vmem>> -> memref<640x32xbf16, #tpu.memory_space<vmem>>
    %dma_start3A_57 = arith.constant 0 : i32
    %dma_start3A_58 = tpu.memref_slice %arg7[%dma_start3A_51, %dma_start3A_57] : memref<2x640xi32, #tpu.memory_space<vmem>> -> memref<1x640xi32, #tpu.memory_space<vmem>>
    %dma_start3A_59 = tpu.memref_squeeze %dma_start3A_58 : memref<1x640xi32, #tpu.memory_space<vmem>> -> memref<640xi32, #tpu.memory_space<vmem>>
    %dma_start3A_60 = arith.constant 0 : i32
    %dma_start3A_61 = arith.constant 0 : i32
    %dma_start3A_62 = tpu.memref_slice %arg4[%dma_start3A_60, %dma_start3A_61] : memref<100352x32xbf16, #tpu.memory_space<hbm>> -> memref<100352x32xbf16, #tpu.memory_space<hbm>>
    tpu.enqueue_indirect_dma source(%dma_start3A_62 : memref<100352x32xbf16, #tpu.memory_space<hbm>>) target(%dma_start3A_56 : memref<640x32xbf16, #tpu.memory_space<vmem>>) offsets(%dma_start3A_59 : memref<640xi32, #tpu.memory_space<vmem>>) semaphore(%arg12 : memref<!tpu.dma_semaphore, #tpu.memory_space<semaphore_mem>>)
    %while3A = arith.constant 0 : i32
    %while3A_63 = arith.constant 0 : i32
    %while3A_64 = arith.subi %select_n3A, %while3A_63 : i32
    %while3A_65 = arith.addi %while3A_63, %while3A_64 : i32
    %while3A_66 = arith.constant 1 : i32
    %while3A_67 = arith.divsi %while3A_64, %while3A_66 : i32
    %while3A_68 = arith.muli %while3A_67, %while3A_66 : i32
    %while3A_69 = arith.addi %while3A_63, %while3A_68 : i32
    %while3A_70 = arith.constant 1 : i32
    scf.for %while3A_89 = %while3A_63 to %while3A_69 step %while3A_70  : i32 {
      %jit3A_90 = arith.constant 2 : i32
      %eq3A_91 = arith.constant 0 : i32
      %eq3A_92 = arith.cmpi eq, %jit3A_90, %eq3A_91 : i32
      %jit3A_93 = arith.constant 1 : i32
      %select_n3A_94 = arith.select %eq3A_92, %jit3A_93, %jit3A_90 : i32
      %rem3A = arith.remsi %while3A_89, %select_n3A_94 : i32
      %ne3A = arith.constant 0 : i32
      %ne3A_95 = arith.cmpi ne, %rem3A, %ne3A : i32
      %lt3A = arith.constant 0 : i32
      %lt3A_96 = arith.cmpi slt, %rem3A, %lt3A : i32
      %lt3A_97 = arith.constant 0 : i32
      %lt3A_98 = arith.cmpi slt, %select_n3A_94, %lt3A_97 : i32
      %ne3A_99 = arith.xori %lt3A_96, %lt3A_98 : i1
      %and3A = arith.andi %ne3A_99, %ne3A_95 : i1
      %add3A_100 = arith.addi %rem3A, %select_n3A_94 : i32
      %select_n3A_101 = arith.select %and3A, %add3A_100, %rem3A : i32
      %sub3A = arith.constant 1 : i32
      %sub3A_102 = arith.subi %sub3A, %select_n3A_101 : i32
      %gt3A = arith.constant 0 : i32
      %gt3A_103 = arith.cmpi sgt, %while3A_89, %gt3A : i32
      %convert_element_type3A = arith.extui %gt3A_103 : i1 to i32
      %cond3A = arith.constant 0 : i32
      %cond3A_104 = arith.cmpi ne, %convert_element_type3A, %cond3A : i32
      scf.if %cond3A_104 {
        %dma_wait3A_137 = arith.constant 0 : i32
        %dma_wait3A_138 = arith.constant 0 : i32
        %dma_wait3A_139 = tpu.memref_slice %arg9[%sub3A_102, %dma_wait3A_137, %dma_wait3A_138] : memref<2x640x32xbf16, #tpu.memory_space<vmem>> -> memref<1x640x32xbf16, #tpu.memory_space<vmem>>
        %dma_wait3A_140 = tpu.memref_squeeze %dma_wait3A_139 : memref<1x640x32xbf16, #tpu.memory_space<vmem>> -> memref<640x32xbf16, #tpu.memory_space<vmem>>
        %dma_wait3A_141 = arith.constant 0 : i32
        %dma_wait3A_142 = tpu.memref_slice %arg8[%sub3A_102, %dma_wait3A_141] : memref<2x640xi32, #tpu.memory_space<vmem>> -> memref<1x640xi32, #tpu.memory_space<vmem>>
        %dma_wait3A_143 = tpu.memref_squeeze %dma_wait3A_142 : memref<1x640xi32, #tpu.memory_space<vmem>> -> memref<640xi32, #tpu.memory_space<vmem>>
        %dma_wait3A_144 = arith.constant 0 : i32
        %dma_wait3A_145 = arith.constant 0 : i32
        %dma_wait3A_146 = tpu.memref_slice %arg10[%dma_wait3A_144, %dma_wait3A_145] : memref<100352x32xbf16, #tpu.memory_space<vmem_shared>> -> memref<100352x32xbf16, #tpu.memory_space<vmem_shared>>
        tpu.wait_indirect_dma semaphore(%arg13 : memref<!tpu.dma_semaphore, #tpu.memory_space<semaphore_mem>>) src(%dma_wait3A_140 : memref<640x32xbf16, #tpu.memory_space<vmem>>) dst(%dma_wait3A_146 : memref<100352x32xbf16, #tpu.memory_space<vmem_shared>>)
      } else {
      }
      %add3A_105 = arith.constant 1 : i32
      %add3A_106 = arith.addi %while3A_89, %add3A_105 : i32
      %lt3A_107 = arith.cmpi slt, %add3A_106, %select_n3A : i32
      %convert_element_type3A_108 = arith.extui %lt3A_107 : i1 to i32
      %cond3A_109 = arith.constant 0 : i32
      %cond3A_110 = arith.cmpi ne, %convert_element_type3A_108, %cond3A_109 : i32
      scf.if %cond3A_110 {
        %add3A_137 = arith.constant 1 : i32
        %add3A_138 = arith.addi %while3A_89, %add3A_137 : i32
        %mul3A_139 = arith.constant 640 : i32
        %mul3A_140 = arith.muli %add3A_138, %mul3A_139 : i32
        %add3A_141 = arith.addi %add3A, %mul3A_140 : i32
        %dma_start3A_142 = arith.constant 0 : i32
        %dma_start3A_143 = tpu.memref_slice %arg7[%sub3A_102, %dma_start3A_142] : memref<2x640xi32, #tpu.memory_space<vmem>> -> memref<1x640xi32, #tpu.memory_space<vmem>>
        %dma_start3A_144 = tpu.memref_squeeze %dma_start3A_143 : memref<1x640xi32, #tpu.memory_space<vmem>> -> memref<640xi32, #tpu.memory_space<vmem>>
        %dma_start3A_145 = tpu.memref_slice %arg2[%add3A_141] : memref<3276800xi32, #tpu.memory_space<hbm>> -> memref<640xi32, #tpu.memory_space<hbm>>
        %dma_start3A_146 = arith.constant 0 : i32
        %dma_start3A_147 = tpu.memref_slice %arg7[%sub3A_102, %dma_start3A_146] : memref<2x640xi32, #tpu.memory_space<vmem>> -> memref<1x640xi32, #tpu.memory_space<vmem>>
        %dma_start3A_148 = tpu.memref_squeeze %dma_start3A_147 : memref<1x640xi32, #tpu.memory_space<vmem>> -> memref<640xi32, #tpu.memory_space<vmem>>
        %dma_start3A_149 = tpu.memref_slice %arg2[%add3A_141] : memref<3276800xi32, #tpu.memory_space<hbm>> -> memref<640xi32, #tpu.memory_space<hbm>>
        tpu.enqueue_dma source(%dma_start3A_149 : memref<640xi32, #tpu.memory_space<hbm>>) target(%dma_start3A_148 : memref<640xi32, #tpu.memory_space<vmem>>) target_semaphore(%arg11 : memref<!tpu.dma_semaphore, #tpu.memory_space<semaphore_mem>>)
        %dma_start3A_150 = arith.constant 0 : i32
        %dma_start3A_151 = tpu.memref_slice %arg8[%sub3A_102, %dma_start3A_150] : memref<2x640xi32, #tpu.memory_space<vmem>> -> memref<1x640xi32, #tpu.memory_space<vmem>>
        %dma_start3A_152 = tpu.memref_squeeze %dma_start3A_151 : memref<1x640xi32, #tpu.memory_space<vmem>> -> memref<640xi32, #tpu.memory_space<vmem>>
        %dma_start3A_153 = tpu.memref_slice %arg3[%add3A_141] : memref<3276800xi32, #tpu.memory_space<hbm>> -> memref<640xi32, #tpu.memory_space<hbm>>
        %dma_start3A_154 = arith.constant 0 : i32
        %dma_start3A_155 = tpu.memref_slice %arg8[%sub3A_102, %dma_start3A_154] : memref<2x640xi32, #tpu.memory_space<vmem>> -> memref<1x640xi32, #tpu.memory_space<vmem>>
        %dma_start3A_156 = tpu.memref_squeeze %dma_start3A_155 : memref<1x640xi32, #tpu.memory_space<vmem>> -> memref<640xi32, #tpu.memory_space<vmem>>
        %dma_start3A_157 = tpu.memref_slice %arg3[%add3A_141] : memref<3276800xi32, #tpu.memory_space<hbm>> -> memref<640xi32, #tpu.memory_space<hbm>>
        tpu.enqueue_dma source(%dma_start3A_157 : memref<640xi32, #tpu.memory_space<hbm>>) target(%dma_start3A_156 : memref<640xi32, #tpu.memory_space<vmem>>) target_semaphore(%arg11 : memref<!tpu.dma_semaphore, #tpu.memory_space<semaphore_mem>>)
      } else {
      }
      %dma_wait3A_111 = arith.constant 0 : i32
      %dma_wait3A_112 = arith.constant 0 : i32
      %dma_wait3A_113 = tpu.memref_slice %arg9[%select_n3A_101, %dma_wait3A_111, %dma_wait3A_112] : memref<2x640x32xbf16, #tpu.memory_space<vmem>> -> memref<1x640x32xbf16, #tpu.memory_space<vmem>>
      %dma_wait3A_114 = tpu.memref_squeeze %dma_wait3A_113 : memref<1x640x32xbf16, #tpu.memory_space<vmem>> -> memref<640x32xbf16, #tpu.memory_space<vmem>>
      %dma_wait3A_115 = arith.constant 0 : i32
      %dma_wait3A_116 = tpu.memref_slice %arg7[%select_n3A_101, %dma_wait3A_115] : memref<2x640xi32, #tpu.memory_space<vmem>> -> memref<1x640xi32, #tpu.memory_space<vmem>>
      %dma_wait3A_117 = tpu.memref_squeeze %dma_wait3A_116 : memref<1x640xi32, #tpu.memory_space<vmem>> -> memref<640xi32, #tpu.memory_space<vmem>>
      %dma_wait3A_118 = arith.constant 0 : i32
      %dma_wait3A_119 = arith.constant 0 : i32
      %dma_wait3A_120 = tpu.memref_slice %arg4[%dma_wait3A_118, %dma_wait3A_119] : memref<100352x32xbf16, #tpu.memory_space<hbm>> -> memref<100352x32xbf16, #tpu.memory_space<hbm>>
      tpu.wait_indirect_dma semaphore(%arg12 : memref<!tpu.dma_semaphore, #tpu.memory_space<semaphore_mem>>) src(%dma_wait3A_120 : memref<100352x32xbf16, #tpu.memory_space<hbm>>) dst(%dma_wait3A_114 : memref<640x32xbf16, #tpu.memory_space<vmem>>)
      %dma_start3A_121 = arith.constant 0 : i32
      %dma_start3A_122 = arith.constant 0 : i32
      %dma_start3A_123 = tpu.memref_slice %arg9[%select_n3A_101, %dma_start3A_121, %dma_start3A_122] : memref<2x640x32xbf16, #tpu.memory_space<vmem>> -> memref<1x640x32xbf16, #tpu.memory_space<vmem>>
      %dma_start3A_124 = tpu.memref_squeeze %dma_start3A_123 : memref<1x640x32xbf16, #tpu.memory_space<vmem>> -> memref<640x32xbf16, #tpu.memory_space<vmem>>
      %dma_start3A_125 = arith.constant 0 : i32
      %dma_start3A_126 = tpu.memref_slice %arg8[%select_n3A_101, %dma_start3A_125] : memref<2x640xi32, #tpu.memory_space<vmem>> -> memref<1x640xi32, #tpu.memory_space<vmem>>
      %dma_start3A_127 = tpu.memref_squeeze %dma_start3A_126 : memref<1x640xi32, #tpu.memory_space<vmem>> -> memref<640xi32, #tpu.memory_space<vmem>>
      %dma_start3A_128 = arith.constant 0 : i32
      %dma_start3A_129 = arith.constant 0 : i32
      %dma_start3A_130 = tpu.memref_slice %arg10[%dma_start3A_128, %dma_start3A_129] : memref<100352x32xbf16, #tpu.memory_space<vmem_shared>> -> memref<100352x32xbf16, #tpu.memory_space<vmem_shared>>
      tpu.enqueue_indirect_dma source(%dma_start3A_124 : memref<640x32xbf16, #tpu.memory_space<vmem>>) target(%dma_start3A_130 : memref<100352x32xbf16, #tpu.memory_space<vmem_shared>>) offsets(%dma_start3A_127 : memref<640xi32, #tpu.memory_space<vmem>>) semaphore(%arg13 : memref<!tpu.dma_semaphore, #tpu.memory_space<semaphore_mem>>) {add = true}
      %add3A_131 = arith.constant 1 : i32
      %add3A_132 = arith.addi %while3A_89, %add3A_131 : i32
      %lt3A_133 = arith.cmpi slt, %add3A_132, %select_n3A : i32
      %convert_element_type3A_134 = arith.extui %lt3A_133 : i1 to i32
      %cond3A_135 = arith.constant 0 : i32
      %cond3A_136 = arith.cmpi ne, %convert_element_type3A_134, %cond3A_135 : i32
      scf.if %cond3A_136 {
        %add3A_137 = arith.constant 1 : i32
        %add3A_138 = arith.addi %while3A_89, %add3A_137 : i32
        %mul3A_139 = arith.constant 640 : i32
        %mul3A_140 = arith.muli %add3A_138, %mul3A_139 : i32
        %add3A_141 = arith.addi %add3A, %mul3A_140 : i32
        %dma_wait3A_142 = arith.constant 0 : i32
        %dma_wait3A_143 = tpu.memref_slice %arg7[%sub3A_102, %dma_wait3A_142] : memref<2x640xi32, #tpu.memory_space<vmem>> -> memref<1x640xi32, #tpu.memory_space<vmem>>
        %dma_wait3A_144 = tpu.memref_squeeze %dma_wait3A_143 : memref<1x640xi32, #tpu.memory_space<vmem>> -> memref<640xi32, #tpu.memory_space<vmem>>
        %dma_wait3A_145 = tpu.memref_slice %arg2[%add3A_141] : memref<3276800xi32, #tpu.memory_space<hbm>> -> memref<640xi32, #tpu.memory_space<hbm>>
        %dma_wait3A_146 = arith.constant 0 : i32
        %dma_wait3A_147 = tpu.memref_slice %arg7[%sub3A_102, %dma_wait3A_146] : memref<2x640xi32, #tpu.memory_space<vmem>> -> memref<1x640xi32, #tpu.memory_space<vmem>>
        %dma_wait3A_148 = tpu.memref_squeeze %dma_wait3A_147 : memref<1x640xi32, #tpu.memory_space<vmem>> -> memref<640xi32, #tpu.memory_space<vmem>>
        %dma_wait3A_149 = tpu.memref_slice %arg2[%add3A_141] : memref<3276800xi32, #tpu.memory_space<hbm>> -> memref<640xi32, #tpu.memory_space<hbm>>
        tpu.wait_dma2 semaphore(%arg11 : memref<!tpu.dma_semaphore, #tpu.memory_space<semaphore_mem>>) src(%dma_wait3A_149 : memref<640xi32, #tpu.memory_space<hbm>>) dst(%dma_wait3A_148 : memref<640xi32, #tpu.memory_space<vmem>>)
        %dma_wait3A_150 = arith.constant 0 : i32
        %dma_wait3A_151 = tpu.memref_slice %arg8[%sub3A_102, %dma_wait3A_150] : memref<2x640xi32, #tpu.memory_space<vmem>> -> memref<1x640xi32, #tpu.memory_space<vmem>>
        %dma_wait3A_152 = tpu.memref_squeeze %dma_wait3A_151 : memref<1x640xi32, #tpu.memory_space<vmem>> -> memref<640xi32, #tpu.memory_space<vmem>>
        %dma_wait3A_153 = tpu.memref_slice %arg3[%add3A_141] : memref<3276800xi32, #tpu.memory_space<hbm>> -> memref<640xi32, #tpu.memory_space<hbm>>
        %dma_wait3A_154 = arith.constant 0 : i32
        %dma_wait3A_155 = tpu.memref_slice %arg8[%sub3A_102, %dma_wait3A_154] : memref<2x640xi32, #tpu.memory_space<vmem>> -> memref<1x640xi32, #tpu.memory_space<vmem>>
        %dma_wait3A_156 = tpu.memref_squeeze %dma_wait3A_155 : memref<1x640xi32, #tpu.memory_space<vmem>> -> memref<640xi32, #tpu.memory_space<vmem>>
        %dma_wait3A_157 = tpu.memref_slice %arg3[%add3A_141] : memref<3276800xi32, #tpu.memory_space<hbm>> -> memref<640xi32, #tpu.memory_space<hbm>>
        tpu.wait_dma2 semaphore(%arg11 : memref<!tpu.dma_semaphore, #tpu.memory_space<semaphore_mem>>) src(%dma_wait3A_157 : memref<640xi32, #tpu.memory_space<hbm>>) dst(%dma_wait3A_156 : memref<640xi32, #tpu.memory_space<vmem>>)
        %dma_start3A_158 = arith.constant 0 : i32
        %dma_start3A_159 = arith.constant 0 : i32
        %dma_start3A_160 = tpu.memref_slice %arg9[%sub3A_102, %dma_start3A_158, %dma_start3A_159] : memref<2x640x32xbf16, #tpu.memory_space<vmem>> -> memref<1x640x32xbf16, #tpu.memory_space<vmem>>
        %dma_start3A_161 = tpu.memref_squeeze %dma_start3A_160 : memref<1x640x32xbf16, #tpu.memory_space<vmem>> -> memref<640x32xbf16, #tpu.memory_space<vmem>>
        %dma_start3A_162 = arith.constant 0 : i32
        %dma_start3A_163 = tpu.memref_slice %arg7[%sub3A_102, %dma_start3A_162] : memref<2x640xi32, #tpu.memory_space<vmem>> -> memref<1x640xi32, #tpu.memory_space<vmem>>
        %dma_start3A_164 = tpu.memref_squeeze %dma_start3A_163 : memref<1x640xi32, #tpu.memory_space<vmem>> -> memref<640xi32, #tpu.memory_space<vmem>>
        %dma_start3A_165 = arith.constant 0 : i32
        %dma_start3A_166 = arith.constant 0 : i32
        %dma_start3A_167 = tpu.memref_slice %arg4[%dma_start3A_165, %dma_start3A_166] : memref<100352x32xbf16, #tpu.memory_space<hbm>> -> memref<100352x32xbf16, #tpu.memory_space<hbm>>
        tpu.enqueue_indirect_dma source(%dma_start3A_167 : memref<100352x32xbf16, #tpu.memory_space<hbm>>) target(%dma_start3A_161 : memref<640x32xbf16, #tpu.memory_space<vmem>>) offsets(%dma_start3A_164 : memref<640xi32, #tpu.memory_space<vmem>>) semaphore(%arg12 : memref<!tpu.dma_semaphore, #tpu.memory_space<semaphore_mem>>)
      } else {
      }
    }
    %while3A_71 = arith.constant 1 : i32
    scf.for %while3A_89 = %while3A_69 to %while3A_65 step %while3A_71  : i32 {
      %jit3A_90 = arith.constant 2 : i32
      %eq3A_91 = arith.constant 0 : i32
      %eq3A_92 = arith.cmpi eq, %jit3A_90, %eq3A_91 : i32
      %jit3A_93 = arith.constant 1 : i32
      %select_n3A_94 = arith.select %eq3A_92, %jit3A_93, %jit3A_90 : i32
      %rem3A = arith.remsi %while3A_89, %select_n3A_94 : i32
      %ne3A = arith.constant 0 : i32
      %ne3A_95 = arith.cmpi ne, %rem3A, %ne3A : i32
      %lt3A = arith.constant 0 : i32
      %lt3A_96 = arith.cmpi slt, %rem3A, %lt3A : i32
      %lt3A_97 = arith.constant 0 : i32
      %lt3A_98 = arith.cmpi slt, %select_n3A_94, %lt3A_97 : i32
      %ne3A_99 = arith.xori %lt3A_96, %lt3A_98 : i1
      %and3A = arith.andi %ne3A_99, %ne3A_95 : i1
      %add3A_100 = arith.addi %rem3A, %select_n3A_94 : i32
      %select_n3A_101 = arith.select %and3A, %add3A_100, %rem3A : i32
      %sub3A = arith.constant 1 : i32
      %sub3A_102 = arith.subi %sub3A, %select_n3A_101 : i32
      %gt3A = arith.constant 0 : i32
      %gt3A_103 = arith.cmpi sgt, %while3A_89, %gt3A : i32
      %convert_element_type3A = arith.extui %gt3A_103 : i1 to i32
      %cond3A = arith.constant 0 : i32
      %cond3A_104 = arith.cmpi ne, %convert_element_type3A, %cond3A : i32
      scf.if %cond3A_104 {
        %dma_wait3A_137 = arith.constant 0 : i32
        %dma_wait3A_138 = arith.constant 0 : i32
        %dma_wait3A_139 = tpu.memref_slice %arg9[%sub3A_102, %dma_wait3A_137, %dma_wait3A_138] : memref<2x640x32xbf16, #tpu.memory_space<vmem>> -> memref<1x640x32xbf16, #tpu.memory_space<vmem>>
        %dma_wait3A_140 = tpu.memref_squeeze %dma_wait3A_139 : memref<1x640x32xbf16, #tpu.memory_space<vmem>> -> memref<640x32xbf16, #tpu.memory_space<vmem>>
        %dma_wait3A_141 = arith.constant 0 : i32
        %dma_wait3A_142 = tpu.memref_slice %arg8[%sub3A_102, %dma_wait3A_141] : memref<2x640xi32, #tpu.memory_space<vmem>> -> memref<1x640xi32, #tpu.memory_space<vmem>>
        %dma_wait3A_143 = tpu.memref_squeeze %dma_wait3A_142 : memref<1x640xi32, #tpu.memory_space<vmem>> -> memref<640xi32, #tpu.memory_space<vmem>>
        %dma_wait3A_144 = arith.constant 0 : i32
        %dma_wait3A_145 = arith.constant 0 : i32
        %dma_wait3A_146 = tpu.memref_slice %arg10[%dma_wait3A_144, %dma_wait3A_145] : memref<100352x32xbf16, #tpu.memory_space<vmem_shared>> -> memref<100352x32xbf16, #tpu.memory_space<vmem_shared>>
        tpu.wait_indirect_dma semaphore(%arg13 : memref<!tpu.dma_semaphore, #tpu.memory_space<semaphore_mem>>) src(%dma_wait3A_140 : memref<640x32xbf16, #tpu.memory_space<vmem>>) dst(%dma_wait3A_146 : memref<100352x32xbf16, #tpu.memory_space<vmem_shared>>)
      } else {
      }
      %add3A_105 = arith.constant 1 : i32
      %add3A_106 = arith.addi %while3A_89, %add3A_105 : i32
      %lt3A_107 = arith.cmpi slt, %add3A_106, %select_n3A : i32
      %convert_element_type3A_108 = arith.extui %lt3A_107 : i1 to i32
      %cond3A_109 = arith.constant 0 : i32
      %cond3A_110 = arith.cmpi ne, %convert_element_type3A_108, %cond3A_109 : i32
      scf.if %cond3A_110 {
        %add3A_137 = arith.constant 1 : i32
        %add3A_138 = arith.addi %while3A_89, %add3A_137 : i32
        %mul3A_139 = arith.constant 640 : i32
        %mul3A_140 = arith.muli %add3A_138, %mul3A_139 : i32
        %add3A_141 = arith.addi %add3A, %mul3A_140 : i32
        %dma_start3A_142 = arith.constant 0 : i32
        %dma_start3A_143 = tpu.memref_slice %arg7[%sub3A_102, %dma_start3A_142] : memref<2x640xi32, #tpu.memory_space<vmem>> -> memref<1x640xi32, #tpu.memory_space<vmem>>
        %dma_start3A_144 = tpu.memref_squeeze %dma_start3A_143 : memref<1x640xi32, #tpu.memory_space<vmem>> -> memref<640xi32, #tpu.memory_space<vmem>>
        %dma_start3A_145 = tpu.memref_slice %arg2[%add3A_141] : memref<3276800xi32, #tpu.memory_space<hbm>> -> memref<640xi32, #tpu.memory_space<hbm>>
        %dma_start3A_146 = arith.constant 0 : i32
        %dma_start3A_147 = tpu.memref_slice %arg7[%sub3A_102, %dma_start3A_146] : memref<2x640xi32, #tpu.memory_space<vmem>> -> memref<1x640xi32, #tpu.memory_space<vmem>>
        %dma_start3A_148 = tpu.memref_squeeze %dma_start3A_147 : memref<1x640xi32, #tpu.memory_space<vmem>> -> memref<640xi32, #tpu.memory_space<vmem>>
        %dma_start3A_149 = tpu.memref_slice %arg2[%add3A_141] : memref<3276800xi32, #tpu.memory_space<hbm>> -> memref<640xi32, #tpu.memory_space<hbm>>
        tpu.enqueue_dma source(%dma_start3A_149 : memref<640xi32, #tpu.memory_space<hbm>>) target(%dma_start3A_148 : memref<640xi32, #tpu.memory_space<vmem>>) target_semaphore(%arg11 : memref<!tpu.dma_semaphore, #tpu.memory_space<semaphore_mem>>)
        %dma_start3A_150 = arith.constant 0 : i32
        %dma_start3A_151 = tpu.memref_slice %arg8[%sub3A_102, %dma_start3A_150] : memref<2x640xi32, #tpu.memory_space<vmem>> -> memref<1x640xi32, #tpu.memory_space<vmem>>
        %dma_start3A_152 = tpu.memref_squeeze %dma_start3A_151 : memref<1x640xi32, #tpu.memory_space<vmem>> -> memref<640xi32, #tpu.memory_space<vmem>>
        %dma_start3A_153 = tpu.memref_slice %arg3[%add3A_141] : memref<3276800xi32, #tpu.memory_space<hbm>> -> memref<640xi32, #tpu.memory_space<hbm>>
        %dma_start3A_154 = arith.constant 0 : i32
        %dma_start3A_155 = tpu.memref_slice %arg8[%sub3A_102, %dma_start3A_154] : memref<2x640xi32, #tpu.memory_space<vmem>> -> memref<1x640xi32, #tpu.memory_space<vmem>>
        %dma_start3A_156 = tpu.memref_squeeze %dma_start3A_155 : memref<1x640xi32, #tpu.memory_space<vmem>> -> memref<640xi32, #tpu.memory_space<vmem>>
        %dma_start3A_157 = tpu.memref_slice %arg3[%add3A_141] : memref<3276800xi32, #tpu.memory_space<hbm>> -> memref<640xi32, #tpu.memory_space<hbm>>
        tpu.enqueue_dma source(%dma_start3A_157 : memref<640xi32, #tpu.memory_space<hbm>>) target(%dma_start3A_156 : memref<640xi32, #tpu.memory_space<vmem>>) target_semaphore(%arg11 : memref<!tpu.dma_semaphore, #tpu.memory_space<semaphore_mem>>)
      } else {
      }
      %dma_wait3A_111 = arith.constant 0 : i32
      %dma_wait3A_112 = arith.constant 0 : i32
      %dma_wait3A_113 = tpu.memref_slice %arg9[%select_n3A_101, %dma_wait3A_111, %dma_wait3A_112] : memref<2x640x32xbf16, #tpu.memory_space<vmem>> -> memref<1x640x32xbf16, #tpu.memory_space<vmem>>
      %dma_wait3A_114 = tpu.memref_squeeze %dma_wait3A_113 : memref<1x640x32xbf16, #tpu.memory_space<vmem>> -> memref<640x32xbf16, #tpu.memory_space<vmem>>
      %dma_wait3A_115 = arith.constant 0 : i32
      %dma_wait3A_116 = tpu.memref_slice %arg7[%select_n3A_101, %dma_wait3A_115] : memref<2x640xi32, #tpu.memory_space<vmem>> -> memref<1x640xi32, #tpu.memory_space<vmem>>
      %dma_wait3A_117 = tpu.memref_squeeze %dma_wait3A_116 : memref<1x640xi32, #tpu.memory_space<vmem>> -> memref<640xi32, #tpu.memory_space<vmem>>
      %dma_wait3A_118 = arith.constant 0 : i32
      %dma_wait3A_119 = arith.constant 0 : i32
      %dma_wait3A_120 = tpu.memref_slice %arg4[%dma_wait3A_118, %dma_wait3A_119] : memref<100352x32xbf16, #tpu.memory_space<hbm>> -> memref<100352x32xbf16, #tpu.memory_space<hbm>>
      tpu.wait_indirect_dma semaphore(%arg12 : memref<!tpu.dma_semaphore, #tpu.memory_space<semaphore_mem>>) src(%dma_wait3A_120 : memref<100352x32xbf16, #tpu.memory_space<hbm>>) dst(%dma_wait3A_114 : memref<640x32xbf16, #tpu.memory_space<vmem>>)
      %dma_start3A_121 = arith.constant 0 : i32
      %dma_start3A_122 = arith.constant 0 : i32
      %dma_start3A_123 = tpu.memref_slice %arg9[%select_n3A_101, %dma_start3A_121, %dma_start3A_122] : memref<2x640x32xbf16, #tpu.memory_space<vmem>> -> memref<1x640x32xbf16, #tpu.memory_space<vmem>>
      %dma_start3A_124 = tpu.memref_squeeze %dma_start3A_123 : memref<1x640x32xbf16, #tpu.memory_space<vmem>> -> memref<640x32xbf16, #tpu.memory_space<vmem>>
      %dma_start3A_125 = arith.constant 0 : i32
      %dma_start3A_126 = tpu.memref_slice %arg8[%select_n3A_101, %dma_start3A_125] : memref<2x640xi32, #tpu.memory_space<vmem>> -> memref<1x640xi32, #tpu.memory_space<vmem>>
      %dma_start3A_127 = tpu.memref_squeeze %dma_start3A_126 : memref<1x640xi32, #tpu.memory_space<vmem>> -> memref<640xi32, #tpu.memory_space<vmem>>
      %dma_start3A_128 = arith.constant 0 : i32
      %dma_start3A_129 = arith.constant 0 : i32
      %dma_start3A_130 = tpu.memref_slice %arg10[%dma_start3A_128, %dma_start3A_129] : memref<100352x32xbf16, #tpu.memory_space<vmem_shared>> -> memref<100352x32xbf16, #tpu.memory_space<vmem_shared>>
      tpu.enqueue_indirect_dma source(%dma_start3A_124 : memref<640x32xbf16, #tpu.memory_space<vmem>>) target(%dma_start3A_130 : memref<100352x32xbf16, #tpu.memory_space<vmem_shared>>) offsets(%dma_start3A_127 : memref<640xi32, #tpu.memory_space<vmem>>) semaphore(%arg13 : memref<!tpu.dma_semaphore, #tpu.memory_space<semaphore_mem>>) {add = true}
      %add3A_131 = arith.constant 1 : i32
      %add3A_132 = arith.addi %while3A_89, %add3A_131 : i32
      %lt3A_133 = arith.cmpi slt, %add3A_132, %select_n3A : i32
      %convert_element_type3A_134 = arith.extui %lt3A_133 : i1 to i32
      %cond3A_135 = arith.constant 0 : i32
      %cond3A_136 = arith.cmpi ne, %convert_element_type3A_134, %cond3A_135 : i32
      scf.if %cond3A_136 {
        %add3A_137 = arith.constant 1 : i32
        %add3A_138 = arith.addi %while3A_89, %add3A_137 : i32
        %mul3A_139 = arith.constant 640 : i32
        %mul3A_140 = arith.muli %add3A_138, %mul3A_139 : i32
        %add3A_141 = arith.addi %add3A, %mul3A_140 : i32
        %dma_wait3A_142 = arith.constant 0 : i32
        %dma_wait3A_143 = tpu.memref_slice %arg7[%sub3A_102, %dma_wait3A_142] : memref<2x640xi32, #tpu.memory_space<vmem>> -> memref<1x640xi32, #tpu.memory_space<vmem>>
        %dma_wait3A_144 = tpu.memref_squeeze %dma_wait3A_143 : memref<1x640xi32, #tpu.memory_space<vmem>> -> memref<640xi32, #tpu.memory_space<vmem>>
        %dma_wait3A_145 = tpu.memref_slice %arg2[%add3A_141] : memref<3276800xi32, #tpu.memory_space<hbm>> -> memref<640xi32, #tpu.memory_space<hbm>>
        %dma_wait3A_146 = arith.constant 0 : i32
        %dma_wait3A_147 = tpu.memref_slice %arg7[%sub3A_102, %dma_wait3A_146] : memref<2x640xi32, #tpu.memory_space<vmem>> -> memref<1x640xi32, #tpu.memory_space<vmem>>
        %dma_wait3A_148 = tpu.memref_squeeze %dma_wait3A_147 : memref<1x640xi32, #tpu.memory_space<vmem>> -> memref<640xi32, #tpu.memory_space<vmem>>
        %dma_wait3A_149 = tpu.memref_slice %arg2[%add3A_141] : memref<3276800xi32, #tpu.memory_space<hbm>> -> memref<640xi32, #tpu.memory_space<hbm>>
        tpu.wait_dma2 semaphore(%arg11 : memref<!tpu.dma_semaphore, #tpu.memory_space<semaphore_mem>>) src(%dma_wait3A_149 : memref<640xi32, #tpu.memory_space<hbm>>) dst(%dma_wait3A_148 : memref<640xi32, #tpu.memory_space<vmem>>)
        %dma_wait3A_150 = arith.constant 0 : i32
        %dma_wait3A_151 = tpu.memref_slice %arg8[%sub3A_102, %dma_wait3A_150] : memref<2x640xi32, #tpu.memory_space<vmem>> -> memref<1x640xi32, #tpu.memory_space<vmem>>
        %dma_wait3A_152 = tpu.memref_squeeze %dma_wait3A_151 : memref<1x640xi32, #tpu.memory_space<vmem>> -> memref<640xi32, #tpu.memory_space<vmem>>
        %dma_wait3A_153 = tpu.memref_slice %arg3[%add3A_141] : memref<3276800xi32, #tpu.memory_space<hbm>> -> memref<640xi32, #tpu.memory_space<hbm>>
        %dma_wait3A_154 = arith.constant 0 : i32
        %dma_wait3A_155 = tpu.memref_slice %arg8[%sub3A_102, %dma_wait3A_154] : memref<2x640xi32, #tpu.memory_space<vmem>> -> memref<1x640xi32, #tpu.memory_space<vmem>>
        %dma_wait3A_156 = tpu.memref_squeeze %dma_wait3A_155 : memref<1x640xi32, #tpu.memory_space<vmem>> -> memref<640xi32, #tpu.memory_space<vmem>>
        %dma_wait3A_157 = tpu.memref_slice %arg3[%add3A_141] : memref<3276800xi32, #tpu.memory_space<hbm>> -> memref<640xi32, #tpu.memory_space<hbm>>
        tpu.wait_dma2 semaphore(%arg11 : memref<!tpu.dma_semaphore, #tpu.memory_space<semaphore_mem>>) src(%dma_wait3A_157 : memref<640xi32, #tpu.memory_space<hbm>>) dst(%dma_wait3A_156 : memref<640xi32, #tpu.memory_space<vmem>>)
        %dma_start3A_158 = arith.constant 0 : i32
        %dma_start3A_159 = arith.constant 0 : i32
        %dma_start3A_160 = tpu.memref_slice %arg9[%sub3A_102, %dma_start3A_158, %dma_start3A_159] : memref<2x640x32xbf16, #tpu.memory_space<vmem>> -> memref<1x640x32xbf16, #tpu.memory_space<vmem>>
        %dma_start3A_161 = tpu.memref_squeeze %dma_start3A_160 : memref<1x640x32xbf16, #tpu.memory_space<vmem>> -> memref<640x32xbf16, #tpu.memory_space<vmem>>
        %dma_start3A_162 = arith.constant 0 : i32
        %dma_start3A_163 = tpu.memref_slice %arg7[%sub3A_102, %dma_start3A_162] : memref<2x640xi32, #tpu.memory_space<vmem>> -> memref<1x640xi32, #tpu.memory_space<vmem>>
        %dma_start3A_164 = tpu.memref_squeeze %dma_start3A_163 : memref<1x640xi32, #tpu.memory_space<vmem>> -> memref<640xi32, #tpu.memory_space<vmem>>
        %dma_start3A_165 = arith.constant 0 : i32
        %dma_start3A_166 = arith.constant 0 : i32
        %dma_start3A_167 = tpu.memref_slice %arg4[%dma_start3A_165, %dma_start3A_166] : memref<100352x32xbf16, #tpu.memory_space<hbm>> -> memref<100352x32xbf16, #tpu.memory_space<hbm>>
        tpu.enqueue_indirect_dma source(%dma_start3A_167 : memref<100352x32xbf16, #tpu.memory_space<hbm>>) target(%dma_start3A_161 : memref<640x32xbf16, #tpu.memory_space<vmem>>) offsets(%dma_start3A_164 : memref<640xi32, #tpu.memory_space<vmem>>) semaphore(%arg12 : memref<!tpu.dma_semaphore, #tpu.memory_space<semaphore_mem>>)
      } else {
      }
    }
    %dma_wait3A_72 = arith.constant 0 : i32
    %dma_wait3A_73 = arith.constant 0 : i32
    %dma_wait3A_74 = arith.constant 0 : i32
    %dma_wait3A_75 = arith.constant 0 : i32
    %dma_wait3A_76 = tpu.memref_slice %arg9[%dma_wait3A_72, %dma_wait3A_74, %dma_wait3A_75] : memref<2x640x32xbf16, #tpu.memory_space<vmem>> -> memref<1x640x32xbf16, #tpu.memory_space<vmem>>
    %dma_wait3A_77 = tpu.memref_squeeze %dma_wait3A_76 : memref<1x640x32xbf16, #tpu.memory_space<vmem>> -> memref<640x32xbf16, #tpu.memory_space<vmem>>
    %dma_wait3A_78 = arith.constant 0 : i32
    %dma_wait3A_79 = tpu.memref_slice %arg8[%dma_wait3A_73, %dma_wait3A_78] : memref<2x640xi32, #tpu.memory_space<vmem>> -> memref<1x640xi32, #tpu.memory_space<vmem>>
    %dma_wait3A_80 = tpu.memref_squeeze %dma_wait3A_79 : memref<1x640xi32, #tpu.memory_space<vmem>> -> memref<640xi32, #tpu.memory_space<vmem>>
    %dma_wait3A_81 = arith.constant 0 : i32
    %dma_wait3A_82 = arith.constant 0 : i32
    %dma_wait3A_83 = tpu.memref_slice %arg10[%dma_wait3A_81, %dma_wait3A_82] : memref<100352x32xbf16, #tpu.memory_space<vmem_shared>> -> memref<100352x32xbf16, #tpu.memory_space<vmem_shared>>
    tpu.wait_indirect_dma semaphore(%arg13 : memref<!tpu.dma_semaphore, #tpu.memory_space<semaphore_mem>>) src(%dma_wait3A_77 : memref<640x32xbf16, #tpu.memory_space<vmem>>) dst(%dma_wait3A_83 : memref<100352x32xbf16, #tpu.memory_space<vmem_shared>>)
    %barrier3A_84 = arith.constant 0 : index
    tpu.barrier barrier_id(%barrier3A_84)
    %mul3A_85 = arith.constant 6272 : i32
    %mul3A_86 = arith.muli %arg1, %mul3A_85 : i32
    %mul3A_87 = arith.constant 6272 : i32
    %mul3A_88 = arith.muli %arg1, %mul3A_87 : i32
    "tpu.region"() ({
      %run_scoped3A = tpu.sem_alloc : memref<!tpu.dma_semaphore, #tpu.memory_space<semaphore_mem>>
      %dma_start3A_89 = arith.constant 0 : i32
      %dma_start3A_90 = tpu.memref_slice %arg6[%arg0, %mul3A_88, %dma_start3A_89] : memref<2x100352x32xbf16, #tpu.memory_space<hbm>> -> memref<1x6272x32xbf16, #tpu.memory_space<hbm>>
      %dma_start3A_91 = tpu.memref_squeeze %dma_start3A_90 : memref<1x6272x32xbf16, #tpu.memory_space<hbm>> -> memref<6272x32xbf16, #tpu.memory_space<hbm>>
      %dma_start3A_92 = arith.constant 0 : i32
      %dma_start3A_93 = tpu.memref_slice %arg10[%mul3A_86, %dma_start3A_92] : memref<100352x32xbf16, #tpu.memory_space<vmem_shared>> -> memref<6272x32xbf16, #tpu.memory_space<vmem_shared>>
      tpu.enqueue_dma source(%dma_start3A_93 : memref<6272x32xbf16, #tpu.memory_space<vmem_shared>>) target(%dma_start3A_91 : memref<6272x32xbf16, #tpu.memory_space<hbm>>) target_semaphore(%run_scoped3A : memref<!tpu.dma_semaphore, #tpu.memory_space<semaphore_mem>>)
      %dma_wait3A_94 = arith.constant 0 : i32
      %dma_wait3A_95 = tpu.memref_slice %arg6[%arg0, %mul3A_88, %dma_wait3A_94] : memref<2x100352x32xbf16, #tpu.memory_space<hbm>> -> memref<1x6272x32xbf16, #tpu.memory_space<hbm>>
      %dma_wait3A_96 = tpu.memref_squeeze %dma_wait3A_95 : memref<1x6272x32xbf16, #tpu.memory_space<hbm>> -> memref<6272x32xbf16, #tpu.memory_space<hbm>>
      %dma_wait3A_97 = arith.constant 0 : i32
      %dma_wait3A_98 = tpu.memref_slice %arg10[%mul3A_86, %dma_wait3A_97] : memref<100352x32xbf16, #tpu.memory_space<vmem_shared>> -> memref<6272x32xbf16, #tpu.memory_space<vmem_shared>>
      tpu.wait_dma2 semaphore(%run_scoped3A : memref<!tpu.dma_semaphore, #tpu.memory_space<semaphore_mem>>) src(%dma_wait3A_98 : memref<6272x32xbf16, #tpu.memory_space<vmem_shared>>) dst(%dma_wait3A_96 : memref<6272x32xbf16, #tpu.memory_space<hbm>>)
      tpu.yield
    }) : () -> ()
    return
  }
}

#map = affine_map<(d0, d1) -> (0)>
#map1 = affine_map<(d0, d1) -> (0, 0)>
module attributes {stable_mosaic.version = 14 : i64} {
  func.func @k(%arg0: i32, %arg1: i32, %arg2: memref<3276800xi32, #tpu.memory_space<hbm>>, %arg3: memref<32x100352xf32, #tpu.memory_space<hbm>>, %arg4: memref<640xi32, #tpu.memory_space<vmem>>, %arg5: memref<100352xf32, #tpu.memory_space<vmem>>) attributes {dimension_semantics = [#tpu.dimension_semantics<core_parallel>, #tpu.dimension_semantics<subcore_parallel>], iteration_bounds = array<i64: 2, 16>, scalar_prefetch = 0 : i64, scratch_operands = 2 : i64, tpu.core_type = #tpu.core_type<sc_vector_subcore>, window_params = [{transform_indices = #map}, {transform_indices = #map1}]} {
    %mul3A = arith.constant 2 : i32
    %mul3A_0 = arith.muli %arg1, %mul3A : i32
    %add3A = arith.addi %mul3A_0, %arg0 : i32
    %scan3A = arith.constant 0 : i32
    %scan3A_1 = arith.constant 0 : i32
    %scan3A_2 = arith.constant 6272 : i32
    %scan3A_3 = arith.addi %scan3A_1, %scan3A_2 : i32
    %scan3A_4 = arith.constant 1 : i32
    scf.for %scan3A_13 = %scan3A_1 to %scan3A_3 step %scan3A_4  : i32 {
      %broadcast_in_dim3A_14 = arith.constant 0.000000e+00 : f32
      %broadcast_in_dim3A_15 = vector.broadcast %broadcast_in_dim3A_14 : f32 to vector<16xf32>
      %mul3A_16 = arith.constant 16 : i32
      %mul3A_17 = arith.muli %scan3A_13, %mul3A_16 : i32
      %swap3A = arith.index_cast %mul3A_17 : i32 to index
      %swap3A_18 = tpu.vector_load %arg5[%swap3A] {strides = array<i32>} : memref<100352xf32, #tpu.memory_space<vmem>>, vector<16xf32>,
      tpu.vector_store %arg5[%swap3A], %broadcast_in_dim3A_15 {strides = array<i32>} : memref<100352xf32, #tpu.memory_space<vmem>>, vector<16xf32>,
    }
    %scan3A_5 = arith.constant 6272 : i32
    %broadcast_in_dim3A = arith.constant 1.000000e+00 : f32
    %broadcast_in_dim3A_6 = vector.broadcast %broadcast_in_dim3A : f32 to vector<16xf32>
    %scan3A_7 = arith.constant 0 : i32
    %scan3A_8 = arith.constant 0 : i32
    %scan3A_9 = arith.constant 160 : i32
    %scan3A_10 = arith.addi %scan3A_8, %scan3A_9 : i32
    %scan3A_11 = arith.constant 1 : i32
    scf.for %scan3A_13 = %scan3A_8 to %scan3A_10 step %scan3A_11  : i32 {
      %mul3A_14 = arith.constant 102400 : i32
      %mul3A_15 = arith.muli %add3A, %mul3A_14 : i32
      %mul3A_16 = arith.constant 640 : i32
      %mul3A_17 = arith.muli %scan3A_13, %mul3A_16 : i32
      %add3A_18 = arith.addi %mul3A_15, %mul3A_17 : i32
      "tpu.region"() ({
        %run_scoped3A = tpu.sem_alloc : memref<!tpu.dma_semaphore, #tpu.memory_space<semaphore_mem>>
        %dma_start3A = tpu.memref_slice %arg2[%add3A_18] : memref<3276800xi32, #tpu.memory_space<hbm>> -> memref<640xi32, #tpu.memory_space<hbm>>
        %dma_start3A_25 = tpu.memref_slice %arg2[%add3A_18] : memref<3276800xi32, #tpu.memory_space<hbm>> -> memref<640xi32, #tpu.memory_space<hbm>>
        tpu.enqueue_dma source(%dma_start3A_25 : memref<640xi32, #tpu.memory_space<hbm>>) target(%arg4 : memref<640xi32, #tpu.memory_space<vmem>>) target_semaphore(%run_scoped3A : memref<!tpu.dma_semaphore, #tpu.memory_space<semaphore_mem>>)
        %dma_wait3A = tpu.memref_slice %arg2[%add3A_18] : memref<3276800xi32, #tpu.memory_space<hbm>> -> memref<640xi32, #tpu.memory_space<hbm>>
        %dma_wait3A_26 = tpu.memref_slice %arg2[%add3A_18] : memref<3276800xi32, #tpu.memory_space<hbm>> -> memref<640xi32, #tpu.memory_space<hbm>>
        tpu.wait_dma2 semaphore(%run_scoped3A : memref<!tpu.dma_semaphore, #tpu.memory_space<semaphore_mem>>) src(%dma_wait3A_26 : memref<640xi32, #tpu.memory_space<hbm>>) dst(%arg4 : memref<640xi32, #tpu.memory_space<vmem>>)
        tpu.yield
      }) : () -> ()
      %scan3A_19 = arith.constant 0 : i32
      %scan3A_20 = arith.constant 0 : i32
      %scan3A_21 = arith.constant 40 : i32
      %scan3A_22 = arith.addi %scan3A_20, %scan3A_21 : i32
      %scan3A_23 = arith.constant 1 : i32
      scf.for %scan3A_25 = %scan3A_20 to %scan3A_22 step %scan3A_23  : i32 {
        %mul3A_26 = arith.constant 16 : i32
        %mul3A_27 = arith.muli %scan3A_25, %mul3A_26 : i32
        %get3A = arith.index_cast %mul3A_27 : i32 to index
        %get3A_28 = tpu.vector_load %arg4[%get3A] {strides = array<i32>} : memref<640xi32, #tpu.memory_space<vmem>>, vector<16xi32>,
        tpu.vector_store_idx %arg5[%get3A_28], %broadcast_in_dim3A_6 {add = true} : memref<100352xf32, #tpu.memory_space<vmem>>[vector<16xi32>], vector<16xf32>,
      }
      %scan3A_24 = arith.constant 40 : i32
    }
    %scan3A_12 = arith.constant 160 : i32
    "tpu.region"() ({
      %run_scoped3A = tpu.sem_alloc : memref<!tpu.dma_semaphore, #tpu.memory_space<semaphore_mem>>
      %dma_start3A = arith.constant 0 : i32
      %dma_start3A_13 = tpu.memref_slice %arg3[%add3A, %dma_start3A] : memref<32x100352xf32, #tpu.memory_space<hbm>> -> memref<1x100352xf32, #tpu.memory_space<hbm>>
      %dma_start3A_14 = tpu.memref_squeeze %dma_start3A_13 : memref<1x100352xf32, #tpu.memory_space<hbm>> -> memref<100352xf32, #tpu.memory_space<hbm>>
      %dma_start3A_15 = arith.constant 0 : i32
      %dma_start3A_16 = tpu.memref_slice %arg3[%add3A, %dma_start3A_15] : memref<32x100352xf32, #tpu.memory_space<hbm>> -> memref<1x100352xf32, #tpu.memory_space<hbm>>
      %dma_start3A_17 = tpu.memref_squeeze %dma_start3A_16 : memref<1x100352xf32, #tpu.memory_space<hbm>> -> memref<100352xf32, #tpu.memory_space<hbm>>
      tpu.enqueue_dma source(%arg5 : memref<100352xf32, #tpu.memory_space<vmem>>) target(%dma_start3A_17 : memref<100352xf32, #tpu.memory_space<hbm>>) target_semaphore(%run_scoped3A : memref<!tpu.dma_semaphore, #tpu.memory_space<semaphore_mem>>)
      %dma_wait3A = arith.constant 0 : i32
      %dma_wait3A_18 = tpu.memref_slice %arg3[%add3A, %dma_wait3A] : memref<32x100352xf32, #tpu.memory_space<hbm>> -> memref<1x100352xf32, #tpu.memory_space<hbm>>
      %dma_wait3A_19 = tpu.memref_squeeze %dma_wait3A_18 : memref<1x100352xf32, #tpu.memory_space<hbm>> -> memref<100352xf32, #tpu.memory_space<hbm>>
      %dma_wait3A_20 = arith.constant 0 : i32
      %dma_wait3A_21 = tpu.memref_slice %arg3[%add3A, %dma_wait3A_20] : memref<32x100352xf32, #tpu.memory_space<hbm>> -> memref<1x100352xf32, #tpu.memory_space<hbm>>
      %dma_wait3A_22 = tpu.memref_squeeze %dma_wait3A_21 : memref<1x100352xf32, #tpu.memory_space<hbm>> -> memref<100352xf32, #tpu.memory_space<hbm>>
      tpu.wait_dma2 semaphore(%run_scoped3A : memref<!tpu.dma_semaphore, #tpu.memory_space<semaphore_mem>>) src(%arg5 : memref<100352xf32, #tpu.memory_space<vmem>>) dst(%dma_wait3A_22 : memref<100352xf32, #tpu.memory_space<hbm>>)
      tpu.yield
    }) : () -> ()
    return
  }
}

module attributes {stable_mosaic.version = 14 : i64} {
  func.func @body(%arg0: i32, %arg1: memref<1024x5xf32, #tpu.memory_space<vmem>>, %arg2: memref<5x32xf32, #tpu.memory_space<vmem>>, %arg3: memref<1x32xf32, #tpu.memory_space<vmem>>, %arg4: memref<1024x32xbf16, #tpu.memory_space<vmem>>, %arg5: memref<1024x16xf32, #tpu.memory_space<vmem>>, %arg6: memref<1024x16xf32, #tpu.memory_space<vmem>>) attributes {dimension_semantics = [#tpu.dimension_semantics<arbitrary>], iteration_bounds = array<i64: 98>, scalar_prefetch = 0 : i64, scratch_operands = 0 : i64, tpu.core_type = #tpu.core_type<tc>, window_params = [{transform_indices = @transform_0, window_bounds = array<i64: 1024, 5>}, {pipeline_mode = #tpu.pipeline_mode<synchronous>, transform_indices = @transform_1, window_bounds = array<i64: 5, 32>}, {pipeline_mode = #tpu.pipeline_mode<synchronous>, transform_indices = @transform_2, window_bounds = array<i64: 1, 32>}, {transform_indices = @transform_3, window_bounds = array<i64: 1024, 32>}, {transform_indices = @transform_4, window_bounds = array<i64: 1024, 16>}, {transform_indices = @transform_5, window_bounds = array<i64: 1024, 16>}]} {
    %get3A = arith.constant 0 : index
    %get3A_0 = arith.constant 0 : index
    %get3A_1 = vector.load %arg1[%get3A, %get3A_0] : memref<1024x5xf32, #tpu.memory_space<vmem>>, vector<1024x5xf32>
    %get3A_2 = arith.constant 0 : index
    %get3A_3 = arith.constant 0 : index
    %get3A_4 = vector.load %arg2[%get3A_2, %get3A_3] : memref<5x32xf32, #tpu.memory_space<vmem>>, vector<5x32xf32>
    %dot_general3A = arith.constant dense<0.000000e+00> : vector<1024x32xf32>
    %dot_general3A_5 = tpu.matmul %get3A_1, %get3A_4, %dot_general3A {dimension_numbers = #tpu.dot_dimension_numbers<[1], [0], [0], [1], [0, 0, 1, 1], [], []>, transpose_lhs_hint = false} : vector<1024x5xf32>, vector<5x32xf32>, vector<1024x32xf32> -> vector<1024x32xf32>
    %get3A_6 = arith.constant 0 : index
    %get3A_7 = arith.constant 0 : index
    %get3A_8 = vector.load %arg3[%get3A_6, %get3A_7] : memref<1x32xf32, #tpu.memory_space<vmem>>, vector<1x32xf32>
    %add3A = vector.broadcast %get3A_8 : vector<1x32xf32> to vector<1024x32xf32>
    %add3A_9 = arith.addf %dot_general3A_5, %add3A : vector<1024x32xf32>
    %max3A = arith.constant 0.000000e+00 : f32
    %max3A_10 = vector.broadcast %max3A : f32 to vector<1024x32xf32>
    %max3A_11 = arith.maximumf %add3A_9, %max3A_10 : vector<1024x32xf32>
    %convert_element_type3A = arith.truncf %max3A_11 : vector<1024x32xf32> to vector<1024x32xbf16>
    %swap3A = arith.constant 0 : index
    %swap3A_12 = arith.constant 0 : index
    %swap3A_13 = vector.load %arg4[%swap3A, %swap3A_12] : memref<1024x32xbf16, #tpu.memory_space<vmem>>, vector<1024x32xbf16>
    tpu.vector_store %arg4[%swap3A, %swap3A_12], %convert_element_type3A {strides = array<i32>} : memref<1024x32xbf16, #tpu.memory_space<vmem>>, vector<1024x32xbf16>,
    %slice3A = vector.extract_strided_slice %max3A_11 {offsets = [0, 0], sizes = [1024, 16], strides = [1, 1]} : vector<1024x32xf32> to vector<1024x16xf32>
    %swap3A_14 = arith.constant 0 : index
    %swap3A_15 = arith.constant 0 : index
    %swap3A_16 = vector.load %arg5[%swap3A_14, %swap3A_15] : memref<1024x16xf32, #tpu.memory_space<vmem>>, vector<1024x16xf32>
    tpu.vector_store %arg5[%swap3A_14, %swap3A_15], %slice3A {strides = array<i32>} : memref<1024x16xf32, #tpu.memory_space<vmem>>, vector<1024x16xf32>,
    %slice3A_17 = vector.extract_strided_slice %max3A_11 {offsets = [0, 16], sizes = [1024, 16], strides = [1, 1]} : vector<1024x32xf32> to vector<1024x16xf32>
    %swap3A_18 = arith.constant 0 : index
    %swap3A_19 = arith.constant 0 : index
    %swap3A_20 = vector.load %arg6[%swap3A_18, %swap3A_19] : memref<1024x16xf32, #tpu.memory_space<vmem>>, vector<1024x16xf32>
    tpu.vector_store %arg6[%swap3A_18, %swap3A_19], %slice3A_17 {strides = array<i32>} : memref<1024x16xf32, #tpu.memory_space<vmem>>, vector<1024x16xf32>,
    return
  }
  func.func @transform_0(%arg0: i32) -> (i32, i32) {
    %c0_i32 = arith.constant 0 : i32
    %c0_i32_0 = arith.constant 0 : i32
    return %arg0, %c0_i32 : i32, i32
  }
  func.func @transform_1(%arg0: i32) -> (i32, i32) {
    %c0_i32 = arith.constant 0 : i32
    %c0_i32_0 = arith.constant 0 : i32
    %c0_i32_1 = arith.constant 0 : i32
    return %c0_i32, %c0_i32_0 : i32, i32
  }
  func.func @transform_2(%arg0: i32) -> (i32, i32) {
    %c0_i32 = arith.constant 0 : i32
    %c0_i32_0 = arith.constant 0 : i32
    %c0_i32_1 = arith.constant 0 : i32
    return %c0_i32, %c0_i32_0 : i32, i32
  }
  func.func @transform_3(%arg0: i32) -> (i32, i32) {
    %c0_i32 = arith.constant 0 : i32
    %c0_i32_0 = arith.constant 0 : i32
    return %arg0, %c0_i32 : i32, i32
  }
  func.func @transform_4(%arg0: i32) -> (i32, i32) {
    %c0_i32 = arith.constant 0 : i32
    %c0_i32_0 = arith.constant 0 : i32
    return %arg0, %c0_i32 : i32, i32
  }
  func.func @transform_5(%arg0: i32) -> (i32, i32) {
    %c0_i32 = arith.constant 0 : i32
    %c0_i32_0 = arith.constant 0 : i32
    return %arg0, %c0_i32 : i32, i32
  }
}

module attributes {stable_mosaic.version = 14 : i64} {
  func.func @body(%arg0: i32, %arg1: memref<2x1024x32xbf16, #tpu.memory_space<vmem>>, %arg2: memref<1024x16xf32, #tpu.memory_space<vmem>>, %arg3: memref<1024x16xf32, #tpu.memory_space<vmem>>, %arg4: memref<32x1024xf32, #tpu.memory_space<vmem>>, %arg5: memref<32x64xf32, #tpu.memory_space<vmem>>, %arg6: memref<1x64xf32, #tpu.memory_space<vmem>>, %arg7: memref<32x64xf32, #tpu.memory_space<vmem>>, %arg8: memref<1024x32xbf16, #tpu.memory_space<vmem>>, %arg9: memref<1024x32xbf16, #tpu.memory_space<vmem>>, %arg10: memref<1024x16xf32, #tpu.memory_space<vmem>>, %arg11: memref<1024x16xf32, #tpu.memory_space<vmem>>, %arg12: memref<1024x16xf32, #tpu.memory_space<vmem>>, %arg13: memref<1024x16xf32, #tpu.memory_space<vmem>>) attributes {dimension_semantics = [#tpu.dimension_semantics<arbitrary>], iteration_bounds = array<i64: 98>, scalar_prefetch = 0 : i64, scratch_operands = 0 : i64, tpu.core_type = #tpu.core_type<tc>, window_params = [{transform_indices = @transform_0, window_bounds = array<i64: 2, 1024, 32>}, {transform_indices = @transform_1, window_bounds = array<i64: 1024, 16>}, {transform_indices = @transform_2, window_bounds = array<i64: 1024, 16>}, {transform_indices = @transform_3, window_bounds = array<i64: 32, 1024>}, {pipeline_mode = #tpu.pipeline_mode<synchronous>, transform_indices = @transform_4, window_bounds = array<i64: 32, 64>}, {pipeline_mode = #tpu.pipeline_mode<synchronous>, transform_indices = @transform_5, window_bounds = array<i64: 1, 64>}, {pipeline_mode = #tpu.pipeline_mode<synchronous>, transform_indices = @transform_6, window_bounds = array<i64: 32, 64>}, {transform_indices = @transform_7, window_bounds = array<i64: 1024, 32>}, {transform_indices = @transform_8, window_bounds = array<i64: 1024, 32>}, {transform_indices = @transform_9, window_bounds = array<i64: 1024, 16>}, {transform_indices = @transform_10, window_bounds = array<i64: 1024, 16>}, {transform_indices = @transform_11, window_bounds = array<i64: 1024, 16>}, {transform_indices = @transform_12, window_bounds = array<i64: 1024, 16>}]} {
    %get3A = arith.constant 0 : index
    %get3A_0 = arith.constant 0 : index
    %get3A_1 = vector.load %arg4[%get3A, %get3A_0] : memref<32x1024xf32, #tpu.memory_space<vmem>>, vector<32x1024xf32>
    %reduce_sum3A = arith.constant dense<0.000000e+00> : vector<1024xf32>
    %reduce_sum3A_2 = vector.multi_reduction <add>, %get3A_1, %reduce_sum3A [0] : vector<32x1024xf32> to vector<1024xf32>
    %jit3A = arith.constant 1.000000e+00 : f32
    %max3A = vector.broadcast %jit3A : f32 to vector<1024xf32>
    %max3A_3 = arith.maximumf %max3A, %reduce_sum3A_2 : vector<1024xf32>
    %div3A = arith.constant 1.000000e+00 : f32
    %div3A_4 = vector.broadcast %div3A : f32 to vector<1024xf32>
    %div3A_5 = arith.divf %div3A_4, %max3A_3 : vector<1024xf32>
    %get3A_6 = arith.constant 0 : index
    %get3A_7 = arith.constant 0 : index
    %get3A_8 = vector.load %arg5[%get3A_6, %get3A_7] : memref<32x64xf32, #tpu.memory_space<vmem>>, vector<32x64xf32>
    %get3A_9 = arith.constant 0 : index
    %get3A_10 = arith.constant 0 : index
    %get3A_11 = vector.load %arg7[%get3A_9, %get3A_10] : memref<32x64xf32, #tpu.memory_space<vmem>>, vector<32x64xf32>
    %broadcast_in_dim3A = arith.constant 0.000000e+00 : f32
    %broadcast_in_dim3A_12 = vector.broadcast %broadcast_in_dim3A : f32 to vector<1024x64xf32>
    %broadcast_in_dim3A_13 = arith.constant 0.000000e+00 : f32
    %broadcast_in_dim3A_14 = vector.broadcast %broadcast_in_dim3A_13 : f32 to vector<1024x64xf32>
    %get3A_15 = arith.constant 0 : index
    %get3A_16 = arith.constant 0 : index
    %get3A_17 = arith.constant 0 : index
    %get3A_18 = vector.load %arg1[%get3A_15, %get3A_16, %get3A_17] : memref<2x1024x32xbf16, #tpu.memory_space<vmem>>, vector<1x1024x32xbf16>
    %get3A_19 = vector.shape_cast %get3A_18 : vector<1x1024x32xbf16> to vector<1024x32xbf16>
    %convert_element_type3A = arith.extf %get3A_19 : vector<1024x32xbf16> to vector<1024x32xf32>
    %get3A_20 = arith.constant 1 : index
    %get3A_21 = arith.constant 0 : index
    %get3A_22 = arith.constant 0 : index
    %get3A_23 = vector.load %arg1[%get3A_20, %get3A_21, %get3A_22] : memref<2x1024x32xbf16, #tpu.memory_space<vmem>>, vector<1x1024x32xbf16>
    %get3A_24 = vector.shape_cast %get3A_23 : vector<1x1024x32xbf16> to vector<1024x32xbf16>
    %convert_element_type3A_25 = arith.extf %get3A_24 : vector<1024x32xbf16> to vector<1024x32xf32>
    %add3A = arith.addf %convert_element_type3A, %convert_element_type3A_25 : vector<1024x32xf32>
    %dot_general3A = arith.constant dense<0.000000e+00> : vector<1024x64xf32>
    %dot_general3A_26 = tpu.matmul %add3A, %get3A_8, %dot_general3A {dimension_numbers = #tpu.dot_dimension_numbers<[1], [0], [0], [1], [0, 0, 1, 1], [], []>, transpose_lhs_hint = false} : vector<1024x32xf32>, vector<32x64xf32>, vector<1024x64xf32> -> vector<1024x64xf32>
    %add3A_27 = arith.addf %broadcast_in_dim3A_12, %dot_general3A_26 : vector<1024x64xf32>
    %get3A_28 = arith.constant 0 : index
    %get3A_29 = arith.constant 0 : index
    %get3A_30 = vector.load %arg2[%get3A_28, %get3A_29] : memref<1024x16xf32, #tpu.memory_space<vmem>>, vector<1024x16xf32>
    %slice3A = vector.extract_strided_slice %get3A_11 {offsets = [0, 0], sizes = [16, 64], strides = [1, 1]} : vector<32x64xf32> to vector<16x64xf32>
    %dot_general3A_31 = arith.constant dense<0.000000e+00> : vector<1024x64xf32>
    %dot_general3A_32 = tpu.matmul %get3A_30, %slice3A, %dot_general3A_31 {dimension_numbers = #tpu.dot_dimension_numbers<[1], [0], [0], [1], [0, 0, 1, 1], [], []>, transpose_lhs_hint = false} : vector<1024x16xf32>, vector<16x64xf32>, vector<1024x64xf32> -> vector<1024x64xf32>
    %add3A_33 = arith.addf %broadcast_in_dim3A_14, %dot_general3A_32 : vector<1024x64xf32>
    %get3A_34 = arith.constant 0 : index
    %get3A_35 = arith.constant 0 : index
    %get3A_36 = vector.load %arg3[%get3A_34, %get3A_35] : memref<1024x16xf32, #tpu.memory_space<vmem>>, vector<1024x16xf32>
    %slice3A_37 = vector.extract_strided_slice %get3A_11 {offsets = [16, 0], sizes = [16, 64], strides = [1, 1]} : vector<32x64xf32> to vector<16x64xf32>
    %dot_general3A_38 = arith.constant dense<0.000000e+00> : vector<1024x64xf32>
    %dot_general3A_39 = tpu.matmul %get3A_36, %slice3A_37, %dot_general3A_38 {dimension_numbers = #tpu.dot_dimension_numbers<[1], [0], [0], [1], [0, 0, 1, 1], [], []>, transpose_lhs_hint = false} : vector<1024x16xf32>, vector<16x64xf32>, vector<1024x64xf32> -> vector<1024x64xf32>
    %add3A_40 = arith.addf %add3A_33, %dot_general3A_39 : vector<1024x64xf32>
    %broadcast_in_dim3A_41 = vector.shape_cast %div3A_5 : vector<1024xf32> to vector<1024x1xf32>
    %mul3A = vector.broadcast %broadcast_in_dim3A_41 : vector<1024x1xf32> to vector<1024x64xf32>
    %mul3A_42 = arith.mulf %add3A_27, %mul3A : vector<1024x64xf32>
    %get3A_43 = arith.constant 0 : index
    %get3A_44 = arith.constant 0 : index
    %get3A_45 = vector.load %arg6[%get3A_43, %get3A_44] : memref<1x64xf32, #tpu.memory_space<vmem>>, vector<1x64xf32>
    %add3A_46 = vector.broadcast %get3A_45 : vector<1x64xf32> to vector<1024x64xf32>
    %add3A_47 = arith.addf %mul3A_42, %add3A_46 : vector<1024x64xf32>
    %add3A_48 = arith.addf %add3A_47, %add3A_40 : vector<1024x64xf32>
    %mul3A_49 = arith.mulf %add3A_48, %add3A_48 : vector<1024x64xf32>
    %reduce_sum3A_50 = arith.constant dense<0.000000e+00> : vector<1024xf32>
    %reduce_sum3A_51 = vector.multi_reduction <add>, %mul3A_49, %reduce_sum3A_50 [1] : vector<1024x64xf32> to vector<1024xf32>
    %broadcast_in_dim3A_52 = vector.shape_cast %reduce_sum3A_51 : vector<1024xf32> to vector<1024x1xf32>
    %sqrt3A = math.sqrt %broadcast_in_dim3A_52 : vector<1024x1xf32>
    %max3A_53 = arith.constant 9.99999996E-13 : f32
    %max3A_54 = vector.broadcast %max3A_53 : f32 to vector<1024x1xf32>
    %max3A_55 = arith.maximumf %sqrt3A, %max3A_54 : vector<1024x1xf32>
    %div3A_56 = vector.broadcast %max3A_55 : vector<1024x1xf32> to vector<1024x64xf32>
    %div3A_57 = arith.divf %add3A_48, %div3A_56 : vector<1024x64xf32>
    %max3A_58 = arith.constant 0.000000e+00 : f32
    %max3A_59 = vector.broadcast %max3A_58 : f32 to vector<1024x64xf32>
    %max3A_60 = arith.maximumf %div3A_57, %max3A_59 : vector<1024x64xf32>
    %slice3A_61 = vector.extract_strided_slice %max3A_60 {offsets = [0, 0], sizes = [1024, 32], strides = [1, 1]} : vector<1024x64xf32> to vector<1024x32xf32>
    %convert_element_type3A_62 = arith.truncf %slice3A_61 : vector<1024x32xf32> to vector<1024x32xbf16>
    %swap3A = arith.constant 0 : index
    %swap3A_63 = arith.constant 0 : index
    %swap3A_64 = vector.load %arg8[%swap3A, %swap3A_63] : memref<1024x32xbf16, #tpu.memory_space<vmem>>, vector<1024x32xbf16>
    tpu.vector_store %arg8[%swap3A, %swap3A_63], %convert_element_type3A_62 {strides = array<i32>} : memref<1024x32xbf16, #tpu.memory_space<vmem>>, vector<1024x32xbf16>,
    %slice3A_65 = vector.extract_strided_slice %max3A_60 {offsets = [0, 32], sizes = [1024, 32], strides = [1, 1]} : vector<1024x64xf32> to vector<1024x32xf32>
    %convert_element_type3A_66 = arith.truncf %slice3A_65 : vector<1024x32xf32> to vector<1024x32xbf16>
    %swap3A_67 = arith.constant 0 : index
    %swap3A_68 = arith.constant 0 : index
    %swap3A_69 = vector.load %arg9[%swap3A_67, %swap3A_68] : memref<1024x32xbf16, #tpu.memory_space<vmem>>, vector<1024x32xbf16>
    tpu.vector_store %arg9[%swap3A_67, %swap3A_68], %convert_element_type3A_66 {strides = array<i32>} : memref<1024x32xbf16, #tpu.memory_space<vmem>>, vector<1024x32xbf16>,
    %slice3A_70 = vector.extract_strided_slice %max3A_60 {offsets = [0, 0], sizes = [1024, 16], strides = [1, 1]} : vector<1024x64xf32> to vector<1024x16xf32>
    %swap3A_71 = arith.constant 0 : index
    %swap3A_72 = arith.constant 0 : index
    %swap3A_73 = vector.load %arg10[%swap3A_71, %swap3A_72] : memref<1024x16xf32, #tpu.memory_space<vmem>>, vector<1024x16xf32>
    tpu.vector_store %arg10[%swap3A_71, %swap3A_72], %slice3A_70 {strides = array<i32>} : memref<1024x16xf32, #tpu.memory_space<vmem>>, vector<1024x16xf32>,
    %slice3A_74 = vector.extract_strided_slice %max3A_60 {offsets = [0, 16], sizes = [1024, 16], strides = [1, 1]} : vector<1024x64xf32> to vector<1024x16xf32>
    %swap3A_75 = arith.constant 0 : index
    %swap3A_76 = arith.constant 0 : index
    %swap3A_77 = vector.load %arg11[%swap3A_75, %swap3A_76] : memref<1024x16xf32, #tpu.memory_space<vmem>>, vector<1024x16xf32>
    tpu.vector_store %arg11[%swap3A_75, %swap3A_76], %slice3A_74 {strides = array<i32>} : memref<1024x16xf32, #tpu.memory_space<vmem>>, vector<1024x16xf32>,
    %slice3A_78 = vector.extract_strided_slice %max3A_60 {offsets = [0, 32], sizes = [1024, 16], strides = [1, 1]} : vector<1024x64xf32> to vector<1024x16xf32>
    %swap3A_79 = arith.constant 0 : index
    %swap3A_80 = arith.constant 0 : index
    %swap3A_81 = vector.load %arg12[%swap3A_79, %swap3A_80] : memref<1024x16xf32, #tpu.memory_space<vmem>>, vector<1024x16xf32>
    tpu.vector_store %arg12[%swap3A_79, %swap3A_80], %slice3A_78 {strides = array<i32>} : memref<1024x16xf32, #tpu.memory_space<vmem>>, vector<1024x16xf32>,
    %slice3A_82 = vector.extract_strided_slice %max3A_60 {offsets = [0, 48], sizes = [1024, 16], strides = [1, 1]} : vector<1024x64xf32> to vector<1024x16xf32>
    %swap3A_83 = arith.constant 0 : index
    %swap3A_84 = arith.constant 0 : index
    %swap3A_85 = vector.load %arg13[%swap3A_83, %swap3A_84] : memref<1024x16xf32, #tpu.memory_space<vmem>>, vector<1024x16xf32>
    tpu.vector_store %arg13[%swap3A_83, %swap3A_84], %slice3A_82 {strides = array<i32>} : memref<1024x16xf32, #tpu.memory_space<vmem>>, vector<1024x16xf32>,
    return
  }
  func.func @transform_0(%arg0: i32) -> (i32, i32, i32) {
    %c0_i32 = arith.constant 0 : i32
    %c0_i32_0 = arith.constant 0 : i32
    %c0_i32_1 = arith.constant 0 : i32
    return %c0_i32, %arg0, %c0_i32_0 : i32, i32, i32
  }
  func.func @transform_1(%arg0: i32) -> (i32, i32) {
    %c0_i32 = arith.constant 0 : i32
    %c0_i32_0 = arith.constant 0 : i32
    return %arg0, %c0_i32 : i32, i32
  }
  func.func @transform_2(%arg0: i32) -> (i32, i32) {
    %c0_i32 = arith.constant 0 : i32
    %c0_i32_0 = arith.constant 0 : i32
    return %arg0, %c0_i32 : i32, i32
  }
  func.func @transform_3(%arg0: i32) -> (i32, i32) {
    %c0_i32 = arith.constant 0 : i32
    %c0_i32_0 = arith.constant 0 : i32
    return %c0_i32, %arg0 : i32, i32
  }
  func.func @transform_4(%arg0: i32) -> (i32, i32) {
    %c0_i32 = arith.constant 0 : i32
    %c0_i32_0 = arith.constant 0 : i32
    %c0_i32_1 = arith.constant 0 : i32
    return %c0_i32, %c0_i32_0 : i32, i32
  }
  func.func @transform_5(%arg0: i32) -> (i32, i32) {
    %c0_i32 = arith.constant 0 : i32
    %c0_i32_0 = arith.constant 0 : i32
    %c0_i32_1 = arith.constant 0 : i32
    return %c0_i32, %c0_i32_0 : i32, i32
  }
  func.func @transform_6(%arg0: i32) -> (i32, i32) {
    %c0_i32 = arith.constant 0 : i32
    %c0_i32_0 = arith.constant 0 : i32
    %c0_i32_1 = arith.constant 0 : i32
    return %c0_i32, %c0_i32_0 : i32, i32
  }
  func.func @transform_7(%arg0: i32) -> (i32, i32) {
    %c0_i32 = arith.constant 0 : i32
    %c0_i32_0 = arith.constant 0 : i32
    return %arg0, %c0_i32 : i32, i32
  }
  func.func @transform_8(%arg0: i32) -> (i32, i32) {
    %c0_i32 = arith.constant 0 : i32
    %c0_i32_0 = arith.constant 0 : i32
    return %arg0, %c0_i32 : i32, i32
  }
  func.func @transform_9(%arg0: i32) -> (i32, i32) {
    %c0_i32 = arith.constant 0 : i32
    %c0_i32_0 = arith.constant 0 : i32
    return %arg0, %c0_i32 : i32, i32
  }
  func.func @transform_10(%arg0: i32) -> (i32, i32) {
    %c0_i32 = arith.constant 0 : i32
    %c0_i32_0 = arith.constant 0 : i32
    return %arg0, %c0_i32 : i32, i32
  }
  func.func @transform_11(%arg0: i32) -> (i32, i32) {
    %c0_i32 = arith.constant 0 : i32
    %c0_i32_0 = arith.constant 0 : i32
    return %arg0, %c0_i32 : i32, i32
  }
  func.func @transform_12(%arg0: i32) -> (i32, i32) {
    %c0_i32 = arith.constant 0 : i32
    %c0_i32_0 = arith.constant 0 : i32
    return %arg0, %c0_i32 : i32, i32
  }
}

module attributes {stable_mosaic.version = 14 : i64} {
  func.func @body(%arg0: i32, %arg1: memref<2x1024x32xbf16, #tpu.memory_space<vmem>>, %arg2: memref<2x1024x32xbf16, #tpu.memory_space<vmem>>, %arg3: memref<1024x16xf32, #tpu.memory_space<vmem>>, %arg4: memref<1024x16xf32, #tpu.memory_space<vmem>>, %arg5: memref<1024x16xf32, #tpu.memory_space<vmem>>, %arg6: memref<1024x16xf32, #tpu.memory_space<vmem>>, %arg7: memref<32x1024xf32, #tpu.memory_space<vmem>>, %arg8: memref<64x64xf32, #tpu.memory_space<vmem>>, %arg9: memref<1x64xf32, #tpu.memory_space<vmem>>, %arg10: memref<64x64xf32, #tpu.memory_space<vmem>>, %arg11: memref<1x1x1024xi32, #tpu.memory_space<vmem>>, %arg12: memref<128x64xf32, #tpu.memory_space<vmem>>, %arg13: memref<128x1xf32, #tpu.memory_space<vmem>>) attributes {dimension_semantics = [#tpu.dimension_semantics<arbitrary>], iteration_bounds = array<i64: 98>, scalar_prefetch = 0 : i64, scratch_operands = 0 : i64, tpu.core_type = #tpu.core_type<tc>, window_params = [{transform_indices = @transform_0, window_bounds = array<i64: 2, 1024, 32>}, {transform_indices = @transform_1, window_bounds = array<i64: 2, 1024, 32>}, {transform_indices = @transform_2, window_bounds = array<i64: 1024, 16>}, {transform_indices = @transform_3, window_bounds = array<i64: 1024, 16>}, {transform_indices = @transform_4, window_bounds = array<i64: 1024, 16>}, {transform_indices = @transform_5, window_bounds = array<i64: 1024, 16>}, {transform_indices = @transform_6, window_bounds = array<i64: 32, 1024>}, {pipeline_mode = #tpu.pipeline_mode<synchronous>, transform_indices = @transform_7, window_bounds = array<i64: 64, 64>}, {pipeline_mode = #tpu.pipeline_mode<synchronous>, transform_indices = @transform_8, window_bounds = array<i64: 1, 64>}, {pipeline_mode = #tpu.pipeline_mode<synchronous>, transform_indices = @transform_9, window_bounds = array<i64: 64, 64>}, {transform_indices = @transform_10, window_bounds = array<i64: 1, 1, 1024>}, {pipeline_mode = #tpu.pipeline_mode<synchronous>, transform_indices = @transform_11, window_bounds = array<i64: 128, 64>}, {pipeline_mode = #tpu.pipeline_mode<synchronous>, transform_indices = @transform_12, window_bounds = array<i64: 128, 1>}]} {
    %get3A = arith.constant 0 : index
    %get3A_0 = arith.constant 0 : index
    %get3A_1 = vector.load %arg7[%get3A, %get3A_0] : memref<32x1024xf32, #tpu.memory_space<vmem>>, vector<32x1024xf32>
    %reduce_sum3A = arith.constant dense<0.000000e+00> : vector<1024xf32>
    %reduce_sum3A_2 = vector.multi_reduction <add>, %get3A_1, %reduce_sum3A [0] : vector<32x1024xf32> to vector<1024xf32>
    %jit3A = arith.constant 1.000000e+00 : f32
    %max3A = vector.broadcast %jit3A : f32 to vector<1024xf32>
    %max3A_3 = arith.maximumf %max3A, %reduce_sum3A_2 : vector<1024xf32>
    %div3A = arith.constant 1.000000e+00 : f32
    %div3A_4 = vector.broadcast %div3A : f32 to vector<1024xf32>
    %div3A_5 = arith.divf %div3A_4, %max3A_3 : vector<1024xf32>
    %get3A_6 = arith.constant 0 : index
    %get3A_7 = arith.constant 0 : index
    %get3A_8 = vector.load %arg8[%get3A_6, %get3A_7] : memref<64x64xf32, #tpu.memory_space<vmem>>, vector<64x64xf32>
    %get3A_9 = arith.constant 0 : index
    %get3A_10 = arith.constant 0 : index
    %get3A_11 = vector.load %arg10[%get3A_9, %get3A_10] : memref<64x64xf32, #tpu.memory_space<vmem>>, vector<64x64xf32>
    %broadcast_in_dim3A = arith.constant 0.000000e+00 : f32
    %broadcast_in_dim3A_12 = vector.broadcast %broadcast_in_dim3A : f32 to vector<1024x64xf32>
    %broadcast_in_dim3A_13 = arith.constant 0.000000e+00 : f32
    %broadcast_in_dim3A_14 = vector.broadcast %broadcast_in_dim3A_13 : f32 to vector<1024x64xf32>
    %get3A_15 = arith.constant 0 : index
    %get3A_16 = arith.constant 0 : index
    %get3A_17 = arith.constant 0 : index
    %get3A_18 = vector.load %arg1[%get3A_15, %get3A_16, %get3A_17] : memref<2x1024x32xbf16, #tpu.memory_space<vmem>>, vector<1x1024x32xbf16>
    %get3A_19 = vector.shape_cast %get3A_18 : vector<1x1024x32xbf16> to vector<1024x32xbf16>
    %convert_element_type3A = arith.extf %get3A_19 : vector<1024x32xbf16> to vector<1024x32xf32>
    %get3A_20 = arith.constant 1 : index
    %get3A_21 = arith.constant 0 : index
    %get3A_22 = arith.constant 0 : index
    %get3A_23 = vector.load %arg1[%get3A_20, %get3A_21, %get3A_22] : memref<2x1024x32xbf16, #tpu.memory_space<vmem>>, vector<1x1024x32xbf16>
    %get3A_24 = vector.shape_cast %get3A_23 : vector<1x1024x32xbf16> to vector<1024x32xbf16>
    %convert_element_type3A_25 = arith.extf %get3A_24 : vector<1024x32xbf16> to vector<1024x32xf32>
    %add3A = arith.addf %convert_element_type3A, %convert_element_type3A_25 : vector<1024x32xf32>
    %slice3A = vector.extract_strided_slice %get3A_8 {offsets = [0, 0], sizes = [32, 64], strides = [1, 1]} : vector<64x64xf32> to vector<32x64xf32>
    %dot_general3A = arith.constant dense<0.000000e+00> : vector<1024x64xf32>
    %dot_general3A_26 = tpu.matmul %add3A, %slice3A, %dot_general3A {dimension_numbers = #tpu.dot_dimension_numbers<[1], [0], [0], [1], [0, 0, 1, 1], [], []>, transpose_lhs_hint = false} : vector<1024x32xf32>, vector<32x64xf32>, vector<1024x64xf32> -> vector<1024x64xf32>
    %add3A_27 = arith.addf %broadcast_in_dim3A_12, %dot_general3A_26 : vector<1024x64xf32>
    %get3A_28 = arith.constant 0 : index
    %get3A_29 = arith.constant 0 : index
    %get3A_30 = arith.constant 0 : index
    %get3A_31 = vector.load %arg2[%get3A_28, %get3A_29, %get3A_30] : memref<2x1024x32xbf16, #tpu.memory_space<vmem>>, vector<1x1024x32xbf16>
    %get3A_32 = vector.shape_cast %get3A_31 : vector<1x1024x32xbf16> to vector<1024x32xbf16>
    %convert_element_type3A_33 = arith.extf %get3A_32 : vector<1024x32xbf16> to vector<1024x32xf32>
    %get3A_34 = arith.constant 1 : index
    %get3A_35 = arith.constant 0 : index
    %get3A_36 = arith.constant 0 : index
    %get3A_37 = vector.load %arg2[%get3A_34, %get3A_35, %get3A_36] : memref<2x1024x32xbf16, #tpu.memory_space<vmem>>, vector<1x1024x32xbf16>
    %get3A_38 = vector.shape_cast %get3A_37 : vector<1x1024x32xbf16> to vector<1024x32xbf16>
    %convert_element_type3A_39 = arith.extf %get3A_38 : vector<1024x32xbf16> to vector<1024x32xf32>
    %add3A_40 = arith.addf %convert_element_type3A_33, %convert_element_type3A_39 : vector<1024x32xf32>
    %slice3A_41 = vector.extract_strided_slice %get3A_8 {offsets = [32, 0], sizes = [32, 64], strides = [1, 1]} : vector<64x64xf32> to vector<32x64xf32>
    %dot_general3A_42 = arith.constant dense<0.000000e+00> : vector<1024x64xf32>
    %dot_general3A_43 = tpu.matmul %add3A_40, %slice3A_41, %dot_general3A_42 {dimension_numbers = #tpu.dot_dimension_numbers<[1], [0], [0], [1], [0, 0, 1, 1], [], []>, transpose_lhs_hint = false} : vector<1024x32xf32>, vector<32x64xf32>, vector<1024x64xf32> -> vector<1024x64xf32>
    %add3A_44 = arith.addf %add3A_27, %dot_general3A_43 : vector<1024x64xf32>
    %get3A_45 = arith.constant 0 : index
    %get3A_46 = arith.constant 0 : index
    %get3A_47 = vector.load %arg3[%get3A_45, %get3A_46] : memref<1024x16xf32, #tpu.memory_space<vmem>>, vector<1024x16xf32>
    %slice3A_48 = vector.extract_strided_slice %get3A_11 {offsets = [0, 0], sizes = [16, 64], strides = [1, 1]} : vector<64x64xf32> to vector<16x64xf32>
    %dot_general3A_49 = arith.constant dense<0.000000e+00> : vector<1024x64xf32>
    %dot_general3A_50 = tpu.matmul %get3A_47, %slice3A_48, %dot_general3A_49 {dimension_numbers = #tpu.dot_dimension_numbers<[1], [0], [0], [1], [0, 0, 1, 1], [], []>, transpose_lhs_hint = false} : vector<1024x16xf32>, vector<16x64xf32>, vector<1024x64xf32> -> vector<1024x64xf32>
    %add3A_51 = arith.addf %broadcast_in_dim3A_14, %dot_general3A_50 : vector<1024x64xf32>
    %get3A_52 = arith.constant 0 : index
    %get3A_53 = arith.constant 0 : index
    %get3A_54 = vector.load %arg4[%get3A_52, %get3A_53] : memref<1024x16xf32, #tpu.memory_space<vmem>>, vector<1024x16xf32>
    %slice3A_55 = vector.extract_strided_slice %get3A_11 {offsets = [16, 0], sizes = [16, 64], strides = [1, 1]} : vector<64x64xf32> to vector<16x64xf32>
    %dot_general3A_56 = arith.constant dense<0.000000e+00> : vector<1024x64xf32>
    %dot_general3A_57 = tpu.matmul %get3A_54, %slice3A_55, %dot_general3A_56 {dimension_numbers = #tpu.dot_dimension_numbers<[1], [0], [0], [1], [0, 0, 1, 1], [], []>, transpose_lhs_hint = false} : vector<1024x16xf32>, vector<16x64xf32>, vector<1024x64xf32> -> vector<1024x64xf32>
    %add3A_58 = arith.addf %add3A_51, %dot_general3A_57 : vector<1024x64xf32>
    %get3A_59 = arith.constant 0 : index
    %get3A_60 = arith.constant 0 : index
    %get3A_61 = vector.load %arg5[%get3A_59, %get3A_60] : memref<1024x16xf32, #tpu.memory_space<vmem>>, vector<1024x16xf32>
    %slice3A_62 = vector.extract_strided_slice %get3A_11 {offsets = [32, 0], sizes = [16, 64], strides = [1, 1]} : vector<64x64xf32> to vector<16x64xf32>
    %dot_general3A_63 = arith.constant dense<0.000000e+00> : vector<1024x64xf32>
    %dot_general3A_64 = tpu.matmul %get3A_61, %slice3A_62, %dot_general3A_63 {dimension_numbers = #tpu.dot_dimension_numbers<[1], [0], [0], [1], [0, 0, 1, 1], [], []>, transpose_lhs_hint = false} : vector<1024x16xf32>, vector<16x64xf32>, vector<1024x64xf32> -> vector<1024x64xf32>
    %add3A_65 = arith.addf %add3A_58, %dot_general3A_64 : vector<1024x64xf32>
    %get3A_66 = arith.constant 0 : index
    %get3A_67 = arith.constant 0 : index
    %get3A_68 = vector.load %arg6[%get3A_66, %get3A_67] : memref<1024x16xf32, #tpu.memory_space<vmem>>, vector<1024x16xf32>
    %slice3A_69 = vector.extract_strided_slice %get3A_11 {offsets = [48, 0], sizes = [16, 64], strides = [1, 1]} : vector<64x64xf32> to vector<16x64xf32>
    %dot_general3A_70 = arith.constant dense<0.000000e+00> : vector<1024x64xf32>
    %dot_general3A_71 = tpu.matmul %get3A_68, %slice3A_69, %dot_general3A_70 {dimension_numbers = #tpu.dot_dimension_numbers<[1], [0], [0], [1], [0, 0, 1, 1], [], []>, transpose_lhs_hint = false} : vector<1024x16xf32>, vector<16x64xf32>, vector<1024x64xf32> -> vector<1024x64xf32>
    %add3A_72 = arith.addf %add3A_65, %dot_general3A_71 : vector<1024x64xf32>
    %broadcast_in_dim3A_73 = vector.shape_cast %div3A_5 : vector<1024xf32> to vector<1024x1xf32>
    %mul3A = vector.broadcast %broadcast_in_dim3A_73 : vector<1024x1xf32> to vector<1024x64xf32>
    %mul3A_74 = arith.mulf %add3A_44, %mul3A : vector<1024x64xf32>
    %get3A_75 = arith.constant 0 : index
    %get3A_76 = arith.constant 0 : index
    %get3A_77 = vector.load %arg9[%get3A_75, %get3A_76] : memref<1x64xf32, #tpu.memory_space<vmem>>, vector<1x64xf32>
    %add3A_78 = vector.broadcast %get3A_77 : vector<1x64xf32> to vector<1024x64xf32>
    %add3A_79 = arith.addf %mul3A_74, %add3A_78 : vector<1024x64xf32>
    %add3A_80 = arith.addf %add3A_79, %add3A_72 : vector<1024x64xf32>
    %mul3A_81 = arith.mulf %add3A_80, %add3A_80 : vector<1024x64xf32>
    %reduce_sum3A_82 = arith.constant dense<0.000000e+00> : vector<1024xf32>
    %reduce_sum3A_83 = vector.multi_reduction <add>, %mul3A_81, %reduce_sum3A_82 [1] : vector<1024x64xf32> to vector<1024xf32>
    %broadcast_in_dim3A_84 = vector.shape_cast %reduce_sum3A_83 : vector<1024xf32> to vector<1024x1xf32>
    %sqrt3A = math.sqrt %broadcast_in_dim3A_84 : vector<1024x1xf32>
    %max3A_85 = arith.constant 9.99999996E-13 : f32
    %max3A_86 = vector.broadcast %max3A_85 : f32 to vector<1024x1xf32>
    %max3A_87 = arith.maximumf %sqrt3A, %max3A_86 : vector<1024x1xf32>
    %div3A_88 = vector.broadcast %max3A_87 : vector<1024x1xf32> to vector<1024x64xf32>
    %div3A_89 = arith.divf %add3A_80, %div3A_88 : vector<1024x64xf32>
    %max3A_90 = arith.constant 0.000000e+00 : f32
    %max3A_91 = vector.broadcast %max3A_90 : f32 to vector<1024x64xf32>
    %max3A_92 = arith.maximumf %div3A_89, %max3A_91 : vector<1024x64xf32>
    %get3A_93 = arith.constant 0 : index
    %get3A_94 = arith.constant 0 : index
    %get3A_95 = arith.constant 0 : index
    %get3A_96 = vector.load %arg11[%get3A_93, %get3A_94, %get3A_95] : memref<1x1x1024xi32, #tpu.memory_space<vmem>>, vector<1x1x1024xi32>
    %get3A_97 = vector.shape_cast %get3A_96 : vector<1x1x1024xi32> to vector<1024xi32>
    %iota3A = tpu.iota {dimensions = array<i32: 0>} : vector<128x1024xi32>
    %broadcast_in_dim3A_98 = vector.shape_cast %get3A_97 : vector<1024xi32> to vector<1x1024xi32>
    %eq3A = vector.broadcast %broadcast_in_dim3A_98 : vector<1x1024xi32> to vector<128x1024xi32>
    %eq3A_99 = arith.cmpi eq, %iota3A, %eq3A : vector<128x1024xi32>
    %convert_element_type3A_100 = arith.extui %eq3A_99 : vector<128x1024xi1> to vector<128x1024xi32>
    %convert_element_type3A_101 = arith.sitofp %convert_element_type3A_100 : vector<128x1024xi32> to vector<128x1024xf32>
    %dot_general3A_102 = arith.constant dense<0.000000e+00> : vector<128x64xf32>
    %dot_general3A_103 = tpu.matmul %convert_element_type3A_101, %max3A_92, %dot_general3A_102 {dimension_numbers = #tpu.dot_dimension_numbers<[1], [0], [0], [1], [0, 0, 1, 1], [], []>, transpose_lhs_hint = false} : vector<128x1024xf32>, vector<1024x64xf32>, vector<128x64xf32> -> vector<128x64xf32>
    %reduce_sum3A_104 = arith.constant dense<0.000000e+00> : vector<128xf32>
    %reduce_sum3A_105 = vector.multi_reduction <add>, %convert_element_type3A_101, %reduce_sum3A_104 [1] : vector<128x1024xf32> to vector<128xf32>
    %broadcast_in_dim3A_106 = vector.shape_cast %reduce_sum3A_105 : vector<128xf32> to vector<128x1xf32>
    %eq3A_107 = arith.constant 0 : i32
    %eq3A_108 = arith.cmpi eq, %arg0, %eq3A_107 : i32
    %convert_element_type3A_109 = arith.extui %eq3A_108 : i1 to i32
    %cond3A = arith.constant 0 : i32
    %cond3A_110 = arith.cmpi ne, %convert_element_type3A_109, %cond3A : i32
    scf.if %cond3A_110 {
      %broadcast_in_dim3A_124 = arith.constant 0.000000e+00 : f32
      %broadcast_in_dim3A_125 = vector.broadcast %broadcast_in_dim3A_124 : f32 to vector<128x64xf32>
      %swap3A_126 = arith.constant 0 : index
      %swap3A_127 = arith.constant 0 : index
      %swap3A_128 = vector.load %arg12[%swap3A_126, %swap3A_127] : memref<128x64xf32, #tpu.memory_space<vmem>>, vector<128x64xf32>
      tpu.vector_store %arg12[%swap3A_126, %swap3A_127], %broadcast_in_dim3A_125 {strides = array<i32>} : memref<128x64xf32, #tpu.memory_space<vmem>>, vector<128x64xf32>,
      %broadcast_in_dim3A_129 = arith.constant 0.000000e+00 : f32
      %broadcast_in_dim3A_130 = vector.broadcast %broadcast_in_dim3A_129 : f32 to vector<128x1xf32>
      %swap3A_131 = arith.constant 0 : index
      %swap3A_132 = arith.constant 0 : index
      %swap3A_133 = vector.load %arg13[%swap3A_131, %swap3A_132] : memref<128x1xf32, #tpu.memory_space<vmem>>, vector<128x1xf32>
      tpu.vector_store %arg13[%swap3A_131, %swap3A_132], %broadcast_in_dim3A_130 {strides = array<i32>} : memref<128x1xf32, #tpu.memory_space<vmem>>, vector<128x1xf32>,
    } else {
    }
    %get3A_111 = arith.constant 0 : index
    %get3A_112 = arith.constant 0 : index
    %get3A_113 = vector.load %arg12[%get3A_111, %get3A_112] : memref<128x64xf32, #tpu.memory_space<vmem>>, vector<128x64xf32>
    %add3A_114 = arith.addf %get3A_113, %dot_general3A_103 : vector<128x64xf32>
    %swap3A = arith.constant 0 : index
    %swap3A_115 = arith.constant 0 : index
    %swap3A_116 = vector.load %arg12[%swap3A, %swap3A_115] : memref<128x64xf32, #tpu.memory_space<vmem>>, vector<128x64xf32>
    tpu.vector_store %arg12[%swap3A, %swap3A_115], %add3A_114 {strides = array<i32>} : memref<128x64xf32, #tpu.memory_space<vmem>>, vector<128x64xf32>,
    %get3A_117 = arith.constant 0 : index
    %get3A_118 = arith.constant 0 : index
    %get3A_119 = vector.load %arg13[%get3A_117, %get3A_118] : memref<128x1xf32, #tpu.memory_space<vmem>>, vector<128x1xf32>
    %add3A_120 = arith.addf %get3A_119, %broadcast_in_dim3A_106 : vector<128x1xf32>
    %swap3A_121 = arith.constant 0 : index
    %swap3A_122 = arith.constant 0 : index
    %swap3A_123 = vector.load %arg13[%swap3A_121, %swap3A_122] : memref<128x1xf32, #tpu.memory_space<vmem>>, vector<128x1xf32>
    tpu.vector_store %arg13[%swap3A_121, %swap3A_122], %add3A_120 {strides = array<i32>} : memref<128x1xf32, #tpu.memory_space<vmem>>, vector<128x1xf32>,
    return
  }
  func.func @transform_0(%arg0: i32) -> (i32, i32, i32) {
    %c0_i32 = arith.constant 0 : i32
    %c0_i32_0 = arith.constant 0 : i32
    %c0_i32_1 = arith.constant 0 : i32
    return %c0_i32, %arg0, %c0_i32_0 : i32, i32, i32
  }
  func.func @transform_1(%arg0: i32) -> (i32, i32, i32) {
    %c0_i32 = arith.constant 0 : i32
    %c0_i32_0 = arith.constant 0 : i32
    %c0_i32_1 = arith.constant 0 : i32
    return %c0_i32, %arg0, %c0_i32_0 : i32, i32, i32
  }
  func.func @transform_2(%arg0: i32) -> (i32, i32) {
    %c0_i32 = arith.constant 0 : i32
    %c0_i32_0 = arith.constant 0 : i32
    return %arg0, %c0_i32 : i32, i32
  }
  func.func @transform_3(%arg0: i32) -> (i32, i32) {
    %c0_i32 = arith.constant 0 : i32
    %c0_i32_0 = arith.constant 0 : i32
    return %arg0, %c0_i32 : i32, i32
  }
  func.func @transform_4(%arg0: i32) -> (i32, i32) {
    %c0_i32 = arith.constant 0 : i32
    %c0_i32_0 = arith.constant 0 : i32
    return %arg0, %c0_i32 : i32, i32
  }
  func.func @transform_5(%arg0: i32) -> (i32, i32) {
    %c0_i32 = arith.constant 0 : i32
    %c0_i32_0 = arith.constant 0 : i32
    return %arg0, %c0_i32 : i32, i32
  }
  func.func @transform_6(%arg0: i32) -> (i32, i32) {
    %c0_i32 = arith.constant 0 : i32
    %c0_i32_0 = arith.constant 0 : i32
    return %c0_i32, %arg0 : i32, i32
  }
  func.func @transform_7(%arg0: i32) -> (i32, i32) {
    %c0_i32 = arith.constant 0 : i32
    %c0_i32_0 = arith.constant 0 : i32
    %c0_i32_1 = arith.constant 0 : i32
    return %c0_i32, %c0_i32_0 : i32, i32
  }
  func.func @transform_8(%arg0: i32) -> (i32, i32) {
    %c0_i32 = arith.constant 0 : i32
    %c0_i32_0 = arith.constant 0 : i32
    %c0_i32_1 = arith.constant 0 : i32
    return %c0_i32, %c0_i32_0 : i32, i32
  }
  func.func @transform_9(%arg0: i32) -> (i32, i32) {
    %c0_i32 = arith.constant 0 : i32
    %c0_i32_0 = arith.constant 0 : i32
    %c0_i32_1 = arith.constant 0 : i32
    return %c0_i32, %c0_i32_0 : i32, i32
  }
  func.func @transform_10(%arg0: i32) -> (i32, i32, i32) {
    %c0_i32 = arith.constant 0 : i32
    %c0_i32_0 = arith.constant 0 : i32
    %c0_i32_1 = arith.constant 0 : i32
    return %arg0, %c0_i32, %c0_i32_0 : i32, i32, i32
  }
  func.func @transform_11(%arg0: i32) -> (i32, i32) {
    %c0_i32 = arith.constant 0 : i32
    %c0_i32_0 = arith.constant 0 : i32
    %c0_i32_1 = arith.constant 0 : i32
    return %c0_i32, %c0_i32_0 : i32, i32
  }
  func.func @transform_12(%arg0: i32) -> (i32, i32) {
    %c0_i32 = arith.constant 0 : i32
    %c0_i32_0 = arith.constant 0 : i32
    %c0_i32_1 = arith.constant 0 : i32
    return %c0_i32, %c0_i32_0 : i32, i32
  }
}

module attributes {stable_mosaic.version = 14 : i64} {
  func.func @body(%arg0: memref<128x64xf32, #tpu.memory_space<vmem>>, %arg1: memref<128x1xf32, #tpu.memory_space<vmem>>, %arg2: memref<64x64xf32, #tpu.memory_space<vmem>>, %arg3: memref<1x64xf32, #tpu.memory_space<vmem>>, %arg4: memref<64x16xf32, #tpu.memory_space<vmem>>, %arg5: memref<1x16xf32, #tpu.memory_space<vmem>>, %arg6: memref<16x1xf32, #tpu.memory_space<vmem>>, %arg7: memref<1x1xf32, #tpu.memory_space<vmem>>, %arg8: memref<128x1xf32, #tpu.memory_space<vmem>>) attributes {dimension_semantics = [], scalar_prefetch = 0 : i64, scratch_operands = 0 : i64, tpu.core_type = #tpu.core_type<tc>} {
    %get3A = arith.constant 0 : index
    %get3A_0 = arith.constant 0 : index
    %get3A_1 = vector.load %arg0[%get3A, %get3A_0] : memref<128x64xf32, #tpu.memory_space<vmem>>, vector<128x64xf32>
    %get3A_2 = arith.constant 0 : index
    %get3A_3 = arith.constant 0 : index
    %get3A_4 = vector.load %arg1[%get3A_2, %get3A_3] : memref<128x1xf32, #tpu.memory_space<vmem>>, vector<128x1xf32>
    %jit3A = arith.constant 1.000000e+00 : f32
    %max3A = vector.broadcast %jit3A : f32 to vector<128x1xf32>
    %max3A_5 = arith.maximumf %max3A, %get3A_4 : vector<128x1xf32>
    %div3A = vector.broadcast %max3A_5 : vector<128x1xf32> to vector<128x64xf32>
    %div3A_6 = arith.divf %get3A_1, %div3A : vector<128x64xf32>
    %get3A_7 = arith.constant 0 : index
    %get3A_8 = arith.constant 0 : index
    %get3A_9 = vector.load %arg2[%get3A_7, %get3A_8] : memref<64x64xf32, #tpu.memory_space<vmem>>, vector<64x64xf32>
    %dot_general3A = arith.constant dense<0.000000e+00> : vector<128x64xf32>
    %dot_general3A_10 = tpu.matmul %div3A_6, %get3A_9, %dot_general3A {dimension_numbers = #tpu.dot_dimension_numbers<[1], [0], [0], [1], [0, 0, 1, 1], [], []>, transpose_lhs_hint = false} : vector<128x64xf32>, vector<64x64xf32>, vector<128x64xf32> -> vector<128x64xf32>
    %get3A_11 = arith.constant 0 : index
    %get3A_12 = arith.constant 0 : index
    %get3A_13 = vector.load %arg3[%get3A_11, %get3A_12] : memref<1x64xf32, #tpu.memory_space<vmem>>, vector<1x64xf32>
    %add3A = vector.broadcast %get3A_13 : vector<1x64xf32> to vector<128x64xf32>
    %add3A_14 = arith.addf %dot_general3A_10, %add3A : vector<128x64xf32>
    %max3A_15 = arith.constant 0.000000e+00 : f32
    %max3A_16 = vector.broadcast %max3A_15 : f32 to vector<128x64xf32>
    %max3A_17 = arith.maximumf %add3A_14, %max3A_16 : vector<128x64xf32>
    %get3A_18 = arith.constant 0 : index
    %get3A_19 = arith.constant 0 : index
    %get3A_20 = vector.load %arg4[%get3A_18, %get3A_19] : memref<64x16xf32, #tpu.memory_space<vmem>>, vector<64x16xf32>
    %dot_general3A_21 = arith.constant dense<0.000000e+00> : vector<128x16xf32>
    %dot_general3A_22 = tpu.matmul %max3A_17, %get3A_20, %dot_general3A_21 {dimension_numbers = #tpu.dot_dimension_numbers<[1], [0], [0], [1], [0, 0, 1, 1], [], []>, transpose_lhs_hint = false} : vector<128x64xf32>, vector<64x16xf32>, vector<128x16xf32> -> vector<128x16xf32>
    %get3A_23 = arith.constant 0 : index
    %get3A_24 = arith.constant 0 : index
    %get3A_25 = vector.load %arg5[%get3A_23, %get3A_24] : memref<1x16xf32, #tpu.memory_space<vmem>>, vector<1x16xf32>
    %add3A_26 = vector.broadcast %get3A_25 : vector<1x16xf32> to vector<128x16xf32>
    %add3A_27 = arith.addf %dot_general3A_22, %add3A_26 : vector<128x16xf32>
    %max3A_28 = arith.constant 0.000000e+00 : f32
    %max3A_29 = vector.broadcast %max3A_28 : f32 to vector<128x16xf32>
    %max3A_30 = arith.maximumf %add3A_27, %max3A_29 : vector<128x16xf32>
    %get3A_31 = arith.constant 0 : index
    %get3A_32 = arith.constant 0 : index
    %get3A_33 = vector.load %arg6[%get3A_31, %get3A_32] : memref<16x1xf32, #tpu.memory_space<vmem>>, vector<16x1xf32>
    %dot_general3A_34 = arith.constant dense<0.000000e+00> : vector<128x1xf32>
    %dot_general3A_35 = tpu.matmul %max3A_30, %get3A_33, %dot_general3A_34 {dimension_numbers = #tpu.dot_dimension_numbers<[1], [0], [0], [1], [0, 0, 1, 1], [], []>, transpose_lhs_hint = false} : vector<128x16xf32>, vector<16x1xf32>, vector<128x1xf32> -> vector<128x1xf32>
    %get3A_36 = arith.constant 0 : index
    %get3A_37 = arith.constant 0 : index
    %get3A_38 = vector.load %arg7[%get3A_36, %get3A_37] : memref<1x1xf32, #tpu.memory_space<vmem>>, vector<1x1xf32>
    %add3A_39 = vector.broadcast %get3A_38 : vector<1x1xf32> to vector<128x1xf32>
    %add3A_40 = arith.addf %dot_general3A_35, %add3A_39 : vector<128x1xf32>
    %swap3A = arith.constant 0 : index
    %swap3A_41 = arith.constant 0 : index
    %swap3A_42 = vector.load %arg8[%swap3A, %swap3A_41] : memref<128x1xf32, #tpu.memory_space<vmem>>, vector<128x1xf32>
    tpu.vector_store %arg8[%swap3A, %swap3A_41], %add3A_40 {strides = array<i32>} : memref<128x1xf32, #tpu.memory_space<vmem>>, vector<128x1xf32>,
    return
  }
}

</mosaic_0001>

<sc_bundles>
// kernel: kernel.10.cloned.1.call-start
scs
__scs_entry_jumppad:
0x0: {  	(pc) =	sbr.rel $0x88, $3  }
0x1: {  	(tag) =	ssettag $0x0;
	lr =	simm.s32 $0x1  }
0x2: {  	[smem:$0x3F90] =	sst lr;
	_ =	strace $0xD0000000  }
0x3: {  	_ = 	snop  }
0x4: {  	_ = 	snop  }
0x5: {  	_ = 	snop  }
0x6: {  	_ = 	snop  }
0x7: {  	_ = 	snop  }
__scs_overlays_trampoline_lowered:
0x8: {  	[smem:$0x3F9F] =	sst s0  }
0x9: {  	[smem:$0x3FA0] =	sst s1  }
0xa: {  	[smem:$0x3FA1] =	sst s2  }
0xb: {  	[smem:$0x3FA2] =	sst s3  }
0xc: {  	[smem:$0x3FA3] =	sst s4  }
0xd: {  	[smem:$0x3FA4] =	sst s5  }
0xe: {  	[smem:$0x3FA5] =	sst s6  }
0xf: {  	[smem:$0x3FA6] =	sst s7  }
0x10: {  	[smem:$0x3FA7] =	sst s8  }
0x11: {  	[smem:$0x3FA8] =	sst s9;
	s0 =	simm.s32 @!p0 $0x0  }
0x12: {  	s1 =	sld [smem:$0x3F8E];
	s0 =	simm.s32 @p0 $0x1  }
0x13: {  	[smem:$0x3FA9] =	sst s0;
	s0 =	simm.s32 @!p1 $0x0  }
0x14: {  	s2 =	sld [smem:$0x3F8D];
	s0 =	simm.s32 @p1 $0x1  }
0x15: {  	[smem:$0x3FAA] =	sst s0;
	s0 =	simm.s32 @!p2 $0x0  }
0x16: {  	s3 =	sld [smem:$0x3FDB];
	s0 =	simm.s32 @p2 $0x1  }
0x17: {  	s4 =	simm.s32 $0x1BF5;
	[smem:$0x3FAC] =	sst s0  }
0x18: {  	s0 =	sld [smem:$0x3F8F];
	_ =	swait.ge [sflag:s4], $0x0  }
0x19: {  	s7 =	sld [smem:$0x3F90]  }
0x1a: {  	s8 =	sadd.s32 $0xFFFFE003, lr  }
0x1b: {  	s9 =	sadd.s32 $0xFFFFFEF7, lr;
	s5 =	simm.s32 $0xFFFFFFFF;
	p2 =	slt.u32 s8, $0xFFFFF086  }
0x1c: {  	p1 =	slt.u32 s9, $0xF7A;
	s5 =	simm.s32 @!p2 $0x0  }
0x1d: {  	s5 =	simm.s32 @p1 $0x1;
	p0 =	seq.s32 s7, s2  }
0x1e: {  	s7 =	smul.u32 @!p0 $0xF7A, s2;
	p2 =	seq.s32 @!p0 s5, $0x0  }
0x1f: {  	s9 =	smul.u32 $0xF7A, s1;
	s8 =	simm.s32 @!p0 $0x1BF5;
	p2 =	por !p2, p0  }
0x20: {  	[sflag:s8] =	ssyncset.s32 @!p0 $0xFFFFF086;
	s6 =	sadd.s32 @!p0 s3, s7;
	s7 =	simm.s32 @!p0 $0x108  }
0x21: {  	s3 =	sadd.s32 s3, s9;
	s6 =	sadd.s32 @!p0 $0x88, s6;
	s7 =	simm.s32 @p2 $0x1082  }
0x22: {  	[simem:s7], [sflag:s8] =	dma.local @!p0 [hbm:s6], $0xF7A  }
0x23: {  	s9 =	sor.u32 $0xD0000000, s2;
	s6 =	simm.s32 $0x108;
	_ =	swait.ge @!p0 [sflag:s8], $0x0  }
0x24: {  	s3 =	sadd.s32 $0x88, s3;
	s6 =	simm.s32 @!p1 $0x1082;
	[sflag:s4] =	ssyncset.s32 $0xFFFFF086  }
0x25: {  	[simem:s6], [sflag:s4] =	dma.local [hbm:s3], $0xF7A  }
0x26: {  	[smem:$0x3F90] =	sst s1;
	(tag) =	ssettag s2;
	_ =	strace s9  }
0x27: {  	s1 =	sld [smem:$0x3FA0]  }
0x28: {  	s2 =	sld [smem:$0x3FA1]  }
0x29: {  	s4 =	sld [smem:$0x3FA3]  }
0x2a: {  	p0 =	seq.s32 s5, $0x0;
	s5 =	sld [smem:$0x3FA4]  }
0x2b: {  	s6 =	sld [smem:$0x3FA5]  }
0x2c: {  	s7 =	sld [smem:$0x3FA6]  }
0x2d: {  	s3 =	simm.s32 $0x108;
	s8 =	sld [smem:$0x3FA7]  }
0x2e: {  	s3 =	simm.s32 @!p0 $0x1082;
	s9 =	sld [smem:$0x3FA8]  }
0x2f: {  	lr =	sadd.s32 s0, s3;
	s0 =	sld [smem:$0x3F9F]  }
0x30: {  	s3 =	sld [smem:$0x3FA2]  }
0x31: {  	[smem:$0x3FAB] =	sst s10  }
0x32: {  	s10 =	sld [smem:$0x3FA9];
	_ =	sdelay $0x3  }
0x33: {  	p0 =	seq.s32 s10, $0x1;
	s10 =	sld [smem:$0x3FAB];
	_ =	sdelay $0x3  }
0x34: {  	[smem:$0x3FAB] =	sst s10  }
0x35: {  	s10 =	sld [smem:$0x3FAA];
	_ =	sdelay $0x3  }
0x36: {  	p1 =	seq.s32 s10, $0x1;
	s10 =	sld [smem:$0x3FAB];
	_ =	sdelay $0x3  }
0x37: {  	[smem:$0x3FAB] =	sst s10  }
0x38: {  	s10 =	sld [smem:$0x3FAC]  }
0x39: {  	_ = 	snop;
	(pc) =	sbr.ind lr, $3  }
0x3a: {  	_ = 	snop  }
0x3b: {  	_ = 	snop  }
0x3c: {  	p2 =	seq.s32 s10, $0x1;
	s10 =	sld [smem:$0x3FAB]  }
0x3d: {  	_ =	shalt  }
0x3e: {  	_ =	shalt  }
0x3f: {  	_ =	shalt  }
0x40: {  	_ =	shalt  }
0x41: {  	_ =	shalt  }
0x42: {  	_ =	shalt  }
0x43: {  	_ =	shalt  }
0x44: {  	_ =	shalt  }
0x45: {  	_ =	shalt  }
0x46: {  	_ =	shalt  }
0x47: {  	_ =	shalt  }
0x48: {  	_ =	shalt  }
0x49: {  	_ =	shalt  }
0x4a: {  	_ =	shalt  }
0x4b: {  	_ =	shalt  }
0x4c: {  	_ =	shalt  }
0x4d: {  	_ =	shalt  }
0x4e: {  	_ =	shalt  }
0x4f: {  	_ =	shalt  }
0x50: {  	_ =	shalt  }
0x51: {  	_ =	shalt  }
0x52: {  	_ =	shalt  }
0x53: {  	_ =	shalt  }
0x54: {  	_ =	shalt  }
0x55: {  	_ =	shalt  }
0x56: {  	_ =	shalt  }
0x57: {  	_ =	shalt  }
0x58: {  	_ =	shalt  }
0x59: {  	_ =	shalt  }
0x5a: {  	_ =	shalt  }
0x5b: {  	_ =	shalt  }
0x5c: {  	_ =	shalt  }
0x5d: {  	_ =	shalt  }
0x5e: {  	_ =	shalt  }
0x5f: {  	_ =	shalt  }
0x60: {  	_ =	shalt  }
0x61: {  	_ =	shalt  }
0x62: {  	_ =	shalt  }
0x63: {  	_ =	shalt  }
0x64: {  	_ =	shalt  }
0x65: {  	_ =	shalt  }
0x66: {  	_ =	shalt  }
0x67: {  	_ =	shalt  }
0x68: {  	_ =	shalt  }
0x69: {  	_ =	shalt  }
0x6a: {  	_ =	shalt  }
0x6b: {  	_ =	shalt  }
0x6c: {  	_ =	shalt  }
0x6d: {  	_ =	shalt  }
0x6e: {  	_ =	shalt  }
0x6f: {  	_ =	shalt  }
0x70: {  	_ =	shalt  }
0x71: {  	_ =	shalt  }
0x72: {  	_ =	shalt  }
0x73: {  	_ =	shalt  }
0x74: {  	_ =	shalt  }
0x75: {  	_ =	shalt  }
0x76: {  	_ =	shalt  }
0x77: {  	_ =	shalt  }
0x78: {  	_ =	shalt  }
0x79: {  	_ =	shalt  }
0x7a: {  	_ =	shalt  }
0x7b: {  	_ =	shalt  }
0x7c: {  	_ =	shalt  }
0x7d: {  	_ =	shalt  }
0x7e: {  	_ =	shalt  }
0x7f: {  	_ =	shalt  }
0x80: {  	_ =	shalt  }
0x81: {  	_ =	shalt  }
0x82: {  	_ =	shalt  }
0x83: {  	_ =	shalt  }
0x84: {  	_ =	shalt  }
0x85: {  	_ =	shalt  }
0x86: {  	_ =	shalt  }
0x87: {  	_ =	shalt  }
.Lfunc_end0:
.L_simem_size_0:
called_computation_lowered:
.L_overlay_start_0:
0x88: {  	s2 =	sld [smem:$0x3FD9]  }
0x89: {  	s3 =	sld [smem:$0x3FFE];
	_ =	sdelay $0x1  }
0x8a: {  	s1 =	srdreg.scid  }
0x8b: {  	s0 =	sand.u32 $0x1, s1  }
0x8c: {  	s17 =	sshll.u32 s0, $0xA;
	s2 =	sadd.s32 s3, s2  }
0x8d: {  	s2 =	sadd.s32 s2, s17  }
0x8e: {  	[smem:$0x3FB7] =	sst s2  }
0x8f: {  	_ = 	snop  }
0x90: {  	(tm) =	ssettm $0x1  }
0x91: {  	s18 =	sld [smem:$0x3FFB];
	_ =	sdelay $0x3  }
0x92: {  	_ =	strace s18  }
0x93: {  	s2 =	sld [smem:$0x3FFC];
	_ =	sdelay $0x3  }
0x94: {  	_ =	strace s2  }
0x95: {  	s2 =	sld [smem:$0x3FFD];
	_ =	sdelay $0x3  }
0x96: {  	_ =	strace s2  }
0x97: {  	_ =	strace $0x8FFFFFFF  }
0x98: {  	s19 =	sld [smem:$0x3FDB];
	_ =	sdelay $0x1  }
0x99: {  	s20 =	simm.s32 $_scs_section_size  }
0x9a: {  	s4 =	simm.s32 $_size__tile_overlayer_lowered;
	s5 =	simm.s32 $_tile_overlayer_lowered  }
0x9b: {  	s6 =	simm.s32 $0x1BFF;
	s21 =	sshll.u32 s5, $0x1;
	s3 =	sadd.s32 s20, s19  }
0x9c: {  	s22 =	simm.s32 $0x0;
	s4 =	sshll.u32 s4, $0x1;
	s5 =	sadd.s32 s21, s3  }
0x9d: {  	[timem:s22], [sflag:s6] =	dma.local [hbm:s5], s4  }
0x9e: {  	_ =	swait.ge [sflag:s6], s4  }
0x9f: {  	s4 =	ssub.s32 $0x0, s4;
	[sflag:s6] =	ssyncset.done $0x0  }
0xa0: {  	[sflag:s6] =	ssyncadd.s32 s4;
	_ =	sdelay $0x1  }
0xa1: {  	s23 =	simm.s32 $0x1B8B  }
0xa2: {  	_ =	swait.ge [sflag:s23], $0x1  }
0xa3: {  	[sflag:s23] =	ssyncset.done $0x0  }
0xa4: {  	[sflag:s23] =	ssyncadd.s32 $0xFFFFFFFF  }
0xa5: {  	s4 =	sld [smem:$0x0]  }
0xa6: {  	s5 =	sand.u32 $0xFFFFFFFE, s1  }
0xa7: {  	p0 =	sne.s32 s1, s5  }
0xa8: {  	s5 =	sshll.u32 @p0 s5, $0xE  }
0xa9: {  	s5 =	sadd.s32 @p0 $0x11B8D, s5;
	s6 =	sshll.u32 @p0 s4, $0x11  }
0xaa: {  	s5 =	sor.u32 @p0 s6, s5  }
0xab: {  	[sflag:s5] =	ssyncadd.remote.s32 @p0 $0x1;
	_ =	sdelay $0x1  }
0xac: {  	s5 =	simm.s32 @p0 $0x1B8D  }
0xad: {  	_ =	swait.eq @p0 [sflag:s5], $0x1  }
0xae: {  	[sflag:s5] =	ssyncadd.s32 @p0 $0xFFFFFFFF  }
0xaf: {  	s6 =	sshll.u32 @!p0 s1, $0xE  }
0xb0: {  	s6 =	sor.u32 @!p0 $0x4000, s6;
	s5 =	simm.s32 @!p0 $0x1B8D  }
0xb1: {  	s4 =	sshll.u32 @!p0 s4, $0x11;
	s6 =	sadd.s32 @!p0 $0x11B8D, s6;
	_ =	swait.eq @!p0 [sflag:s5], $0x1  }
0xb2: {  	s4 =	sor.u32 @!p0 s4, s6;
	[sflag:s5] =	ssyncadd.s32 @!p0 $0xFFFFFFFF  }
0xb3: {  	s25 =	simm.s32 $0x1B8E;
	s24 =	sld [smem:$0x3FFE];
	[sflag:s4] =	ssyncadd.remote.s32 @!p0 $0x1  }
0xb4: {  	s26 =	simm.s32 $execute0_lowered;
	[smem:$0x3FD2] =	sst s25  }
0xb5: {  	s5 =	sshll.u32 s26, $0x1;
	_ =	strace $0x80000049;
	[dreg:$0x1] =	wrdreg $0xFFFFFFFF  }
0xb6: {  	s28 =	simm.s32 $_size_execute0_lowered;
	s3 =	sadd.s32 s3, s5;
	[dreg:$0x0] =	wrdreg $0x0  }
0xb7: {  	s5 =	sshll.u32 s28, $0x1;
	[dreg:$0x2] =	wrdreg s3  }
0xb8: {  	[dreg:$0x3] =	wrdreg s5  }
0xb9: {  	[dreg:$0x4] =	wrdreg $0xC0  }
0xba: {  	_ =	task [dreg:s22], $0x5FFFF  }
0xbb: {  	[dreg:$0x1] =	wrdreg $0xFFFFFFFF  }
0xbc: {  	[dreg:$0x0] =	wrdreg $0x60  }
0xbd: {  	[dreg:$0x2] =	wrdreg s24  }
0xbe: {  	[dreg:$0x3] =	wrdreg $0x9  }
0xbf: {  	_ =	task.clear_ibuf [dreg:s22], $0x4FFFF;
	_ =	strace $0x90000049  }
0xc0: {  	s29 =	simm.s32 $0x9;
	_ =	strace $0x8000004B  }
0xc1: {  	_ =	swait.ge [sflag:s29], $0x1  }
0xc2: {  	[sflag:s29] =	ssyncadd.s32 $0xFFFFFFFF  }
0xc3: {  	_ =	strace $0x9000004B  }
0xc4: {  	_ =	sfence  }
0xc5: {  	s30 =	sld [smem:$0x0];
	_ =	sdelay $0x2  }
0xc6: {  	s31 =	sshll.u32 s1, $0xD;
	s1 =	sshrl.u32 s1, $0x2  }
0xc7: {  	s4 =	sand.u32 $0x4000, s31;
	s1 =	sadd.s32 s1, s30  }
0xc8: {  	s0 =	sor.u32 s4, s0;
	s1 =	sshll.u32 s1, $0x11  }
0xc9: {  	s0 =	sor.u32 s1, s0  }
0xca: {  	s0 =	sadd.s32 $0x8F2B, s0  }
0xcb: {  	[sflag:s0] =	ssyncadd.remote.s32 $0x1  }
0xcc: {  	_ =	sfence.sel $0xFFFF  }
0xcd: {  	[dreg:$0x0] =	wrdreg $0xFFFFFFFF;
	(pc) =	sbr.abs _section_cstart, $3  }
0xce: {  	[dreg:$0x1] =	wrdreg $0xFFFFFFFF  }
0xcf: {  	_ =	task.clear_ibuf [dreg:s22], $0x2FFFF;
	_ =	strace $0x9FFFFFFF  }
0xd0: {  	(tm) =	ssettm $0x7FFFFFFF  }
0xd1: {  	_ =	shalt  }
tec
execute0_lowered:
.L_overlay_start_1:
0x0: {  	(tag) =	ssettag $0x1  }
0x1: {  	s1 =	srdreg.scid  }
0x2: {  	s0 =	stileid.u32;
	s4 =	rddreg [dreg:$0x0];
	s2 =	simm.s32 $0x0  }
0x3: {  	s9 =	simm.s32 $0x0;
	s3 =	sand.u32 $0x1, s1;
	s5 =	sshll.u32 s0, $0x1  }
0x4: {  	s1 =	rddreg [dreg:$0x1];
	s5 =	sor.u32 s3, s5;
	s7 =	ssub.s32 $0x2, s3  }
0x5: {  	[smem:$0x7FF] =	sst s2;
	s6 =	smul.u32 $0x3100, s5;
	s8 =	sshrl.u32 s7, $0x1  }
0x6: {  	_ =	strace $0x8000004A;
	s3 =	sadd.s32 $0x68400, s4;
	s7 =	ssub.s32 s7, s8  }
0x7: {  	s8 =	simm.s32 $0x280;
	s6 =	sadd.s32 s6, s4;
	s4 =	smul.u32 $0x19000, s5  }
0x8: {  	v0 =	vimm.f32 $0.0e+00;
	v1 =	vimm.f32 $1.000000000e+00;
	s5 =	sadd.s32 $0x192400, s6;
	s6 =	smax.u32 s7, $0x1;
	s7 =	simm.s32 $0x1  }
.LBB2_1:
0x9: {  	s10 =	simm.s32 $0x40;
	s11 =	simm.s32 $0x0  }
.LBB2_2:
0xa: {  	p0 =	sne.s32 s10, $0x61FC0;
	[tilespmem:s11+$0x280] =	vst v0;
	s11 =	smov.u32 s10;
	s10 =	sadd.s32 $0x40, s10  }
.Ltmp0:
0xb: {  	(pc) =	sbr.rel @p0 .LBB2_2-.Ltmp0, $2  }
0xc: {  	_ =	sdelay $0x2  }
0xd: {  	s11 =	sshra.s32 s11, $0x2  }
0xe: {  	[tilespmem:s11+$0x280] =	vst v0;
	s10 =	simm.s32 $0x0;
	s11 =	simm.s32 $0x0  }
.LBB2_4:
0xf: {  	s12 =	smul.u32 $0x280, s11;
	_ =	sdelay $0x1  }
0x10: {  	s12 =	sadd.s32 s4, s12  }
0x11: {  	s12 =	sshrl.u32 s12, $0x3  }
0x12: {  	s12 =	sadd.s32 s3, s12  }
0x13: {  	[tilespmem:s10], [sflag:$0x1] =	stream.linear.gather [hbm4b:s12+s10], $0x280, $0x38;
	[tilespmem:$0x18A80] =	vst v63  }
0x14: {  	_ =	swait.ge [sflag:s7], $0x280  }
0x15: {  	[sflag:s7] =	ssyncset.done $0x0  }
0x16: {  	s13 =	simm.s32 $0x0;
	s12 =	simm.s32 $0x40;
	[sflag:s7] =	ssyncadd.s32 $0xFFFFFD80  }
.LBB2_5:
0x17: {  	p0 =	sne.s32 s12, $0x9C0;
	v2 =	vld [tilespmem:s13+$0x0];
	_ =	sdelay $0x3  }
.Ltmp1:
0x18: {  	(pc) =	sbr.rel @p0 .LBB2_5-.Ltmp1, $2  }
0x19: {  	_ =	sdelay $0x2  }
0x1a: {  	s13 =	sshra.s32 s12, $0x2;
	s12 =	sadd.s32 $0x40, s12;
	[tilespmem:v2+s8+$0x0] =	vst.idx.add.f32.msk $0xffff, v1  }
0x1b: {  	v2 =	vld [tilespmem:s13+$0x0];
	_ =	sdelay $0x1  }
0x1c: {  	s11 =	sadd.s32 $0x1, s11  }
0x1d: {  	p0 =	sne.s32 s11, $0xA0  }
.Ltmp2:
0x1e: {  	_ = 	snop;
	(pc) =	sbr.rel @p0 .LBB2_4-.Ltmp2, $2  }
0x1f: {  	_ =	sdelay $0x2  }
0x20: {  	[tilespmem:v2+s8+$0x0] =	vst.idx.add.f32.msk $0xffff, v1  }
0x21: {  	s9 =	sadd.s32 $0x1, s9  }
0x22: {  	p0 =	sne.s32 s9, s6  }
.Ltmp3:
0x23: {  	_ = 	snop;
	(pc) =	sbr.rel @p0 .LBB2_1-.Ltmp3, $4  }
0x24: {  	[hbm4b:s5+s2] =	stream.linear.scatter [tilespmem:s8], [sflag:$0x1], $0x18800, $0x38;
	[tilespmem:$0x18A80] =	vst v63  }
0x25: {  	_ =	swait.ge [sflag:s7], $0x18800  }
0x26: {  	[sflag:s7] =	ssyncset.done $0x0  }
0x27: {  	[sflag:s7] =	ssyncadd.s32 $0xFFFE7800  }
0x28: {  	_ =	sfence.sel $0x180000  }
0x29: {  	[bflag:$0x0] =	sbarrier.arrive $0xFFFF  }
0x2a: {  	p0 =	sne.s32 s0, $0x0;
	_ =	strace $0x9000004A  }
0x2b: {  	s0 =	sadd.s32 @!p0 $0x100000, s1;
	[bflag:$0x2] =	sbarrier.arrive $0xFFFF  }
0x2c: {  	[sflag:s0] =	ssyncadd.tile.s32 @!p0 $0x1;
	_ =	shalt  }
.Lfunc_end2:
_tile_overlayer_lowered:
.L_overlay_start_2:
0x2d: {  	(tag) =	ssettag $0x2  }
0x2e: {  	s0 =	rddreg [dreg:$0x0];
	s2 =	stileid.u32  }
0x2f: {  	s1 =	rddreg [dreg:$0x1];
	p0 =	sne.s32 s2, $0x0  }
0x30: {  	s3 =	rddreg [dreg:$0x2];
	[bflag:$0x3] =	sbarrier.arrive $0xFFFF;
	s2 =	simm.s32 @!p0 $0x1C01  }
0x31: {  	[timem:s3], [sflag:s2] =	dma.local @!p0 [hbm:s0], s1  }
0x32: {  	s0 =	simm.s32 @!p0 $0x1  }
0x33: {  	_ =	swait.ge @!p0 [sflag:s0], s1  }
0x34: {  	s1 =	ssub.s32 @!p0 $0x0, s1;
	[sflag:s0] =	ssyncset.done @!p0 $0x0  }
0x35: {  	[sflag:s0] =	ssyncadd.s32 @!p0 s1  }
0x36: {  	[bflag:$0x3] =	sbarrier.arrive $0xFFFF  }
0x37: {  	_ =	shalt  }

// kernel: kernel.13.cloned.1.call-start
scs
__scs_entry_jumppad:
0x0: {  	(pc) =	sbr.rel $0x88, $3  }
0x1: {  	(tag) =	ssettag $0x0;
	lr =	simm.s32 $0x1  }
0x2: {  	[smem:$0x3F90] =	sst lr;
	_ =	strace $0xD0000000  }
0x3: {  	_ = 	snop  }
0x4: {  	_ = 	snop  }
0x5: {  	_ = 	snop  }
0x6: {  	_ = 	snop  }
0x7: {  	_ = 	snop  }
__scs_overlays_trampoline_lowered:
0x8: {  	[smem:$0x3F9F] =	sst s0  }
0x9: {  	[smem:$0x3FA0] =	sst s1  }
0xa: {  	[smem:$0x3FA1] =	sst s2  }
0xb: {  	[smem:$0x3FA2] =	sst s3  }
0xc: {  	[smem:$0x3FA3] =	sst s4  }
0xd: {  	[smem:$0x3FA4] =	sst s5  }
0xe: {  	[smem:$0x3FA5] =	sst s6  }
0xf: {  	[smem:$0x3FA6] =	sst s7  }
0x10: {  	[smem:$0x3FA7] =	sst s8  }
0x11: {  	[smem:$0x3FA8] =	sst s9;
	s0 =	simm.s32 @!p0 $0x0  }
0x12: {  	s1 =	sld [smem:$0x3F8E];
	s0 =	simm.s32 @p0 $0x1  }
0x13: {  	[smem:$0x3FA9] =	sst s0;
	s0 =	simm.s32 @!p1 $0x0  }
0x14: {  	s2 =	sld [smem:$0x3F8D];
	s0 =	simm.s32 @p1 $0x1  }
0x15: {  	[smem:$0x3FAA] =	sst s0;
	s0 =	simm.s32 @!p2 $0x0  }
0x16: {  	s3 =	sld [smem:$0x3FDB];
	s0 =	simm.s32 @p2 $0x1  }
0x17: {  	s4 =	simm.s32 $0x1BF5;
	[smem:$0x3FAC] =	sst s0  }
0x18: {  	s0 =	sld [smem:$0x3F8F];
	_ =	swait.ge [sflag:s4], $0x0  }
0x19: {  	s7 =	sld [smem:$0x3F90]  }
0x1a: {  	s8 =	sadd.s32 $0xFFFFE003, lr  }
0x1b: {  	s9 =	sadd.s32 $0xFFFFFEF7, lr;
	s5 =	simm.s32 $0xFFFFFFFF;
	p2 =	slt.u32 s8, $0xFFFFF086  }
0x1c: {  	p1 =	slt.u32 s9, $0xF7A;
	s5 =	simm.s32 @!p2 $0x0  }
0x1d: {  	s5 =	simm.s32 @p1 $0x1;
	p0 =	seq.s32 s7, s2  }
0x1e: {  	s7 =	smul.u32 @!p0 $0xF7A, s2;
	p2 =	seq.s32 @!p0 s5, $0x0  }
0x1f: {  	s9 =	smul.u32 $0xF7A, s1;
	s8 =	simm.s32 @!p0 $0x1BF5;
	p2 =	por !p2, p0  }
0x20: {  	[sflag:s8] =	ssyncset.s32 @!p0 $0xFFFFF086;
	s6 =	sadd.s32 @!p0 s3, s7;
	s7 =	simm.s32 @!p0 $0x108  }
0x21: {  	s3 =	sadd.s32 s3, s9;
	s6 =	sadd.s32 @!p0 $0x88, s6;
	s7 =	simm.s32 @p2 $0x1082  }
0x22: {  	[simem:s7], [sflag:s8] =	dma.local @!p0 [hbm:s6], $0xF7A  }
0x23: {  	s9 =	sor.u32 $0xD0000000, s2;
	s6 =	simm.s32 $0x108;
	_ =	swait.ge @!p0 [sflag:s8], $0x0  }
0x24: {  	s3 =	sadd.s32 $0x88, s3;
	s6 =	simm.s32 @!p1 $0x1082;
	[sflag:s4] =	ssyncset.s32 $0xFFFFF086  }
0x25: {  	[simem:s6], [sflag:s4] =	dma.local [hbm:s3], $0xF7A  }
0x26: {  	[smem:$0x3F90] =	sst s1;
	(tag) =	ssettag s2;
	_ =	strace s9  }
0x27: {  	s1 =	sld [smem:$0x3FA0]  }
0x28: {  	s2 =	sld [smem:$0x3FA1]  }
0x29: {  	s4 =	sld [smem:$0x3FA3]  }
0x2a: {  	p0 =	seq.s32 s5, $0x0;
	s5 =	sld [smem:$0x3FA4]  }
0x2b: {  	s6 =	sld [smem:$0x3FA5]  }
0x2c: {  	s7 =	sld [smem:$0x3FA6]  }
0x2d: {  	s3 =	simm.s32 $0x108;
	s8 =	sld [smem:$0x3FA7]  }
0x2e: {  	s3 =	simm.s32 @!p0 $0x1082;
	s9 =	sld [smem:$0x3FA8]  }
0x2f: {  	lr =	sadd.s32 s0, s3;
	s0 =	sld [smem:$0x3F9F]  }
0x30: {  	s3 =	sld [smem:$0x3FA2]  }
0x31: {  	[smem:$0x3FAB] =	sst s10  }
0x32: {  	s10 =	sld [smem:$0x3FA9];
	_ =	sdelay $0x3  }
0x33: {  	p0 =	seq.s32 s10, $0x1;
	s10 =	sld [smem:$0x3FAB];
	_ =	sdelay $0x3  }
0x34: {  	[smem:$0x3FAB] =	sst s10  }
0x35: {  	s10 =	sld [smem:$0x3FAA];
	_ =	sdelay $0x3  }
0x36: {  	p1 =	seq.s32 s10, $0x1;
	s10 =	sld [smem:$0x3FAB];
	_ =	sdelay $0x3  }
0x37: {  	[smem:$0x3FAB] =	sst s10  }
0x38: {  	s10 =	sld [smem:$0x3FAC]  }
0x39: {  	_ = 	snop;
	(pc) =	sbr.ind lr, $3  }
0x3a: {  	_ = 	snop  }
0x3b: {  	_ = 	snop  }
0x3c: {  	p2 =	seq.s32 s10, $0x1;
	s10 =	sld [smem:$0x3FAB]  }
0x3d: {  	_ =	shalt  }
0x3e: {  	_ =	shalt  }
0x3f: {  	_ =	shalt  }
0x40: {  	_ =	shalt  }
0x41: {  	_ =	shalt  }
0x42: {  	_ =	shalt  }
0x43: {  	_ =	shalt  }
0x44: {  	_ =	shalt  }
0x45: {  	_ =	shalt  }
0x46: {  	_ =	shalt  }
0x47: {  	_ =	shalt  }
0x48: {  	_ =	shalt  }
0x49: {  	_ =	shalt  }
0x4a: {  	_ =	shalt  }
0x4b: {  	_ =	shalt  }
0x4c: {  	_ =	shalt  }
0x4d: {  	_ =	shalt  }
0x4e: {  	_ =	shalt  }
0x4f: {  	_ =	shalt  }
0x50: {  	_ =	shalt  }
0x51: {  	_ =	shalt  }
0x52: {  	_ =	shalt  }
0x53: {  	_ =	shalt  }
0x54: {  	_ =	shalt  }
0x55: {  	_ =	shalt  }
0x56: {  	_ =	shalt  }
0x57: {  	_ =	shalt  }
0x58: {  	_ =	shalt  }
0x59: {  	_ =	shalt  }
0x5a: {  	_ =	shalt  }
0x5b: {  	_ =	shalt  }
0x5c: {  	_ =	shalt  }
0x5d: {  	_ =	shalt  }
0x5e: {  	_ =	shalt  }
0x5f: {  	_ =	shalt  }
0x60: {  	_ =	shalt  }
0x61: {  	_ =	shalt  }
0x62: {  	_ =	shalt  }
0x63: {  	_ =	shalt  }
0x64: {  	_ =	shalt  }
0x65: {  	_ =	shalt  }
0x66: {  	_ =	shalt  }
0x67: {  	_ =	shalt  }
0x68: {  	_ =	shalt  }
0x69: {  	_ =	shalt  }
0x6a: {  	_ =	shalt  }
0x6b: {  	_ =	shalt  }
0x6c: {  	_ =	shalt  }
0x6d: {  	_ =	shalt  }
0x6e: {  	_ =	shalt  }
0x6f: {  	_ =	shalt  }
0x70: {  	_ =	shalt  }
0x71: {  	_ =	shalt  }
0x72: {  	_ =	shalt  }
0x73: {  	_ =	shalt  }
0x74: {  	_ =	shalt  }
0x75: {  	_ =	shalt  }
0x76: {  	_ =	shalt  }
0x77: {  	_ =	shalt  }
0x78: {  	_ =	shalt  }
0x79: {  	_ =	shalt  }
0x7a: {  	_ =	shalt  }
0x7b: {  	_ =	shalt  }
0x7c: {  	_ =	shalt  }
0x7d: {  	_ =	shalt  }
0x7e: {  	_ =	shalt  }
0x7f: {  	_ =	shalt  }
0x80: {  	_ =	shalt  }
0x81: {  	_ =	shalt  }
0x82: {  	_ =	shalt  }
0x83: {  	_ =	shalt  }
0x84: {  	_ =	shalt  }
0x85: {  	_ =	shalt  }
0x86: {  	_ =	shalt  }
0x87: {  	_ =	shalt  }
.Lfunc_end0:
.L_simem_size_0:
called_computation.1_lowered:
.L_overlay_start_0:
0x88: {  	s2 =	sld [smem:$0x3FD9]  }
0x89: {  	s3 =	sld [smem:$0x3FFE];
	_ =	sdelay $0x1  }
0x8a: {  	s1 =	srdreg.scid  }
0x8b: {  	s0 =	sand.u32 $0x1, s1  }
0x8c: {  	s16 =	sshll.u32 s0, $0xA;
	s2 =	sadd.s32 s3, s2  }
0x8d: {  	s2 =	sadd.s32 s2, s16  }
0x8e: {  	[smem:$0x3FB7] =	sst s2  }
0x8f: {  	_ = 	snop  }
0x90: {  	(tm) =	ssettm $0x1  }
0x91: {  	s17 =	sld [smem:$0x3FFB];
	_ =	sdelay $0x3  }
0x92: {  	_ =	strace s17  }
0x93: {  	s2 =	sld [smem:$0x3FFC];
	_ =	sdelay $0x3  }
0x94: {  	_ =	strace s2  }
0x95: {  	s2 =	sld [smem:$0x3FFD];
	_ =	sdelay $0x3  }
0x96: {  	_ =	strace s2  }
0x97: {  	_ =	strace $0x8FFFFFFF  }
0x98: {  	s18 =	sld [smem:$0x3FDB];
	_ =	sdelay $0x1  }
0x99: {  	s19 =	simm.s32 $_scs_section_size  }
0x9a: {  	s4 =	simm.s32 $_size__tile_overlayer_lowered;
	s5 =	simm.s32 $_tile_overlayer_lowered  }
0x9b: {  	s22 =	simm.s32 $0x1BFF;
	s21 =	sshll.u32 s5, $0x1;
	s2 =	sadd.s32 s19, s18  }
0x9c: {  	s6 =	simm.s32 $0x0;
	s20 =	sshll.u32 s4, $0x1;
	s4 =	sadd.s32 s21, s2  }
0x9d: {  	[timem:s6], [sflag:s22] =	dma.local [hbm:s4], s20  }
0x9e: {  	_ =	swait.ge [sflag:s22], s20  }
0x9f: {  	s3 =	ssub.s32 $0x0, s20;
	[sflag:s22] =	ssyncset.done $0x0  }
0xa0: {  	[sflag:s22] =	ssyncadd.s32 s3;
	_ =	sdelay $0x1  }
0xa1: {  	s23 =	simm.s32 $0x1B8B  }
0xa2: {  	_ =	swait.ge [sflag:s23], $0x1  }
0xa3: {  	[sflag:s23] =	ssyncset.done $0x0  }
0xa4: {  	s25 =	simm.s32 $0x1B8E;
	s24 =	sld [smem:$0x3FFE];
	[sflag:s23] =	ssyncadd.s32 $0xFFFFFFFF  }
0xa5: {  	s26 =	simm.s32 $execute0_lowered;
	[smem:$0x3FD2] =	sst s25  }
0xa6: {  	s4 =	sshll.u32 s26, $0x1;
	_ =	strace $0x80000046;
	[dreg:$0x1] =	wrdreg $0xFFFFFFFF  }
0xa7: {  	s28 =	simm.s32 $_size_execute0_lowered;
	s2 =	sadd.s32 s2, s4;
	[dreg:$0x0] =	wrdreg $0x0  }
0xa8: {  	s4 =	sshll.u32 s28, $0x1;
	[dreg:$0x2] =	wrdreg s2  }
0xa9: {  	[dreg:$0x3] =	wrdreg s4  }
0xaa: {  	[dreg:$0x4] =	wrdreg $0xC0  }
0xab: {  	_ =	task [dreg:s6], $0x5FFFF  }
0xac: {  	[dreg:$0x1] =	wrdreg $0xFFFFFFFF  }
0xad: {  	[dreg:$0x0] =	wrdreg $0x60  }
0xae: {  	[dreg:$0x2] =	wrdreg s24  }
0xaf: {  	[dreg:$0x3] =	wrdreg $0x5A000  }
0xb0: {  	[dreg:$0x4] =	wrdreg $0xA  }
0xb1: {  	_ =	task.clear_ibuf [dreg:s6], $0x5FFFF;
	_ =	strace $0x90000046  }
0xb2: {  	s29 =	simm.s32 $0xA;
	_ =	strace $0x80000048  }
0xb3: {  	_ =	swait.ge [sflag:s29], $0x1  }
0xb4: {  	[sflag:s29] =	ssyncadd.s32 $0xFFFFFFFF  }
0xb5: {  	_ =	strace $0x90000048  }
0xb6: {  	_ =	sfence  }
0xb7: {  	s30 =	sld [smem:$0x0];
	_ =	sdelay $0x2  }
0xb8: {  	s31 =	sshll.u32 s1, $0xD;
	s1 =	sshrl.u32 s1, $0x2  }
0xb9: {  	s3 =	sand.u32 $0x4000, s31;
	s1 =	sadd.s32 s1, s30  }
0xba: {  	s0 =	sor.u32 s3, s0;
	s1 =	sshll.u32 s1, $0x11  }
0xbb: {  	s0 =	sor.u32 s1, s0  }
0xbc: {  	s0 =	sadd.s32 $0x8F2B, s0  }
0xbd: {  	[sflag:s0] =	ssyncadd.remote.s32 $0x1  }
0xbe: {  	_ =	sfence.sel $0xFFFF  }
0xbf: {  	[dreg:$0x0] =	wrdreg $0xFFFFFFFF;
	(pc) =	sbr.abs _section_cstart, $3  }
0xc0: {  	[dreg:$0x1] =	wrdreg $0xFFFFFFFF  }
0xc1: {  	_ =	task.clear_ibuf [dreg:s6], $0x2FFFF;
	_ =	strace $0x9FFFFFFF  }
0xc2: {  	(tm) =	ssettm $0x7FFFFFFF  }
0xc3: {  	_ =	shalt  }
tec
execute0_lowered:
.L_overlay_start_1:
0x0: {  	(tag) =	ssettag $0x1  }
0x1: {  	s0 =	rddreg [dreg:$0x0]  }
0x2: {  	s2 =	rddreg [dreg:$0x1];
	s3 =	simm.s32 $0x0  }
0x3: {  	s14 =	stileid.u32;
	s1 =	srdreg.scid;
	s6 =	simm.s32 $0x121  }
0x4: {  	s18 =	simm.s32 $0x4;
	s19 =	simm.s32 $0x500;
	s20 =	simm.s32 $0x280  }
0x5: {  	s21 =	simm.s32 $0xA00;
	s23 =	simm.s32 $0x2;
	[smem:$0x7FF] =	sst s3  }
0x6: {  	s8 =	smul.u32 $0x31000, s14;
	s1 =	sand.u32 $0x1, s1;
	s4 =	sadd.s32 $0xCC400, s0  }
0x7: {  	s5 =	sadd.s32 $0x68400, s0;
	s7 =	sadd.s32 $0x6400, s0;
	s26 =	sshll.u32 s14, $0x6  }
0x8: {  	_ =	strace $0x80000047;
	s9 =	smul.u32 $0x310000, s1;
	p0 =	seq.s32 s1, $0x0  }
0x9: {  	s25 =	ssub.s32 $0x2, s1;
	s1 =	ssub.s32 $0x0, s1;
	s6 =	simm.s32 @!p0 $0x1F  }
0xa: {  	s10 =	sshrl.u32 s8, $0x4;
	s12 =	sshrl.u32 s25, $0x1;
	s1 =	sand.u32 $0x2D2800, s1  }
0xb: {  	s9 =	sadd.s32 s8, s9;
	s11 =	smul.u32 s6, s14;
	s10 =	sadd.s32 s10, s0  }
0xc: {  	s13 =	ssub.s32 s25, s12;
	s8 =	sshrl.u32 s8, $0x1;
	s25 =	simm.s32 $0x3  }
0xd: {  	s9 =	sshrl.u32 s9, $0x4;
	s17 =	sadd.s32 s8, s2;
	s11 =	smul.u32 $0x280, s11  }
0xe: {  	s28 =	sadd.s32 $0x37400, s10;
	s13 =	smax.u32 s13, $0x1;
	s0 =	sadd.s32 s9, s0  }
0xf: {  	[dreg:$0x3] =	wrdreg s28;
	s9 =	sor.u32 $0x1C04, s26;
	s1 =	sadd.s32 s1, s11  }
0x10: {  	s17 =	sshrl.u32 s17, $0x3;
	s26 =	simm.s32 $0x0;
	s29 =	sshrl.u32 s1, $0x3  }
0x11: {  	s12 =	sadd.s32 $0x130400, s0;
	s16 =	sadd.s32 $0x500, s1;
	s30 =	sadd.s32 s4, s29  }
0x12: {  	s31 =	sadd.s32 s5, s29;
	s15 =	sadd.s32 $0x50, s29;
	[dreg:$0x4] =	wrdreg s30  }
0x13: {  	[dreg:$0x5] =	wrdreg s31;
	s14 =	sadd.s32 s4, s15;
	s15 =	sadd.s32 s5, s15  }
.LBB2_1:
0x14: {  	s0 =	rddreg [dreg:$0x3]  }
0x15: {  	[spmem:s17], [sflag:s9] =	dma.local [hbm:s0], $0x3100  }
0x16: {  	_ =	swait.ge [sflag:s18], $0x3100  }
0x17: {  	[sflag:s18] =	ssyncset.done $0x0  }
0x18: {  	[sflag:s18] =	ssyncadd.s32 $0xFFFFCF00  }
0x19: {  	[bflag:$0x0] =	sbarrier.arrive $0xFFFF  }
0x1a: {  	s10 =	rddreg [dreg:$0x4]  }
0x1b: {  	[tilespmem:s3], [sflag:$0x1] =	stream.linear.gather [hbm4b:s10+s3], $0x280, $0x38;
	[tilespmem:$0x1E200] =	vst v63  }
0x1c: {  	s22 =	simm.s32 $0x1;
	s11 =	rddreg [dreg:$0x5]  }
0x1d: {  	[tilespmem:s19], [sflag:$0x1] =	stream.linear.gather [hbm4b:s11+s3], $0x280, $0x38;
	[tilespmem:$0x1E200] =	vst v63  }
0x1e: {  	_ =	swait.ge [sflag:s22], $0x280  }
0x1f: {  	[sflag:s22] =	ssyncset.done $0x0  }
0x20: {  	[sflag:s22] =	ssyncadd.s32 $0xFFFFFD80  }
0x21: {  	_ =	swait.ge [sflag:s22], $0x280  }
0x22: {  	[sflag:s22] =	ssyncset.done $0x0  }
0x23: {  	[sflag:s22] =	ssyncadd.s32 $0xFFFFFD80  }
0x24: {  	[tilespmem:s21], [sflag:$0x2] =	stream.indirect.gather [hbm4b:s7+s20], $0x10, s3, s20, $0xb8;
	[tilespmem:$0x1E200] =	vst v63  }
0x25: {  	_ = 	snop  }
0x26: {  	[tilespmem:s20], [sflag:$0x1] =	stream.linear.gather [hbm4b:s14+s3], $0x280, $0x38;
	[tilespmem:$0x1E200] =	vst v63  }
0x27: {  	s1 =	simm.s32 $0x780  }
0x28: {  	[tilespmem:s1], [sflag:$0x1] =	stream.linear.gather [hbm4b:s15+s3], $0x280, $0x38;
	[tilespmem:$0x1E200] =	vst v63  }
0x29: {  	_ =	swait.ge [sflag:s23], $0x2800  }
0x2a: {  	[sflag:s23] =	ssyncset.done $0x0  }
0x2b: {  	[sflag:s23] =	ssyncadd.s32 $0xFFFFD800  }
0x2c: {  	[spmem:s2] =	stream.indirect.scatter.add.bf16 [tilespmem:s21], [sflag:$0x3], $0x10, s19, s20, $0xb8;
	[tilespmem:$0x1E200] =	vst v63  }
0x2d: {  	_ =	swait.ge [sflag:s22], $0x280  }
0x2e: {  	[sflag:s22] =	ssyncset.done $0x0  }
0x2f: {  	[sflag:s22] =	ssyncadd.s32 $0xFFFFFD80  }
0x30: {  	_ =	swait.ge [sflag:s22], $0x280  }
0x31: {  	[sflag:s22] =	ssyncset.done $0x0  }
0x32: {  	s24 =	simm.s32 $0x3200;
	[sflag:s22] =	ssyncadd.s32 $0xFFFFFD80  }
0x33: {  	[tilespmem:s24], [sflag:$0x2] =	stream.indirect.gather [hbm4b:s7+s20], $0x10, s20, s20, $0xb8;
	[tilespmem:$0x1E200] =	vst v63  }
0x34: {  	p0 =	sle.u32 s6, $0x2;
	s0 =	sand.u32 $0x1, s22;
	_ =	swait.ge [sflag:s25], $0x2800  }
0x35: {  	s1 =	smul.u32 @p0 $0xA000, s0;
	[sflag:s25] =	ssyncset.done $0x0  }
0x36: {  	s28 =	simm.s32 @p0 $0x2;
	s29 =	smul.u32 @p0 $0xA00, s0;
	[sflag:s25] =	ssyncadd.s32 $0xFFFFD800  }
0x37: {  	s30 =	simm.s32 @p0 $0x280;
	s1 =	sshrl.u32 @p0 s1, $0x2;
	_ =	swait.ge @p0 [sflag:s28], $0x2800  }
0x38: {  	s29 =	sshrl.u32 @p0 s29, $0x2;
	s1 =	sadd.s32 @p0 $0xA00, s1;
	[sflag:s28] =	ssyncset.done @p0 $0x0  }
0x39: {  	s22 =	sxor.u32 @!p0 $0x1, s0;
	[sflag:s28] =	ssyncadd.s32 @p0 $0xFFFFD800;
	s28 =	sadd.s32 @p0 $0x500, s29  }
0x3a: {  	[spmem:s2] =	stream.indirect.scatter.add.bf16 @p0 [tilespmem:s1], [sflag:$0x3], $0x10, s28, s30, $0xb8;
	[tilespmem:$0x1E200] =	vst v63  }
0x3b: {  	s1 =	smul.u32 @!p0 $0x280, s22;
	s28 =	sshrl.u32 @!p0 s16, $0x3  }
0x3c: {  	s29 =	simm.s32 @!p0 $0x0;
	s30 =	sadd.s32 @!p0 s4, s28  }
0x3d: {  	[tilespmem:s1], [sflag:$0x1] =	stream.linear.gather @!p0 [hbm4b:s30+s29], $0x280, $0x38;
	[tilespmem:$0x1E200] =	vst v63  }
0x3e: {  	s28 =	sadd.s32 @!p0 s5, s28;
	s30 =	smul.u32 @!p0 $0xA000, s0;
	s1 =	sadd.s32 @!p0 $0x500, s1  }
0x3f: {  	[tilespmem:s1], [sflag:$0x1] =	stream.linear.gather @!p0 [hbm4b:s28+s29], $0x280, $0x38;
	[tilespmem:$0x1E200] =	vst v63  }
0x40: {  	p1 =	sne.s32 s6, $0x2;
	s0 =	smul.u32 @!p0 $0xA00, s0;
	s1 =	simm.s32 @!p0 $0x2  }
0x41: {  	s31 =	simm.s32 @!p0 $0x1;
	s28 =	sshrl.u32 @!p0 s30, $0x2;
	_ =	swait.ge @!p0 [sflag:s1], $0x2800  }
0x42: {  	s0 =	sshrl.u32 @!p0 s0, $0x2;
	s30 =	simm.s32 @!p0 $0x280;
	[sflag:s1] =	ssyncset.done @!p0 $0x0  }
0x43: {  	s28 =	sadd.s32 @!p0 $0xA00, s28;
	s0 =	sadd.s32 @!p0 $0x500, s0;
	[sflag:s1] =	ssyncadd.s32 @!p0 $0xFFFFD800  }
0x44: {  	[spmem:s2] =	stream.indirect.scatter.add.bf16 @!p0 [tilespmem:s28], [sflag:$0x3], $0x10, s0, s30, $0xb8;
	[tilespmem:$0x1E200] =	vst v63  }
.Ltmp0:
0x45: {  	_ =	swait.ge @!p0 [sflag:s31], $0x280;
	(pc) =	sbr.rel @!p1 .LBB2_3-.Ltmp0, $4  }
0x46: {  	s0 =	smul.u32 @!p0 $0xA000, s22;
	[sflag:s31] =	ssyncset.done @!p0 $0x0  }
0x47: {  	s29 =	smov.u32 s16;
	s1 =	smul.u32 @!p0 $0xA00, s22;
	[sflag:s31] =	ssyncadd.s32 @!p0 $0xFFFFFD80  }
0x48: {  	s28 =	simm.s32 $0x2;
	s0 =	sshrl.u32 @!p0 s0, $0x2;
	_ =	swait.ge @!p0 [sflag:s31], $0x280  }
0x49: {  	s1 =	sshrl.u32 @!p0 s1, $0x2;
	s0 =	sadd.s32 @!p0 $0xA00, s0;
	[sflag:s31] =	ssyncset.done @!p0 $0x0  }
.LBB2_2:
0x4a: {  	[sflag:s31] =	ssyncadd.s32 @!p0 $0xFFFFFD80  }
0x4b: {  	s29 =	sadd.s32 $0x280, s29;
	s22 =	smov.u32 s28;
	s28 =	sadd.s32 $0x1, s28  }
0x4c: {  	[tilespmem:s0], [sflag:$0x2] =	stream.indirect.gather @!p0 [hbm4b:s7+s30], $0x10, s1, s30, $0xb8;
	[tilespmem:$0x1E200] =	vst v63  }
0x4d: {  	s0 =	sand.u32 $0x1, s22;
	p0 =	sge.u32 s28, s6;
	_ =	swait.ge [sflag:s25], $0x2800  }
0x4e: {  	s1 =	simm.s32 @p0 $0x280;
	s22 =	sxor.u32 @!p0 $0x1, s0;
	[sflag:s25] =	ssyncset.done $0x0  }
0x4f: {  	s30 =	smul.u32 @p0 $0xA000, s0;
	s31 =	simm.s32 @p0 $0x2;
	[sflag:s25] =	ssyncadd.s32 $0xFFFFD800  }
0x50: {  	s24 =	smul.u32 @p0 $0xA00, s0;
	s8 =	simm.s32 @!p0 $0x0;
	_ =	swait.ge @p0 [sflag:s31], $0x2800  }
0x51: {  	s10 =	smul.u32 @!p0 $0x280, s22;
	s30 =	sshrl.u32 @p0 s30, $0x2;
	[sflag:s31] =	ssyncset.done @p0 $0x0  }
0x52: {  	s11 =	sshrl.u32 @!p0 s29, $0x3;
	s24 =	sshrl.u32 @p0 s24, $0x2;
	s30 =	sadd.s32 @p0 $0xA00, s30  }
0x53: {  	s24 =	sadd.s32 @p0 $0x500, s24;
	[sflag:s31] =	ssyncadd.s32 @p0 $0xFFFFD800;
	s31 =	sadd.s32 @!p0 s4, s11  }
0x54: {  	[spmem:s2] =	stream.indirect.scatter.add.bf16 @p0 [tilespmem:s30], [sflag:$0x3], $0x10, s24, s1, $0xb8;
	[tilespmem:$0x1E200] =	vst v63  }
0x55: {  	s11 =	sadd.s32 @!p0 s5, s11;
	s1 =	sadd.s32 @!p0 $0x500, s10;
	s24 =	smul.u32 @!p0 $0xA000, s0  }
0x56: {  	[tilespmem:s10], [sflag:$0x1] =	stream.linear.gather @!p0 [hbm4b:s31+s8], $0x280, $0x38;
	[tilespmem:$0x1E200] =	vst v63  }
0x57: {  	s0 =	smul.u32 @!p0 $0xA00, s0;
	s10 =	sshrl.u32 @!p0 s24, $0x2;
	s24 =	simm.s32 @!p0 $0x2  }
0x58: {  	[tilespmem:s1], [sflag:$0x1] =	stream.linear.gather @!p0 [hbm4b:s11+s8], $0x280, $0x38;
	[tilespmem:$0x1E200] =	vst v63  }
0x59: {  	s0 =	sshrl.u32 @!p0 s0, $0x2;
	s1 =	sadd.s32 @!p0 $0xA00, s10;
	_ =	swait.ge @!p0 [sflag:s24], $0x2800  }
0x5a: {  	s30 =	simm.s32 @!p0 $0x280;
	s0 =	sadd.s32 @!p0 $0x500, s0;
	[sflag:s24] =	ssyncset.done @!p0 $0x0  }
0x5b: {  	s31 =	simm.s32 @!p0 $0x1;
	s8 =	smul.u32 @!p0 $0xA000, s22;
	[sflag:s24] =	ssyncadd.s32 @!p0 $0xFFFFD800  }
0x5c: {  	[spmem:s2] =	stream.indirect.scatter.add.bf16 @!p0 [tilespmem:s1], [sflag:$0x3], $0x10, s0, s30, $0xb8;
	[tilespmem:$0x1E200] =	vst v63  }
0x5d: {  	p1 =	sne.s32 s6, s28;
	s1 =	smul.u32 @!p0 $0xA00, s22  }
.Ltmp1:
0x5e: {  	s0 =	sshrl.u32 @!p0 s8, $0x2;
	_ =	swait.ge @!p0 [sflag:s31], $0x280;
	(pc) =	sbr.rel @p1 .LBB2_2-.Ltmp1, $4  }
0x5f: {  	s0 =	sadd.s32 @!p0 $0xA00, s0;
	[sflag:s31] =	ssyncset.done @!p0 $0x0  }
0x60: {  	s1 =	sshrl.u32 @!p0 s1, $0x2;
	[sflag:s31] =	ssyncadd.s32 @!p0 $0xFFFFFD80  }
0x61: {  	_ =	swait.ge @!p0 [sflag:s31], $0x280  }
0x62: {  	[sflag:s31] =	ssyncset.done @!p0 $0x0  }
.LBB2_3:
0x63: {  	[sflag:s31] =	ssyncadd.s32 @!p0 $0xFFFFFD80  }
0x64: {  	[tilespmem:s0], [sflag:$0x2] =	stream.indirect.gather @!p0 [hbm4b:s7+s30], $0x10, s1, s30, $0xb8;
	[tilespmem:$0x1E200] =	vst v63  }
0x65: {  	_ =	swait.ge [sflag:s25], $0x2800  }
0x66: {  	s26 =	sadd.s32 $0x1, s26;
	[sflag:s25] =	ssyncset.done $0x0  }
0x67: {  	p0 =	sne.s32 s26, s13;
	[sflag:s25] =	ssyncadd.s32 $0xFFFFD800  }
.Ltmp2:
0x68: {  	[bflag:$0x0] =	sbarrier.arrive $0xFFFF;
	(pc) =	sbr.rel @p0 .LBB2_1-.Ltmp2, $4  }
0x69: {  	[hbm:s12], [sflag:s9] =	dma.local [spmem:s17], $0x3100  }
0x6a: {  	_ =	swait.ge [sflag:s18], $0x3100  }
0x6b: {  	[sflag:s18] =	ssyncset.done $0x0  }
0x6c: {  	[sflag:s18] =	ssyncadd.s32 $0xFFFFCF00  }
0x6d: {  	_ =	sfence.sel $0x180000  }
0x6e: {  	[bflag:$0x0] =	sbarrier.arrive $0xFFFF  }
0x6f: {  	_ =	strace $0x90000047  }
0x70: {  	s0 =	stileid.u32;
	[bflag:$0x2] =	sbarrier.arrive $0xFFFF  }
0x71: {  	p0 =	sne.s32 s0, $0x0;
	s0 =	rddreg [dreg:$0x2]  }
0x72: {  	s0 =	sadd.s32 @!p0 $0x100000, s0  }
0x73: {  	[sflag:s0] =	ssyncadd.tile.s32 @!p0 $0x1;
	_ =	shalt  }
.Lfunc_end2:
_tile_overlayer_lowered:
.L_overlay_start_2:
0x74: {  	(tag) =	ssettag $0x2  }
0x75: {  	s0 =	rddreg [dreg:$0x0];
	s2 =	stileid.u32  }
0x76: {  	s1 =	rddreg [dreg:$0x1];
	p0 =	sne.s32 s2, $0x0  }
0x77: {  	s3 =	rddreg [dreg:$0x2];
	[bflag:$0x3] =	sbarrier.arrive $0xFFFF;
	s2 =	simm.s32 @!p0 $0x1C04  }
0x78: {  	[timem:s3], [sflag:s2] =	dma.local @!p0 [hbm:s0], s1  }
0x79: {  	s0 =	simm.s32 @!p0 $0x4  }
0x7a: {  	_ =	swait.ge @!p0 [sflag:s0], s1  }
0x7b: {  	s1 =	ssub.s32 @!p0 $0x0, s1;
	[sflag:s0] =	ssyncset.done @!p0 $0x0  }
0x7c: {  	[sflag:s0] =	ssyncadd.s32 @!p0 s1  }
0x7d: {  	[bflag:$0x3] =	sbarrier.arrive $0xFFFF  }
0x7e: {  	_ =	shalt  }

// kernel: kernel.16.cloned.1.call-start
scs
__scs_entry_jumppad:
0x0: {  	(pc) =	sbr.rel $0x88, $3  }
0x1: {  	(tag) =	ssettag $0x0;
	lr =	simm.s32 $0x1  }
0x2: {  	[smem:$0x3F90] =	sst lr;
	_ =	strace $0xD0000000  }
0x3: {  	_ = 	snop  }
0x4: {  	_ = 	snop  }
0x5: {  	_ = 	snop  }
0x6: {  	_ = 	snop  }
0x7: {  	_ = 	snop  }
__scs_overlays_trampoline_lowered:
0x8: {  	[smem:$0x3F9F] =	sst s0  }
0x9: {  	[smem:$0x3FA0] =	sst s1  }
0xa: {  	[smem:$0x3FA1] =	sst s2  }
0xb: {  	[smem:$0x3FA2] =	sst s3  }
0xc: {  	[smem:$0x3FA3] =	sst s4  }
0xd: {  	[smem:$0x3FA4] =	sst s5  }
0xe: {  	[smem:$0x3FA5] =	sst s6  }
0xf: {  	[smem:$0x3FA6] =	sst s7  }
0x10: {  	[smem:$0x3FA7] =	sst s8  }
0x11: {  	[smem:$0x3FA8] =	sst s9;
	s0 =	simm.s32 @!p0 $0x0  }
0x12: {  	s1 =	sld [smem:$0x3F8E];
	s0 =	simm.s32 @p0 $0x1  }
0x13: {  	[smem:$0x3FA9] =	sst s0;
	s0 =	simm.s32 @!p1 $0x0  }
0x14: {  	s2 =	sld [smem:$0x3F8D];
	s0 =	simm.s32 @p1 $0x1  }
0x15: {  	[smem:$0x3FAA] =	sst s0;
	s0 =	simm.s32 @!p2 $0x0  }
0x16: {  	s3 =	sld [smem:$0x3FDB];
	s0 =	simm.s32 @p2 $0x1  }
0x17: {  	s4 =	simm.s32 $0x1BF5;
	[smem:$0x3FAC] =	sst s0  }
0x18: {  	s0 =	sld [smem:$0x3F8F];
	_ =	swait.ge [sflag:s4], $0x0  }
0x19: {  	s7 =	sld [smem:$0x3F90]  }
0x1a: {  	s8 =	sadd.s32 $0xFFFFE003, lr  }
0x1b: {  	s9 =	sadd.s32 $0xFFFFFEF7, lr;
	s5 =	simm.s32 $0xFFFFFFFF;
	p2 =	slt.u32 s8, $0xFFFFF086  }
0x1c: {  	p1 =	slt.u32 s9, $0xF7A;
	s5 =	simm.s32 @!p2 $0x0  }
0x1d: {  	s5 =	simm.s32 @p1 $0x1;
	p0 =	seq.s32 s7, s2  }
0x1e: {  	s7 =	smul.u32 @!p0 $0xF7A, s2;
	p2 =	seq.s32 @!p0 s5, $0x0  }
0x1f: {  	s9 =	smul.u32 $0xF7A, s1;
	s8 =	simm.s32 @!p0 $0x1BF5;
	p2 =	por !p2, p0  }
0x20: {  	[sflag:s8] =	ssyncset.s32 @!p0 $0xFFFFF086;
	s6 =	sadd.s32 @!p0 s3, s7;
	s7 =	simm.s32 @!p0 $0x108  }
0x21: {  	s3 =	sadd.s32 s3, s9;
	s6 =	sadd.s32 @!p0 $0x88, s6;
	s7 =	simm.s32 @p2 $0x1082  }
0x22: {  	[simem:s7], [sflag:s8] =	dma.local @!p0 [hbm:s6], $0xF7A  }
0x23: {  	s9 =	sor.u32 $0xD0000000, s2;
	s6 =	simm.s32 $0x108;
	_ =	swait.ge @!p0 [sflag:s8], $0x0  }
0x24: {  	s3 =	sadd.s32 $0x88, s3;
	s6 =	simm.s32 @!p1 $0x1082;
	[sflag:s4] =	ssyncset.s32 $0xFFFFF086  }
0x25: {  	[simem:s6], [sflag:s4] =	dma.local [hbm:s3], $0xF7A  }
0x26: {  	[smem:$0x3F90] =	sst s1;
	(tag) =	ssettag s2;
	_ =	strace s9  }
0x27: {  	s1 =	sld [smem:$0x3FA0]  }
0x28: {  	s2 =	sld [smem:$0x3FA1]  }
0x29: {  	s4 =	sld [smem:$0x3FA3]  }
0x2a: {  	p0 =	seq.s32 s5, $0x0;
	s5 =	sld [smem:$0x3FA4]  }
0x2b: {  	s6 =	sld [smem:$0x3FA5]  }
0x2c: {  	s7 =	sld [smem:$0x3FA6]  }
0x2d: {  	s3 =	simm.s32 $0x108;
	s8 =	sld [smem:$0x3FA7]  }
0x2e: {  	s3 =	simm.s32 @!p0 $0x1082;
	s9 =	sld [smem:$0x3FA8]  }
0x2f: {  	lr =	sadd.s32 s0, s3;
	s0 =	sld [smem:$0x3F9F]  }
0x30: {  	s3 =	sld [smem:$0x3FA2]  }
0x31: {  	[smem:$0x3FAB] =	sst s10  }
0x32: {  	s10 =	sld [smem:$0x3FA9];
	_ =	sdelay $0x3  }
0x33: {  	p0 =	seq.s32 s10, $0x1;
	s10 =	sld [smem:$0x3FAB];
	_ =	sdelay $0x3  }
0x34: {  	[smem:$0x3FAB] =	sst s10  }
0x35: {  	s10 =	sld [smem:$0x3FAA];
	_ =	sdelay $0x3  }
0x36: {  	p1 =	seq.s32 s10, $0x1;
	s10 =	sld [smem:$0x3FAB];
	_ =	sdelay $0x3  }
0x37: {  	[smem:$0x3FAB] =	sst s10  }
0x38: {  	s10 =	sld [smem:$0x3FAC]  }
0x39: {  	_ = 	snop;
	(pc) =	sbr.ind lr, $3  }
0x3a: {  	_ = 	snop  }
0x3b: {  	_ = 	snop  }
0x3c: {  	p2 =	seq.s32 s10, $0x1;
	s10 =	sld [smem:$0x3FAB]  }
0x3d: {  	_ =	shalt  }
0x3e: {  	_ =	shalt  }
0x3f: {  	_ =	shalt  }
0x40: {  	_ =	shalt  }
0x41: {  	_ =	shalt  }
0x42: {  	_ =	shalt  }
0x43: {  	_ =	shalt  }
0x44: {  	_ =	shalt  }
0x45: {  	_ =	shalt  }
0x46: {  	_ =	shalt  }
0x47: {  	_ =	shalt  }
0x48: {  	_ =	shalt  }
0x49: {  	_ =	shalt  }
0x4a: {  	_ =	shalt  }
0x4b: {  	_ =	shalt  }
0x4c: {  	_ =	shalt  }
0x4d: {  	_ =	shalt  }
0x4e: {  	_ =	shalt  }
0x4f: {  	_ =	shalt  }
0x50: {  	_ =	shalt  }
0x51: {  	_ =	shalt  }
0x52: {  	_ =	shalt  }
0x53: {  	_ =	shalt  }
0x54: {  	_ =	shalt  }
0x55: {  	_ =	shalt  }
0x56: {  	_ =	shalt  }
0x57: {  	_ =	shalt  }
0x58: {  	_ =	shalt  }
0x59: {  	_ =	shalt  }
0x5a: {  	_ =	shalt  }
0x5b: {  	_ =	shalt  }
0x5c: {  	_ =	shalt  }
0x5d: {  	_ =	shalt  }
0x5e: {  	_ =	shalt  }
0x5f: {  	_ =	shalt  }
0x60: {  	_ =	shalt  }
0x61: {  	_ =	shalt  }
0x62: {  	_ =	shalt  }
0x63: {  	_ =	shalt  }
0x64: {  	_ =	shalt  }
0x65: {  	_ =	shalt  }
0x66: {  	_ =	shalt  }
0x67: {  	_ =	shalt  }
0x68: {  	_ =	shalt  }
0x69: {  	_ =	shalt  }
0x6a: {  	_ =	shalt  }
0x6b: {  	_ =	shalt  }
0x6c: {  	_ =	shalt  }
0x6d: {  	_ =	shalt  }
0x6e: {  	_ =	shalt  }
0x6f: {  	_ =	shalt  }
0x70: {  	_ =	shalt  }
0x71: {  	_ =	shalt  }
0x72: {  	_ =	shalt  }
0x73: {  	_ =	shalt  }
0x74: {  	_ =	shalt  }
0x75: {  	_ =	shalt  }
0x76: {  	_ =	shalt  }
0x77: {  	_ =	shalt  }
0x78: {  	_ =	shalt  }
0x79: {  	_ =	shalt  }
0x7a: {  	_ =	shalt  }
0x7b: {  	_ =	shalt  }
0x7c: {  	_ =	shalt  }
0x7d: {  	_ =	shalt  }
0x7e: {  	_ =	shalt  }
0x7f: {  	_ =	shalt  }
0x80: {  	_ =	shalt  }
0x81: {  	_ =	shalt  }
0x82: {  	_ =	shalt  }
0x83: {  	_ =	shalt  }
0x84: {  	_ =	shalt  }
0x85: {  	_ =	shalt  }
0x86: {  	_ =	shalt  }
0x87: {  	_ =	shalt  }
.Lfunc_end0:
.L_simem_size_0:
called_computation.2_lowered:
.L_overlay_start_0:
0x88: {  	s2 =	sld [smem:$0x3FD9]  }
0x89: {  	s3 =	sld [smem:$0x3FFE];
	_ =	sdelay $0x1  }
0x8a: {  	s1 =	srdreg.scid  }
0x8b: {  	s0 =	sand.u32 $0x1, s1  }
0x8c: {  	s17 =	sshll.u32 s0, $0xA;
	s2 =	sadd.s32 s3, s2  }
0x8d: {  	s2 =	sadd.s32 s2, s17  }
0x8e: {  	[smem:$0x3FB7] =	sst s2  }
0x8f: {  	_ = 	snop  }
0x90: {  	(tm) =	ssettm $0x1  }
0x91: {  	s18 =	sld [smem:$0x3FFB];
	_ =	sdelay $0x3  }
0x92: {  	_ =	strace s18  }
0x93: {  	s2 =	sld [smem:$0x3FFC];
	_ =	sdelay $0x3  }
0x94: {  	_ =	strace s2  }
0x95: {  	s2 =	sld [smem:$0x3FFD];
	_ =	sdelay $0x3  }
0x96: {  	_ =	strace s2  }
0x97: {  	_ =	strace $0x8FFFFFFF  }
0x98: {  	s19 =	sld [smem:$0x3FDB];
	_ =	sdelay $0x1  }
0x99: {  	s20 =	simm.s32 $_scs_section_size  }
0x9a: {  	s4 =	simm.s32 $_size__tile_overlayer_lowered;
	s5 =	simm.s32 $_tile_overlayer_lowered  }
0x9b: {  	s6 =	simm.s32 $0x1BFF;
	s21 =	sshll.u32 s5, $0x1;
	s3 =	sadd.s32 s20, s19  }
0x9c: {  	s22 =	simm.s32 $0x0;
	s4 =	sshll.u32 s4, $0x1;
	s5 =	sadd.s32 s21, s3  }
0x9d: {  	[timem:s22], [sflag:s6] =	dma.local [hbm:s5], s4  }
0x9e: {  	_ =	swait.ge [sflag:s6], s4  }
0x9f: {  	s4 =	ssub.s32 $0x0, s4;
	[sflag:s6] =	ssyncset.done $0x0  }
0xa0: {  	[sflag:s6] =	ssyncadd.s32 s4;
	_ =	sdelay $0x1  }
0xa1: {  	s23 =	simm.s32 $0x1B8B  }
0xa2: {  	_ =	swait.ge [sflag:s23], $0x1  }
0xa3: {  	[sflag:s23] =	ssyncset.done $0x0  }
0xa4: {  	[sflag:s23] =	ssyncadd.s32 $0xFFFFFFFF  }
0xa5: {  	s4 =	sld [smem:$0x0]  }
0xa6: {  	s5 =	sand.u32 $0xFFFFFFFE, s1  }
0xa7: {  	p0 =	sne.s32 s1, s5  }
0xa8: {  	s5 =	sshll.u32 @p0 s5, $0xE  }
0xa9: {  	s5 =	sadd.s32 @p0 $0x11B8D, s5;
	s6 =	sshll.u32 @p0 s4, $0x11  }
0xaa: {  	s5 =	sor.u32 @p0 s6, s5  }
0xab: {  	[sflag:s5] =	ssyncadd.remote.s32 @p0 $0x1;
	_ =	sdelay $0x1  }
0xac: {  	s5 =	simm.s32 @p0 $0x1B8D  }
0xad: {  	_ =	swait.eq @p0 [sflag:s5], $0x1  }
0xae: {  	[sflag:s5] =	ssyncadd.s32 @p0 $0xFFFFFFFF  }
0xaf: {  	s6 =	sshll.u32 @!p0 s1, $0xE  }
0xb0: {  	s6 =	sor.u32 @!p0 $0x4000, s6;
	s5 =	simm.s32 @!p0 $0x1B8D  }
0xb1: {  	s4 =	sshll.u32 @!p0 s4, $0x11;
	s6 =	sadd.s32 @!p0 $0x11B8D, s6;
	_ =	swait.eq @!p0 [sflag:s5], $0x1  }
0xb2: {  	s4 =	sor.u32 @!p0 s4, s6;
	[sflag:s5] =	ssyncadd.s32 @!p0 $0xFFFFFFFF  }
0xb3: {  	s25 =	simm.s32 $0x1B8E;
	s24 =	sld [smem:$0x3FFE];
	[sflag:s4] =	ssyncadd.remote.s32 @!p0 $0x1  }
0xb4: {  	s26 =	simm.s32 $execute0_lowered;
	[smem:$0x3FD2] =	sst s25  }
0xb5: {  	s5 =	sshll.u32 s26, $0x1;
	_ =	strace $0x8000004F;
	[dreg:$0x1] =	wrdreg $0xFFFFFFFF  }
0xb6: {  	s28 =	simm.s32 $_size_execute0_lowered;
	s3 =	sadd.s32 s3, s5;
	[dreg:$0x0] =	wrdreg $0x0  }
0xb7: {  	s5 =	sshll.u32 s28, $0x1;
	[dreg:$0x2] =	wrdreg s3  }
0xb8: {  	[dreg:$0x3] =	wrdreg s5  }
0xb9: {  	[dreg:$0x4] =	wrdreg $0xC0  }
0xba: {  	_ =	task [dreg:s22], $0x5FFFF  }
0xbb: {  	[dreg:$0x1] =	wrdreg $0xFFFFFFFF  }
0xbc: {  	[dreg:$0x0] =	wrdreg $0x60  }
0xbd: {  	[dreg:$0x2] =	wrdreg s24  }
0xbe: {  	[dreg:$0x3] =	wrdreg $0x5A000  }
0xbf: {  	[dreg:$0x4] =	wrdreg $0x9  }
0xc0: {  	_ =	task.clear_ibuf [dreg:s22], $0x5FFFF;
	_ =	strace $0x9000004F  }
0xc1: {  	s29 =	simm.s32 $0x9;
	_ =	strace $0x80000051  }
0xc2: {  	_ =	swait.ge [sflag:s29], $0x1  }
0xc3: {  	[sflag:s29] =	ssyncadd.s32 $0xFFFFFFFF  }
0xc4: {  	_ =	strace $0x90000051  }
0xc5: {  	_ =	sfence  }
0xc6: {  	s30 =	sld [smem:$0x0];
	_ =	sdelay $0x2  }
0xc7: {  	s31 =	sshll.u32 s1, $0xD;
	s1 =	sshrl.u32 s1, $0x2  }
0xc8: {  	s4 =	sand.u32 $0x4000, s31;
	s1 =	sadd.s32 s1, s30  }
0xc9: {  	s0 =	sor.u32 s4, s0;
	s1 =	sshll.u32 s1, $0x11  }
0xca: {  	s0 =	sor.u32 s1, s0  }
0xcb: {  	s0 =	sadd.s32 $0x8F2B, s0  }
0xcc: {  	[sflag:s0] =	ssyncadd.remote.s32 $0x1  }
0xcd: {  	_ =	sfence.sel $0xFFFF  }
0xce: {  	[dreg:$0x0] =	wrdreg $0xFFFFFFFF;
	(pc) =	sbr.abs _section_cstart, $3  }
0xcf: {  	[dreg:$0x1] =	wrdreg $0xFFFFFFFF  }
0xd0: {  	_ =	task.clear_ibuf [dreg:s22], $0x2FFFF;
	_ =	strace $0x9FFFFFFF  }
0xd1: {  	(tm) =	ssettm $0x7FFFFFFF  }
tec
execute0_lowered:
.L_overlay_start_1:
0x0: {  	(tag) =	ssettag $0x1  }
0x1: {  	s0 =	rddreg [dreg:$0x0]  }
0x2: {  	s2 =	rddreg [dreg:$0x1];
	s3 =	simm.s32 $0x0  }
0x3: {  	s14 =	stileid.u32;
	s1 =	srdreg.scid;
	s6 =	simm.s32 $0x121  }
0x4: {  	s18 =	simm.s32 $0x4;
	s19 =	simm.s32 $0x500;
	s20 =	simm.s32 $0x280  }
0x5: {  	s21 =	simm.s32 $0xA00;
	s23 =	simm.s32 $0x2;
	[smem:$0x7FF] =	sst s3  }
0x6: {  	s8 =	smul.u32 $0x31000, s14;
	s1 =	sand.u32 $0x1, s1;
	s4 =	sadd.s32 $0xCC400, s0  }
0x7: {  	s5 =	sadd.s32 $0x68400, s0;
	s7 =	sadd.s32 $0x1F4400, s0;
	s26 =	sshll.u32 s14, $0x6  }
0x8: {  	_ =	strace $0x80000050;
	s9 =	smul.u32 $0x310000, s1;
	p0 =	seq.s32 s1, $0x0  }
0x9: {  	s25 =	ssub.s32 $0x2, s1;
	s1 =	ssub.s32 $0x0, s1;
	s6 =	simm.s32 @!p0 $0x1F  }
0xa: {  	s10 =	sshrl.u32 s8, $0x4;
	s12 =	sshrl.u32 s25, $0x1;
	s1 =	sand.u32 $0x2D2800, s1  }
0xb: {  	s9 =	sadd.s32 s8, s9;
	s11 =	smul.u32 s6, s14;
	s10 =	sadd.s32 s10, s0  }
0xc: {  	s13 =	ssub.s32 s25, s12;
	s8 =	sshrl.u32 s8, $0x1;
	s25 =	simm.s32 $0x3  }
0xd: {  	s9 =	sshrl.u32 s9, $0x4;
	s17 =	sadd.s32 s8, s2;
	s11 =	smul.u32 $0x280, s11  }
0xe: {  	s28 =	sadd.s32 $0x37400, s10;
	s13 =	smax.u32 s13, $0x1;
	s0 =	sadd.s32 s9, s0  }
0xf: {  	[dreg:$0x3] =	wrdreg s28;
	s9 =	sor.u32 $0x1C04, s26;
	s1 =	sadd.s32 s1, s11  }
0x10: {  	s17 =	sshrl.u32 s17, $0x3;
	s26 =	simm.s32 $0x0;
	s29 =	sshrl.u32 s1, $0x3  }
0x11: {  	s12 =	sadd.s32 $0x225400, s0;
	s16 =	sadd.s32 $0x500, s1;
	s30 =	sadd.s32 s4, s29  }
0x12: {  	s31 =	sadd.s32 s5, s29;
	s15 =	sadd.s32 $0x50, s29;
	[dreg:$0x4] =	wrdreg s30  }
0x13: {  	[dreg:$0x5] =	wrdreg s31;
	s14 =	sadd.s32 s4, s15;
	s15 =	sadd.s32 s5, s15  }
.LBB2_1:
0x14: {  	s0 =	rddreg [dreg:$0x3]  }
0x15: {  	[spmem:s17], [sflag:s9] =	dma.local [hbm:s0], $0x3100  }
0x16: {  	_ =	swait.ge [sflag:s18], $0x3100  }
0x17: {  	[sflag:s18] =	ssyncset.done $0x0  }
0x18: {  	[sflag:s18] =	ssyncadd.s32 $0xFFFFCF00  }
0x19: {  	[bflag:$0x0] =	sbarrier.arrive $0xFFFF  }
0x1a: {  	s10 =	rddreg [dreg:$0x4]  }
0x1b: {  	[tilespmem:s3], [sflag:$0x1] =	stream.linear.gather [hbm4b:s10+s3], $0x280, $0x38;
	[tilespmem:$0x1E200] =	vst v63  }
0x1c: {  	s22 =	simm.s32 $0x1;
	s11 =	rddreg [dreg:$0x5]  }
0x1d: {  	[tilespmem:s19], [sflag:$0x1] =	stream.linear.gather [hbm4b:s11+s3], $0x280, $0x38;
	[tilespmem:$0x1E200] =	vst v63  }
0x1e: {  	_ =	swait.ge [sflag:s22], $0x280  }
0x1f: {  	[sflag:s22] =	ssyncset.done $0x0  }
0x20: {  	[sflag:s22] =	ssyncadd.s32 $0xFFFFFD80  }
0x21: {  	_ =	swait.ge [sflag:s22], $0x280  }
0x22: {  	[sflag:s22] =	ssyncset.done $0x0  }
0x23: {  	[sflag:s22] =	ssyncadd.s32 $0xFFFFFD80  }
0x24: {  	[tilespmem:s21], [sflag:$0x2] =	stream.indirect.gather [hbm4b:s7+s20], $0x10, s3, s20, $0xb8;
	[tilespmem:$0x1E200] =	vst v63  }
0x25: {  	_ = 	snop  }
0x26: {  	[tilespmem:s20], [sflag:$0x1] =	stream.linear.gather [hbm4b:s14+s3], $0x280, $0x38;
	[tilespmem:$0x1E200] =	vst v63  }
0x27: {  	s1 =	simm.s32 $0x780  }
0x28: {  	[tilespmem:s1], [sflag:$0x1] =	stream.linear.gather [hbm4b:s15+s3], $0x280, $0x38;
	[tilespmem:$0x1E200] =	vst v63  }
0x29: {  	_ =	swait.ge [sflag:s23], $0x2800  }
0x2a: {  	[sflag:s23] =	ssyncset.done $0x0  }
0x2b: {  	[sflag:s23] =	ssyncadd.s32 $0xFFFFD800  }
0x2c: {  	[spmem:s2] =	stream.indirect.scatter.add.bf16 [tilespmem:s21], [sflag:$0x3], $0x10, s19, s20, $0xb8;
	[tilespmem:$0x1E200] =	vst v63  }
0x2d: {  	_ =	swait.ge [sflag:s22], $0x280  }
0x2e: {  	[sflag:s22] =	ssyncset.done $0x0  }
0x2f: {  	[sflag:s22] =	ssyncadd.s32 $0xFFFFFD80  }
0x30: {  	_ =	swait.ge [sflag:s22], $0x280  }
0x31: {  	[sflag:s22] =	ssyncset.done $0x0  }
0x32: {  	s24 =	simm.s32 $0x3200;
	[sflag:s22] =	ssyncadd.s32 $0xFFFFFD80  }
0x33: {  	[tilespmem:s24], [sflag:$0x2] =	stream.indirect.gather [hbm4b:s7+s20], $0x10, s20, s20, $0xb8;
	[tilespmem:$0x1E200] =	vst v63  }
0x34: {  	p0 =	sle.u32 s6, $0x2;
	s0 =	sand.u32 $0x1, s22;
	_ =	swait.ge [sflag:s25], $0x2800  }
0x35: {  	s1 =	smul.u32 @p0 $0xA000, s0;
	[sflag:s25] =	ssyncset.done $0x0  }
0x36: {  	s28 =	simm.s32 @p0 $0x2;
	s29 =	smul.u32 @p0 $0xA00, s0;
	[sflag:s25] =	ssyncadd.s32 $0xFFFFD800  }
0x37: {  	s30 =	simm.s32 @p0 $0x280;
	s1 =	sshrl.u32 @p0 s1, $0x2;
	_ =	swait.ge @p0 [sflag:s28], $0x2800  }
0x38: {  	s29 =	sshrl.u32 @p0 s29, $0x2;
	s1 =	sadd.s32 @p0 $0xA00, s1;
	[sflag:s28] =	ssyncset.done @p0 $0x0  }
0x39: {  	s22 =	sxor.u32 @!p0 $0x1, s0;
	[sflag:s28] =	ssyncadd.s32 @p0 $0xFFFFD800;
	s28 =	sadd.s32 @p0 $0x500, s29  }
0x3a: {  	[spmem:s2] =	stream.indirect.scatter.add.bf16 @p0 [tilespmem:s1], [sflag:$0x3], $0x10, s28, s30, $0xb8;
	[tilespmem:$0x1E200] =	vst v63  }
0x3b: {  	s1 =	smul.u32 @!p0 $0x280, s22;
	s28 =	sshrl.u32 @!p0 s16, $0x3  }
0x3c: {  	s29 =	simm.s32 @!p0 $0x0;
	s30 =	sadd.s32 @!p0 s4, s28  }
0x3d: {  	[tilespmem:s1], [sflag:$0x1] =	stream.linear.gather @!p0 [hbm4b:s30+s29], $0x280, $0x38;
	[tilespmem:$0x1E200] =	vst v63  }
0x3e: {  	s28 =	sadd.s32 @!p0 s5, s28;
	s30 =	smul.u32 @!p0 $0xA000, s0;
	s1 =	sadd.s32 @!p0 $0x500, s1  }
0x3f: {  	[tilespmem:s1], [sflag:$0x1] =	stream.linear.gather @!p0 [hbm4b:s28+s29], $0x280, $0x38;
	[tilespmem:$0x1E200] =	vst v63  }
0x40: {  	p1 =	sne.s32 s6, $0x2;
	s0 =	smul.u32 @!p0 $0xA00, s0;
	s1 =	simm.s32 @!p0 $0x2  }
0x41: {  	s31 =	simm.s32 @!p0 $0x1;
	s28 =	sshrl.u32 @!p0 s30, $0x2;
	_ =	swait.ge @!p0 [sflag:s1], $0x2800  }
0x42: {  	s0 =	sshrl.u32 @!p0 s0, $0x2;
	s30 =	simm.s32 @!p0 $0x280;
	[sflag:s1] =	ssyncset.done @!p0 $0x0  }
0x43: {  	s28 =	sadd.s32 @!p0 $0xA00, s28;
	s0 =	sadd.s32 @!p0 $0x500, s0;
	[sflag:s1] =	ssyncadd.s32 @!p0 $0xFFFFD800  }
0x44: {  	[spmem:s2] =	stream.indirect.scatter.add.bf16 @!p0 [tilespmem:s28], [sflag:$0x3], $0x10, s0, s30, $0xb8;
	[tilespmem:$0x1E200] =	vst v63  }
.Ltmp0:
0x45: {  	_ =	swait.ge @!p0 [sflag:s31], $0x280;
	(pc) =	sbr.rel @!p1 .LBB2_3-.Ltmp0, $4  }
0x46: {  	s0 =	smul.u32 @!p0 $0xA000, s22;
	[sflag:s31] =	ssyncset.done @!p0 $0x0  }
0x47: {  	s29 =	smov.u32 s16;
	s1 =	smul.u32 @!p0 $0xA00, s22;
	[sflag:s31] =	ssyncadd.s32 @!p0 $0xFFFFFD80  }
0x48: {  	s28 =	simm.s32 $0x2;
	s0 =	sshrl.u32 @!p0 s0, $0x2;
	_ =	swait.ge @!p0 [sflag:s31], $0x280  }
0x49: {  	s1 =	sshrl.u32 @!p0 s1, $0x2;
	s0 =	sadd.s32 @!p0 $0xA00, s0;
	[sflag:s31] =	ssyncset.done @!p0 $0x0  }
.LBB2_2:
0x4a: {  	[sflag:s31] =	ssyncadd.s32 @!p0 $0xFFFFFD80  }
0x4b: {  	s29 =	sadd.s32 $0x280, s29;
	s22 =	smov.u32 s28;
	s28 =	sadd.s32 $0x1, s28  }
0x4c: {  	[tilespmem:s0], [sflag:$0x2] =	stream.indirect.gather @!p0 [hbm4b:s7+s30], $0x10, s1, s30, $0xb8;
	[tilespmem:$0x1E200] =	vst v63  }
0x4d: {  	s0 =	sand.u32 $0x1, s22;
	p0 =	sge.u32 s28, s6;
	_ =	swait.ge [sflag:s25], $0x2800  }
0x4e: {  	s1 =	simm.s32 @p0 $0x280;
	s22 =	sxor.u32 @!p0 $0x1, s0;
	[sflag:s25] =	ssyncset.done $0x0  }
0x4f: {  	s30 =	smul.u32 @p0 $0xA000, s0;
	s31 =	simm.s32 @p0 $0x2;
	[sflag:s25] =	ssyncadd.s32 $0xFFFFD800  }
0x50: {  	s24 =	smul.u32 @p0 $0xA00, s0;
	s8 =	simm.s32 @!p0 $0x0;
	_ =	swait.ge @p0 [sflag:s31], $0x2800  }
0x51: {  	s10 =	smul.u32 @!p0 $0x280, s22;
	s30 =	sshrl.u32 @p0 s30, $0x2;
	[sflag:s31] =	ssyncset.done @p0 $0x0  }
0x52: {  	s11 =	sshrl.u32 @!p0 s29, $0x3;
	s24 =	sshrl.u32 @p0 s24, $0x2;
	s30 =	sadd.s32 @p0 $0xA00, s30  }
0x53: {  	s24 =	sadd.s32 @p0 $0x500, s24;
	[sflag:s31] =	ssyncadd.s32 @p0 $0xFFFFD800;
	s31 =	sadd.s32 @!p0 s4, s11  }
0x54: {  	[spmem:s2] =	stream.indirect.scatter.add.bf16 @p0 [tilespmem:s30], [sflag:$0x3], $0x10, s24, s1, $0xb8;
	[tilespmem:$0x1E200] =	vst v63  }
0x55: {  	s11 =	sadd.s32 @!p0 s5, s11;
	s1 =	sadd.s32 @!p0 $0x500, s10;
	s24 =	smul.u32 @!p0 $0xA000, s0  }
0x56: {  	[tilespmem:s10], [sflag:$0x1] =	stream.linear.gather @!p0 [hbm4b:s31+s8], $0x280, $0x38;
	[tilespmem:$0x1E200] =	vst v63  }
0x57: {  	s0 =	smul.u32 @!p0 $0xA00, s0;
	s10 =	sshrl.u32 @!p0 s24, $0x2;
	s24 =	simm.s32 @!p0 $0x2  }
0x58: {  	[tilespmem:s1], [sflag:$0x1] =	stream.linear.gather @!p0 [hbm4b:s11+s8], $0x280, $0x38;
	[tilespmem:$0x1E200] =	vst v63  }
0x59: {  	s0 =	sshrl.u32 @!p0 s0, $0x2;
	s1 =	sadd.s32 @!p0 $0xA00, s10;
	_ =	swait.ge @!p0 [sflag:s24], $0x2800  }
0x5a: {  	s30 =	simm.s32 @!p0 $0x280;
	s0 =	sadd.s32 @!p0 $0x500, s0;
	[sflag:s24] =	ssyncset.done @!p0 $0x0  }
0x5b: {  	s31 =	simm.s32 @!p0 $0x1;
	s8 =	smul.u32 @!p0 $0xA000, s22;
	[sflag:s24] =	ssyncadd.s32 @!p0 $0xFFFFD800  }
0x5c: {  	[spmem:s2] =	stream.indirect.scatter.add.bf16 @!p0 [tilespmem:s1], [sflag:$0x3], $0x10, s0, s30, $0xb8;
	[tilespmem:$0x1E200] =	vst v63  }
0x5d: {  	p1 =	sne.s32 s6, s28;
	s1 =	smul.u32 @!p0 $0xA00, s22  }
.Ltmp1:
0x5e: {  	s0 =	sshrl.u32 @!p0 s8, $0x2;
	_ =	swait.ge @!p0 [sflag:s31], $0x280;
	(pc) =	sbr.rel @p1 .LBB2_2-.Ltmp1, $4  }
0x5f: {  	s0 =	sadd.s32 @!p0 $0xA00, s0;
	[sflag:s31] =	ssyncset.done @!p0 $0x0  }
0x60: {  	s1 =	sshrl.u32 @!p0 s1, $0x2;
	[sflag:s31] =	ssyncadd.s32 @!p0 $0xFFFFFD80  }
0x61: {  	_ =	swait.ge @!p0 [sflag:s31], $0x280  }
0x62: {  	[sflag:s31] =	ssyncset.done @!p0 $0x0  }
.LBB2_3:
0x63: {  	[sflag:s31] =	ssyncadd.s32 @!p0 $0xFFFFFD80  }
0x64: {  	[tilespmem:s0], [sflag:$0x2] =	stream.indirect.gather @!p0 [hbm4b:s7+s30], $0x10, s1, s30, $0xb8;
	[tilespmem:$0x1E200] =	vst v63  }
0x65: {  	_ =	swait.ge [sflag:s25], $0x2800  }
0x66: {  	s26 =	sadd.s32 $0x1, s26;
	[sflag:s25] =	ssyncset.done $0x0  }
0x67: {  	p0 =	sne.s32 s26, s13;
	[sflag:s25] =	ssyncadd.s32 $0xFFFFD800  }
.Ltmp2:
0x68: {  	[bflag:$0x0] =	sbarrier.arrive $0xFFFF;
	(pc) =	sbr.rel @p0 .LBB2_1-.Ltmp2, $4  }
0x69: {  	[hbm:s12], [sflag:s9] =	dma.local [spmem:s17], $0x3100  }
0x6a: {  	_ =	swait.ge [sflag:s18], $0x3100  }
0x6b: {  	[sflag:s18] =	ssyncset.done $0x0  }
0x6c: {  	[sflag:s18] =	ssyncadd.s32 $0xFFFFCF00  }
0x6d: {  	_ =	sfence.sel $0x180000  }
0x6e: {  	[bflag:$0x0] =	sbarrier.arrive $0xFFFF  }
0x6f: {  	_ =	strace $0x90000050  }
0x70: {  	s0 =	stileid.u32;
	[bflag:$0x2] =	sbarrier.arrive $0xFFFF  }
0x71: {  	p0 =	sne.s32 s0, $0x0;
	s0 =	rddreg [dreg:$0x2]  }
0x72: {  	s0 =	sadd.s32 @!p0 $0x100000, s0  }
0x73: {  	[sflag:s0] =	ssyncadd.tile.s32 @!p0 $0x1;
	_ =	shalt  }
.Lfunc_end2:
_tile_overlayer_lowered:
.L_overlay_start_2:
0x74: {  	(tag) =	ssettag $0x2  }
0x75: {  	s0 =	rddreg [dreg:$0x0];
	s2 =	stileid.u32  }
0x76: {  	s1 =	rddreg [dreg:$0x1];
	p0 =	sne.s32 s2, $0x0  }
0x77: {  	s3 =	rddreg [dreg:$0x2];
	[bflag:$0x3] =	sbarrier.arrive $0xFFFF;
	s2 =	simm.s32 @!p0 $0x1C04  }
0x78: {  	[timem:s3], [sflag:s2] =	dma.local @!p0 [hbm:s0], s1  }
0x79: {  	s0 =	simm.s32 @!p0 $0x4  }
0x7a: {  	_ =	swait.ge @!p0 [sflag:s0], s1  }
0x7b: {  	s1 =	ssub.s32 @!p0 $0x0, s1;
	[sflag:s0] =	ssyncset.done @!p0 $0x0  }
0x7c: {  	[sflag:s0] =	ssyncadd.s32 @!p0 s1  }
0x7d: {  	[bflag:$0x3] =	sbarrier.arrive $0xFFFF  }
0x7e: {  	_ =	shalt  }

// kernel: kernel.19.cloned.1.call-start
scs
__scs_entry_jumppad:
0x0: {  	(pc) =	sbr.rel $0x88, $3  }
0x1: {  	(tag) =	ssettag $0x0;
	lr =	simm.s32 $0x1  }
0x2: {  	[smem:$0x3F90] =	sst lr;
	_ =	strace $0xD0000000  }
0x3: {  	_ = 	snop  }
0x4: {  	_ = 	snop  }
0x5: {  	_ = 	snop  }
0x6: {  	_ = 	snop  }
0x7: {  	_ = 	snop  }
__scs_overlays_trampoline_lowered:
0x8: {  	[smem:$0x3F9F] =	sst s0  }
0x9: {  	[smem:$0x3FA0] =	sst s1  }
0xa: {  	[smem:$0x3FA1] =	sst s2  }
0xb: {  	[smem:$0x3FA2] =	sst s3  }
0xc: {  	[smem:$0x3FA3] =	sst s4  }
0xd: {  	[smem:$0x3FA4] =	sst s5  }
0xe: {  	[smem:$0x3FA5] =	sst s6  }
0xf: {  	[smem:$0x3FA6] =	sst s7  }
0x10: {  	[smem:$0x3FA7] =	sst s8  }
0x11: {  	[smem:$0x3FA8] =	sst s9;
	s0 =	simm.s32 @!p0 $0x0  }
0x12: {  	s1 =	sld [smem:$0x3F8E];
	s0 =	simm.s32 @p0 $0x1  }
0x13: {  	[smem:$0x3FA9] =	sst s0;
	s0 =	simm.s32 @!p1 $0x0  }
0x14: {  	s2 =	sld [smem:$0x3F8D];
	s0 =	simm.s32 @p1 $0x1  }
0x15: {  	[smem:$0x3FAA] =	sst s0;
	s0 =	simm.s32 @!p2 $0x0  }
0x16: {  	s3 =	sld [smem:$0x3FDB];
	s0 =	simm.s32 @p2 $0x1  }
0x17: {  	s4 =	simm.s32 $0x1BF5;
	[smem:$0x3FAC] =	sst s0  }
0x18: {  	s0 =	sld [smem:$0x3F8F];
	_ =	swait.ge [sflag:s4], $0x0  }
0x19: {  	s7 =	sld [smem:$0x3F90]  }
0x1a: {  	s8 =	sadd.s32 $0xFFFFE003, lr  }
0x1b: {  	s9 =	sadd.s32 $0xFFFFFEF7, lr;
	s5 =	simm.s32 $0xFFFFFFFF;
	p2 =	slt.u32 s8, $0xFFFFF086  }
0x1c: {  	p1 =	slt.u32 s9, $0xF7A;
	s5 =	simm.s32 @!p2 $0x0  }
0x1d: {  	s5 =	simm.s32 @p1 $0x1;
	p0 =	seq.s32 s7, s2  }
0x1e: {  	s7 =	smul.u32 @!p0 $0xF7A, s2;
	p2 =	seq.s32 @!p0 s5, $0x0  }
0x1f: {  	s9 =	smul.u32 $0xF7A, s1;
	s8 =	simm.s32 @!p0 $0x1BF5;
	p2 =	por !p2, p0  }
0x20: {  	[sflag:s8] =	ssyncset.s32 @!p0 $0xFFFFF086;
	s6 =	sadd.s32 @!p0 s3, s7;
	s7 =	simm.s32 @!p0 $0x108  }
0x21: {  	s3 =	sadd.s32 s3, s9;
	s6 =	sadd.s32 @!p0 $0x88, s6;
	s7 =	simm.s32 @p2 $0x1082  }
0x22: {  	[simem:s7], [sflag:s8] =	dma.local @!p0 [hbm:s6], $0xF7A  }
0x23: {  	s9 =	sor.u32 $0xD0000000, s2;
	s6 =	simm.s32 $0x108;
	_ =	swait.ge @!p0 [sflag:s8], $0x0  }
0x24: {  	s3 =	sadd.s32 $0x88, s3;
	s6 =	simm.s32 @!p1 $0x1082;
	[sflag:s4] =	ssyncset.s32 $0xFFFFF086  }
0x25: {  	[simem:s6], [sflag:s4] =	dma.local [hbm:s3], $0xF7A  }
0x26: {  	[smem:$0x3F90] =	sst s1;
	(tag) =	ssettag s2;
	_ =	strace s9  }
0x27: {  	s1 =	sld [smem:$0x3FA0]  }
0x28: {  	s2 =	sld [smem:$0x3FA1]  }
0x29: {  	s4 =	sld [smem:$0x3FA3]  }
0x2a: {  	p0 =	seq.s32 s5, $0x0;
	s5 =	sld [smem:$0x3FA4]  }
0x2b: {  	s6 =	sld [smem:$0x3FA5]  }
0x2c: {  	s7 =	sld [smem:$0x3FA6]  }
0x2d: {  	s3 =	simm.s32 $0x108;
	s8 =	sld [smem:$0x3FA7]  }
0x2e: {  	s3 =	simm.s32 @!p0 $0x1082;
	s9 =	sld [smem:$0x3FA8]  }
0x2f: {  	lr =	sadd.s32 s0, s3;
	s0 =	sld [smem:$0x3F9F]  }
0x30: {  	s3 =	sld [smem:$0x3FA2]  }
0x31: {  	[smem:$0x3FAB] =	sst s10  }
0x32: {  	s10 =	sld [smem:$0x3FA9];
	_ =	sdelay $0x3  }
0x33: {  	p0 =	seq.s32 s10, $0x1;
	s10 =	sld [smem:$0x3FAB];
	_ =	sdelay $0x3  }
0x34: {  	[smem:$0x3FAB] =	sst s10  }
0x35: {  	s10 =	sld [smem:$0x3FAA];
	_ =	sdelay $0x3  }
0x36: {  	p1 =	seq.s32 s10, $0x1;
	s10 =	sld [smem:$0x3FAB];
	_ =	sdelay $0x3  }
0x37: {  	[smem:$0x3FAB] =	sst s10  }
0x38: {  	s10 =	sld [smem:$0x3FAC]  }
0x39: {  	_ = 	snop;
	(pc) =	sbr.ind lr, $3  }
0x3a: {  	_ = 	snop  }
0x3b: {  	_ = 	snop  }
0x3c: {  	p2 =	seq.s32 s10, $0x1;
	s10 =	sld [smem:$0x3FAB]  }
0x3d: {  	_ =	shalt  }
0x3e: {  	_ =	shalt  }
0x3f: {  	_ =	shalt  }
0x40: {  	_ =	shalt  }
0x41: {  	_ =	shalt  }
0x42: {  	_ =	shalt  }
0x43: {  	_ =	shalt  }
0x44: {  	_ =	shalt  }
0x45: {  	_ =	shalt  }
0x46: {  	_ =	shalt  }
0x47: {  	_ =	shalt  }
0x48: {  	_ =	shalt  }
0x49: {  	_ =	shalt  }
0x4a: {  	_ =	shalt  }
0x4b: {  	_ =	shalt  }
0x4c: {  	_ =	shalt  }
0x4d: {  	_ =	shalt  }
0x4e: {  	_ =	shalt  }
0x4f: {  	_ =	shalt  }
0x50: {  	_ =	shalt  }
0x51: {  	_ =	shalt  }
0x52: {  	_ =	shalt  }
0x53: {  	_ =	shalt  }
0x54: {  	_ =	shalt  }
0x55: {  	_ =	shalt  }
0x56: {  	_ =	shalt  }
0x57: {  	_ =	shalt  }
0x58: {  	_ =	shalt  }
0x59: {  	_ =	shalt  }
0x5a: {  	_ =	shalt  }
0x5b: {  	_ =	shalt  }
0x5c: {  	_ =	shalt  }
0x5d: {  	_ =	shalt  }
0x5e: {  	_ =	shalt  }
0x5f: {  	_ =	shalt  }
0x60: {  	_ =	shalt  }
0x61: {  	_ =	shalt  }
0x62: {  	_ =	shalt  }
0x63: {  	_ =	shalt  }
0x64: {  	_ =	shalt  }
0x65: {  	_ =	shalt  }
0x66: {  	_ =	shalt  }
0x67: {  	_ =	shalt  }
0x68: {  	_ =	shalt  }
0x69: {  	_ =	shalt  }
0x6a: {  	_ =	shalt  }
0x6b: {  	_ =	shalt  }
0x6c: {  	_ =	shalt  }
0x6d: {  	_ =	shalt  }
0x6e: {  	_ =	shalt  }
0x6f: {  	_ =	shalt  }
0x70: {  	_ =	shalt  }
0x71: {  	_ =	shalt  }
0x72: {  	_ =	shalt  }
0x73: {  	_ =	shalt  }
0x74: {  	_ =	shalt  }
0x75: {  	_ =	shalt  }
0x76: {  	_ =	shalt  }
0x77: {  	_ =	shalt  }
0x78: {  	_ =	shalt  }
0x79: {  	_ =	shalt  }
0x7a: {  	_ =	shalt  }
0x7b: {  	_ =	shalt  }
0x7c: {  	_ =	shalt  }
0x7d: {  	_ =	shalt  }
0x7e: {  	_ =	shalt  }
0x7f: {  	_ =	shalt  }
0x80: {  	_ =	shalt  }
0x81: {  	_ =	shalt  }
0x82: {  	_ =	shalt  }
0x83: {  	_ =	shalt  }
0x84: {  	_ =	shalt  }
0x85: {  	_ =	shalt  }
0x86: {  	_ =	shalt  }
0x87: {  	_ =	shalt  }
.Lfunc_end0:
.L_simem_size_0:
called_computation.3_lowered:
.L_overlay_start_0:
0x88: {  	s2 =	sld [smem:$0x3FD9]  }
0x89: {  	s3 =	sld [smem:$0x3FFE];
	_ =	sdelay $0x1  }
0x8a: {  	s1 =	srdreg.scid  }
0x8b: {  	s0 =	sand.u32 $0x1, s1  }
0x8c: {  	s16 =	sshll.u32 s0, $0xA;
	s2 =	sadd.s32 s3, s2  }
0x8d: {  	s2 =	sadd.s32 s2, s16  }
0x8e: {  	[smem:$0x3FB7] =	sst s2  }
0x8f: {  	_ = 	snop  }
0x90: {  	(tm) =	ssettm $0x1  }
0x91: {  	s17 =	sld [smem:$0x3FFB];
	_ =	sdelay $0x3  }
0x92: {  	_ =	strace s17  }
0x93: {  	s2 =	sld [smem:$0x3FFC];
	_ =	sdelay $0x3  }
0x94: {  	_ =	strace s2  }
0x95: {  	s2 =	sld [smem:$0x3FFD];
	_ =	sdelay $0x3  }
0x96: {  	_ =	strace s2  }
0x97: {  	_ =	strace $0x8FFFFFFF  }
0x98: {  	s18 =	sld [smem:$0x3FDB];
	_ =	sdelay $0x1  }
0x99: {  	s19 =	simm.s32 $_scs_section_size  }
0x9a: {  	s4 =	simm.s32 $_size__tile_overlayer_lowered;
	s5 =	simm.s32 $_tile_overlayer_lowered  }
0x9b: {  	s22 =	simm.s32 $0x1BFF;
	s21 =	sshll.u32 s5, $0x1;
	s2 =	sadd.s32 s19, s18  }
0x9c: {  	s6 =	simm.s32 $0x0;
	s20 =	sshll.u32 s4, $0x1;
	s4 =	sadd.s32 s21, s2  }
0x9d: {  	[timem:s6], [sflag:s22] =	dma.local [hbm:s4], s20  }
0x9e: {  	_ =	swait.ge [sflag:s22], s20  }
0x9f: {  	s3 =	ssub.s32 $0x0, s20;
	[sflag:s22] =	ssyncset.done $0x0  }
0xa0: {  	[sflag:s22] =	ssyncadd.s32 s3;
	_ =	sdelay $0x1  }
0xa1: {  	s23 =	simm.s32 $0x1B8B  }
0xa2: {  	_ =	swait.ge [sflag:s23], $0x1  }
0xa3: {  	[sflag:s23] =	ssyncset.done $0x0  }
0xa4: {  	s25 =	simm.s32 $0x1B8E;
	s24 =	sld [smem:$0x3FFE];
	[sflag:s23] =	ssyncadd.s32 $0xFFFFFFFF  }
0xa5: {  	s26 =	simm.s32 $execute0_lowered;
	[smem:$0x3FD2] =	sst s25  }
0xa6: {  	s4 =	sshll.u32 s26, $0x1;
	_ =	strace $0x8000004C;
	[dreg:$0x1] =	wrdreg $0xFFFFFFFF  }
0xa7: {  	s28 =	simm.s32 $_size_execute0_lowered;
	s2 =	sadd.s32 s2, s4;
	[dreg:$0x0] =	wrdreg $0x0  }
0xa8: {  	s4 =	sshll.u32 s28, $0x1;
	[dreg:$0x2] =	wrdreg s2  }
0xa9: {  	[dreg:$0x3] =	wrdreg s4  }
0xaa: {  	[dreg:$0x4] =	wrdreg $0xC0  }
0xab: {  	_ =	task [dreg:s6], $0x5FFFF  }
0xac: {  	[dreg:$0x1] =	wrdreg $0xFFFFFFFF  }
0xad: {  	[dreg:$0x0] =	wrdreg $0x60  }
0xae: {  	[dreg:$0x2] =	wrdreg s24  }
0xaf: {  	[dreg:$0x3] =	wrdreg $0x5A000  }
0xb0: {  	[dreg:$0x4] =	wrdreg $0xA  }
0xb1: {  	_ =	task.clear_ibuf [dreg:s6], $0x5FFFF;
	_ =	strace $0x9000004C  }
0xb2: {  	s29 =	simm.s32 $0xA;
	_ =	strace $0x8000004E  }
0xb3: {  	_ =	swait.ge [sflag:s29], $0x1  }
0xb4: {  	[sflag:s29] =	ssyncadd.s32 $0xFFFFFFFF  }
0xb5: {  	_ =	strace $0x9000004E  }
0xb6: {  	_ =	sfence  }
0xb7: {  	s30 =	sld [smem:$0x0];
	_ =	sdelay $0x2  }
0xb8: {  	s31 =	sshll.u32 s1, $0xD;
	s1 =	sshrl.u32 s1, $0x2  }
0xb9: {  	s3 =	sand.u32 $0x4000, s31;
	s1 =	sadd.s32 s1, s30  }
0xba: {  	s0 =	sor.u32 s3, s0;
	s1 =	sshll.u32 s1, $0x11  }
0xbb: {  	s0 =	sor.u32 s1, s0  }
0xbc: {  	s0 =	sadd.s32 $0x8F2B, s0  }
0xbd: {  	[sflag:s0] =	ssyncadd.remote.s32 $0x1  }
0xbe: {  	_ =	sfence.sel $0xFFFF  }
0xbf: {  	[dreg:$0x0] =	wrdreg $0xFFFFFFFF;
	(pc) =	sbr.abs _section_cstart, $3  }
0xc0: {  	[dreg:$0x1] =	wrdreg $0xFFFFFFFF  }
0xc1: {  	_ =	task.clear_ibuf [dreg:s6], $0x2FFFF;
	_ =	strace $0x9FFFFFFF  }
0xc2: {  	(tm) =	ssettm $0x7FFFFFFF  }
0xc3: {  	_ =	shalt  }
tec
execute0_lowered:
.L_overlay_start_1:
0x0: {  	(tag) =	ssettag $0x1  }
0x1: {  	s0 =	rddreg [dreg:$0x0]  }
0x2: {  	s2 =	rddreg [dreg:$0x1];
	s3 =	simm.s32 $0x0  }
0x3: {  	s14 =	stileid.u32;
	s1 =	srdreg.scid;
	s6 =	simm.s32 $0x121  }
0x4: {  	s18 =	simm.s32 $0x4;
	s19 =	simm.s32 $0x500;
	s20 =	simm.s32 $0x280  }
0x5: {  	s21 =	simm.s32 $0xA00;
	s23 =	simm.s32 $0x2;
	[smem:$0x7FF] =	sst s3  }
0x6: {  	s8 =	smul.u32 $0x31000, s14;
	s1 =	sand.u32 $0x1, s1;
	s4 =	sadd.s32 $0xCC400, s0  }
0x7: {  	s5 =	sadd.s32 $0x68400, s0;
	s7 =	sadd.s32 $0x6400, s0;
	s26 =	sshll.u32 s14, $0x6  }
0x8: {  	_ =	strace $0x8000004D;
	s9 =	smul.u32 $0x310000, s1;
	p0 =	seq.s32 s1, $0x0  }
0x9: {  	s25 =	ssub.s32 $0x2, s1;
	s1 =	ssub.s32 $0x0, s1;
	s6 =	simm.s32 @!p0 $0x1F  }
0xa: {  	s10 =	sshrl.u32 s8, $0x4;
	s12 =	sshrl.u32 s25, $0x1;
	s1 =	sand.u32 $0x2D2800, s1  }
0xb: {  	s9 =	sadd.s32 s8, s9;
	s11 =	smul.u32 s6, s14;
	s10 =	sadd.s32 s10, s0  }
0xc: {  	s13 =	ssub.s32 s25, s12;
	s8 =	sshrl.u32 s8, $0x1;
	s25 =	simm.s32 $0x3  }
0xd: {  	s9 =	sshrl.u32 s9, $0x4;
	s17 =	sadd.s32 s8, s2;
	s11 =	smul.u32 $0x280, s11  }
0xe: {  	s28 =	sadd.s32 $0x37400, s10;
	s13 =	smax.u32 s13, $0x1;
	s0 =	sadd.s32 s9, s0  }
0xf: {  	[dreg:$0x3] =	wrdreg s28;
	s9 =	sor.u32 $0x1C04, s26;
	s1 =	sadd.s32 s1, s11  }
0x10: {  	s17 =	sshrl.u32 s17, $0x3;
	s26 =	simm.s32 $0x0;
	s29 =	sshrl.u32 s1, $0x3  }
0x11: {  	s12 =	sadd.s32 $0x192400, s0;
	s16 =	sadd.s32 $0x500, s1;
	s30 =	sadd.s32 s4, s29  }
0x12: {  	s31 =	sadd.s32 s5, s29;
	s15 =	sadd.s32 $0x50, s29;
	[dreg:$0x4] =	wrdreg s30  }
0x13: {  	[dreg:$0x5] =	wrdreg s31;
	s14 =	sadd.s32 s4, s15;
	s15 =	sadd.s32 s5, s15  }
.LBB2_1:
0x14: {  	s0 =	rddreg [dreg:$0x3]  }
0x15: {  	[spmem:s17], [sflag:s9] =	dma.local [hbm:s0], $0x3100  }
0x16: {  	_ =	swait.ge [sflag:s18], $0x3100  }
0x17: {  	[sflag:s18] =	ssyncset.done $0x0  }
0x18: {  	[sflag:s18] =	ssyncadd.s32 $0xFFFFCF00  }
0x19: {  	[bflag:$0x0] =	sbarrier.arrive $0xFFFF  }
0x1a: {  	s10 =	rddreg [dreg:$0x4]  }
0x1b: {  	[tilespmem:s3], [sflag:$0x1] =	stream.linear.gather [hbm4b:s10+s3], $0x280, $0x38;
	[tilespmem:$0x1E200] =	vst v63  }
0x1c: {  	s22 =	simm.s32 $0x1;
	s11 =	rddreg [dreg:$0x5]  }
0x1d: {  	[tilespmem:s19], [sflag:$0x1] =	stream.linear.gather [hbm4b:s11+s3], $0x280, $0x38;
	[tilespmem:$0x1E200] =	vst v63  }
0x1e: {  	_ =	swait.ge [sflag:s22], $0x280  }
0x1f: {  	[sflag:s22] =	ssyncset.done $0x0  }
0x20: {  	[sflag:s22] =	ssyncadd.s32 $0xFFFFFD80  }
0x21: {  	_ =	swait.ge [sflag:s22], $0x280  }
0x22: {  	[sflag:s22] =	ssyncset.done $0x0  }
0x23: {  	[sflag:s22] =	ssyncadd.s32 $0xFFFFFD80  }
0x24: {  	[tilespmem:s21], [sflag:$0x2] =	stream.indirect.gather [hbm4b:s7+s20], $0x10, s3, s20, $0xb8;
	[tilespmem:$0x1E200] =	vst v63  }
0x25: {  	_ = 	snop  }
0x26: {  	[tilespmem:s20], [sflag:$0x1] =	stream.linear.gather [hbm4b:s14+s3], $0x280, $0x38;
	[tilespmem:$0x1E200] =	vst v63  }
0x27: {  	s1 =	simm.s32 $0x780  }
0x28: {  	[tilespmem:s1], [sflag:$0x1] =	stream.linear.gather [hbm4b:s15+s3], $0x280, $0x38;
	[tilespmem:$0x1E200] =	vst v63  }
0x29: {  	_ =	swait.ge [sflag:s23], $0x2800  }
0x2a: {  	[sflag:s23] =	ssyncset.done $0x0  }
0x2b: {  	[sflag:s23] =	ssyncadd.s32 $0xFFFFD800  }
0x2c: {  	[spmem:s2] =	stream.indirect.scatter.add.bf16 [tilespmem:s21], [sflag:$0x3], $0x10, s19, s20, $0xb8;
	[tilespmem:$0x1E200] =	vst v63  }
0x2d: {  	_ =	swait.ge [sflag:s22], $0x280  }
0x2e: {  	[sflag:s22] =	ssyncset.done $0x0  }
0x2f: {  	[sflag:s22] =	ssyncadd.s32 $0xFFFFFD80  }
0x30: {  	_ =	swait.ge [sflag:s22], $0x280  }
0x31: {  	[sflag:s22] =	ssyncset.done $0x0  }
0x32: {  	s24 =	simm.s32 $0x3200;
	[sflag:s22] =	ssyncadd.s32 $0xFFFFFD80  }
0x33: {  	[tilespmem:s24], [sflag:$0x2] =	stream.indirect.gather [hbm4b:s7+s20], $0x10, s20, s20, $0xb8;
	[tilespmem:$0x1E200] =	vst v63  }
0x34: {  	p0 =	sle.u32 s6, $0x2;
	s0 =	sand.u32 $0x1, s22;
	_ =	swait.ge [sflag:s25], $0x2800  }
0x35: {  	s1 =	smul.u32 @p0 $0xA000, s0;
	[sflag:s25] =	ssyncset.done $0x0  }
0x36: {  	s28 =	simm.s32 @p0 $0x2;
	s29 =	smul.u32 @p0 $0xA00, s0;
	[sflag:s25] =	ssyncadd.s32 $0xFFFFD800  }
0x37: {  	s30 =	simm.s32 @p0 $0x280;
	s1 =	sshrl.u32 @p0 s1, $0x2;
	_ =	swait.ge @p0 [sflag:s28], $0x2800  }
0x38: {  	s29 =	sshrl.u32 @p0 s29, $0x2;
	s1 =	sadd.s32 @p0 $0xA00, s1;
	[sflag:s28] =	ssyncset.done @p0 $0x0  }
0x39: {  	s22 =	sxor.u32 @!p0 $0x1, s0;
	[sflag:s28] =	ssyncadd.s32 @p0 $0xFFFFD800;
	s28 =	sadd.s32 @p0 $0x500, s29  }
0x3a: {  	[spmem:s2] =	stream.indirect.scatter.add.bf16 @p0 [tilespmem:s1], [sflag:$0x3], $0x10, s28, s30, $0xb8;
	[tilespmem:$0x1E200] =	vst v63  }
0x3b: {  	s1 =	smul.u32 @!p0 $0x280, s22;
	s28 =	sshrl.u32 @!p0 s16, $0x3  }
0x3c: {  	s29 =	simm.s32 @!p0 $0x0;
	s30 =	sadd.s32 @!p0 s4, s28  }
0x3d: {  	[tilespmem:s1], [sflag:$0x1] =	stream.linear.gather @!p0 [hbm4b:s30+s29], $0x280, $0x38;
	[tilespmem:$0x1E200] =	vst v63  }
0x3e: {  	s28 =	sadd.s32 @!p0 s5, s28;
	s30 =	smul.u32 @!p0 $0xA000, s0;
	s1 =	sadd.s32 @!p0 $0x500, s1  }
0x3f: {  	[tilespmem:s1], [sflag:$0x1] =	stream.linear.gather @!p0 [hbm4b:s28+s29], $0x280, $0x38;
	[tilespmem:$0x1E200] =	vst v63  }
0x40: {  	p1 =	sne.s32 s6, $0x2;
	s0 =	smul.u32 @!p0 $0xA00, s0;
	s1 =	simm.s32 @!p0 $0x2  }
0x41: {  	s31 =	simm.s32 @!p0 $0x1;
	s28 =	sshrl.u32 @!p0 s30, $0x2;
	_ =	swait.ge @!p0 [sflag:s1], $0x2800  }
0x42: {  	s0 =	sshrl.u32 @!p0 s0, $0x2;
	s30 =	simm.s32 @!p0 $0x280;
	[sflag:s1] =	ssyncset.done @!p0 $0x0  }
0x43: {  	s28 =	sadd.s32 @!p0 $0xA00, s28;
	s0 =	sadd.s32 @!p0 $0x500, s0;
	[sflag:s1] =	ssyncadd.s32 @!p0 $0xFFFFD800  }
0x44: {  	[spmem:s2] =	stream.indirect.scatter.add.bf16 @!p0 [tilespmem:s28], [sflag:$0x3], $0x10, s0, s30, $0xb8;
	[tilespmem:$0x1E200] =	vst v63  }
.Ltmp0:
0x45: {  	_ =	swait.ge @!p0 [sflag:s31], $0x280;
	(pc) =	sbr.rel @!p1 .LBB2_3-.Ltmp0, $4  }
0x46: {  	s0 =	smul.u32 @!p0 $0xA000, s22;
	[sflag:s31] =	ssyncset.done @!p0 $0x0  }
0x47: {  	s29 =	smov.u32 s16;
	s1 =	smul.u32 @!p0 $0xA00, s22;
	[sflag:s31] =	ssyncadd.s32 @!p0 $0xFFFFFD80  }
0x48: {  	s28 =	simm.s32 $0x2;
	s0 =	sshrl.u32 @!p0 s0, $0x2;
	_ =	swait.ge @!p0 [sflag:s31], $0x280  }
0x49: {  	s1 =	sshrl.u32 @!p0 s1, $0x2;
	s0 =	sadd.s32 @!p0 $0xA00, s0;
	[sflag:s31] =	ssyncset.done @!p0 $0x0  }
.LBB2_2:
0x4a: {  	[sflag:s31] =	ssyncadd.s32 @!p0 $0xFFFFFD80  }
0x4b: {  	s29 =	sadd.s32 $0x280, s29;
	s22 =	smov.u32 s28;
	s28 =	sadd.s32 $0x1, s28  }
0x4c: {  	[tilespmem:s0], [sflag:$0x2] =	stream.indirect.gather @!p0 [hbm4b:s7+s30], $0x10, s1, s30, $0xb8;
	[tilespmem:$0x1E200] =	vst v63  }
0x4d: {  	s0 =	sand.u32 $0x1, s22;
	p0 =	sge.u32 s28, s6;
	_ =	swait.ge [sflag:s25], $0x2800  }
0x4e: {  	s1 =	simm.s32 @p0 $0x280;
	s22 =	sxor.u32 @!p0 $0x1, s0;
	[sflag:s25] =	ssyncset.done $0x0  }
0x4f: {  	s30 =	smul.u32 @p0 $0xA000, s0;
	s31 =	simm.s32 @p0 $0x2;
	[sflag:s25] =	ssyncadd.s32 $0xFFFFD800  }
0x50: {  	s24 =	smul.u32 @p0 $0xA00, s0;
	s8 =	simm.s32 @!p0 $0x0;
	_ =	swait.ge @p0 [sflag:s31], $0x2800  }
0x51: {  	s10 =	smul.u32 @!p0 $0x280, s22;
	s30 =	sshrl.u32 @p0 s30, $0x2;
	[sflag:s31] =	ssyncset.done @p0 $0x0  }
0x52: {  	s11 =	sshrl.u32 @!p0 s29, $0x3;
	s24 =	sshrl.u32 @p0 s24, $0x2;
	s30 =	sadd.s32 @p0 $0xA00, s30  }
0x53: {  	s24 =	sadd.s32 @p0 $0x500, s24;
	[sflag:s31] =	ssyncadd.s32 @p0 $0xFFFFD800;
	s31 =	sadd.s32 @!p0 s4, s11  }
0x54: {  	[spmem:s2] =	stream.indirect.scatter.add.bf16 @p0 [tilespmem:s30], [sflag:$0x3], $0x10, s24, s1, $0xb8;
	[tilespmem:$0x1E200] =	vst v63  }
0x55: {  	s11 =	sadd.s32 @!p0 s5, s11;
	s1 =	sadd.s32 @!p0 $0x500, s10;
	s24 =	smul.u32 @!p0 $0xA000, s0  }
0x56: {  	[tilespmem:s10], [sflag:$0x1] =	stream.linear.gather @!p0 [hbm4b:s31+s8], $0x280, $0x38;
	[tilespmem:$0x1E200] =	vst v63  }
0x57: {  	s0 =	smul.u32 @!p0 $0xA00, s0;
	s10 =	sshrl.u32 @!p0 s24, $0x2;
	s24 =	simm.s32 @!p0 $0x2  }
0x58: {  	[tilespmem:s1], [sflag:$0x1] =	stream.linear.gather @!p0 [hbm4b:s11+s8], $0x280, $0x38;
	[tilespmem:$0x1E200] =	vst v63  }
0x59: {  	s0 =	sshrl.u32 @!p0 s0, $0x2;
	s1 =	sadd.s32 @!p0 $0xA00, s10;
	_ =	swait.ge @!p0 [sflag:s24], $0x2800  }
0x5a: {  	s30 =	simm.s32 @!p0 $0x280;
	s0 =	sadd.s32 @!p0 $0x500, s0;
	[sflag:s24] =	ssyncset.done @!p0 $0x0  }
0x5b: {  	s31 =	simm.s32 @!p0 $0x1;
	s8 =	smul.u32 @!p0 $0xA000, s22;
	[sflag:s24] =	ssyncadd.s32 @!p0 $0xFFFFD800  }
0x5c: {  	[spmem:s2] =	stream.indirect.scatter.add.bf16 @!p0 [tilespmem:s1], [sflag:$0x3], $0x10, s0, s30, $0xb8;
	[tilespmem:$0x1E200] =	vst v63  }
0x5d: {  	p1 =	sne.s32 s6, s28;
	s1 =	smul.u32 @!p0 $0xA00, s22  }
.Ltmp1:
0x5e: {  	s0 =	sshrl.u32 @!p0 s8, $0x2;
	_ =	swait.ge @!p0 [sflag:s31], $0x280;
	(pc) =	sbr.rel @p1 .LBB2_2-.Ltmp1, $4  }
0x5f: {  	s0 =	sadd.s32 @!p0 $0xA00, s0;
	[sflag:s31] =	ssyncset.done @!p0 $0x0  }
0x60: {  	s1 =	sshrl.u32 @!p0 s1, $0x2;
	[sflag:s31] =	ssyncadd.s32 @!p0 $0xFFFFFD80  }
0x61: {  	_ =	swait.ge @!p0 [sflag:s31], $0x280  }
0x62: {  	[sflag:s31] =	ssyncset.done @!p0 $0x0  }
.LBB2_3:
0x63: {  	[sflag:s31] =	ssyncadd.s32 @!p0 $0xFFFFFD80  }
0x64: {  	[tilespmem:s0], [sflag:$0x2] =	stream.indirect.gather @!p0 [hbm4b:s7+s30], $0x10, s1, s30, $0xb8;
	[tilespmem:$0x1E200] =	vst v63  }
0x65: {  	_ =	swait.ge [sflag:s25], $0x2800  }
0x66: {  	s26 =	sadd.s32 $0x1, s26;
	[sflag:s25] =	ssyncset.done $0x0  }
0x67: {  	p0 =	sne.s32 s26, s13;
	[sflag:s25] =	ssyncadd.s32 $0xFFFFD800  }
.Ltmp2:
0x68: {  	[bflag:$0x0] =	sbarrier.arrive $0xFFFF;
	(pc) =	sbr.rel @p0 .LBB2_1-.Ltmp2, $4  }
0x69: {  	[hbm:s12], [sflag:s9] =	dma.local [spmem:s17], $0x3100  }
0x6a: {  	_ =	swait.ge [sflag:s18], $0x3100  }
0x6b: {  	[sflag:s18] =	ssyncset.done $0x0  }
0x6c: {  	[sflag:s18] =	ssyncadd.s32 $0xFFFFCF00  }
0x6d: {  	_ =	sfence.sel $0x180000  }
0x6e: {  	[bflag:$0x0] =	sbarrier.arrive $0xFFFF  }
0x6f: {  	_ =	strace $0x9000004D  }
0x70: {  	s0 =	stileid.u32;
	[bflag:$0x2] =	sbarrier.arrive $0xFFFF  }
0x71: {  	p0 =	sne.s32 s0, $0x0;
	s0 =	rddreg [dreg:$0x2]  }
0x72: {  	s0 =	sadd.s32 @!p0 $0x100000, s0  }
0x73: {  	[sflag:s0] =	ssyncadd.tile.s32 @!p0 $0x1;
	_ =	shalt  }
.Lfunc_end2:
_tile_overlayer_lowered:
.L_overlay_start_2:
0x74: {  	(tag) =	ssettag $0x2  }
0x75: {  	s0 =	rddreg [dreg:$0x0];
	s2 =	stileid.u32  }
0x76: {  	s1 =	rddreg [dreg:$0x1];
	p0 =	sne.s32 s2, $0x0  }
0x77: {  	s3 =	rddreg [dreg:$0x2];
	[bflag:$0x3] =	sbarrier.arrive $0xFFFF;
	s2 =	simm.s32 @!p0 $0x1C04  }
0x78: {  	[timem:s3], [sflag:s2] =	dma.local @!p0 [hbm:s0], s1  }
0x79: {  	s0 =	simm.s32 @!p0 $0x4  }
0x7a: {  	_ =	swait.ge @!p0 [sflag:s0], s1  }
0x7b: {  	s1 =	ssub.s32 @!p0 $0x0, s1;
	[sflag:s0] =	ssyncset.done @!p0 $0x0  }
0x7c: {  	[sflag:s0] =	ssyncadd.s32 @!p0 s1  }
0x7d: {  	[bflag:$0x3] =	sbarrier.arrive $0xFFFF  }
0x7e: {  	_ =	shalt  }

</sc_bundles>
